<compile_context>
chip_gen: v7x
topology: tpu7x:2x2x1
jax: 0.10.2.dev20260603
libtpu: 0.0.44.dev20260713+nightly
codegen_flags: <defaults>
</compile_context>

<pallas_src>
import jax
import jax.numpy as jnp
from jax import lax
from jax.experimental import pallas as pl
from jax.experimental.pallas import tpu as pltpu
from jax.experimental.pallas import tpu_sc as plsc

B, L, D = 4096, 50, 128
TOTAL = B * L
NC, NS = 2, 16
NW = NC * NS
BSTRIPE = B // NW
CH = 64
CHUNKS = 2 * L
NBUF = 10
LG = 8


def _body(table_hbm, idx_hbm, out_hbm, idx_v, rows_v, *sems):
    sem_g = sems[:NBUF]
    sem_o = sems[NBUF:]
    wid = lax.axis_index("s") * NC + lax.axis_index("c")
    col0 = pl.multiple_of(wid * BSTRIPE, BSTRIPE)
    pltpu.sync_copy(idx_hbm.at[:, pl.ds(col0, BSTRIPE)], idx_v)

    def _idx(j):
        return idx_v.at[j // 2, pl.ds((j % 2) * CH, CH)]

    def _row(j):
        return pl.multiple_of((j // 2) * B + wid * BSTRIPE + (j % 2) * CH, CH)

    def start_gather(j, bb):
        pltpu.async_copy(table_hbm.at[_idx(j)], rows_v.at[bb], sem_g[bb])

    def wait_gather(j, bb):
        pltpu.make_async_copy(
            table_hbm.at[_idx(j)], rows_v.at[bb], sem_g[bb]).wait()

    def start_out(j, bb):
        pltpu.async_copy(
            rows_v.at[bb], out_hbm.at[pl.ds(_row(j), CH)], sem_o[bb])

    def wait_out(bb):
        row = pl.multiple_of(wid * BSTRIPE, CH)
        pltpu.make_async_copy(
            rows_v.at[bb], out_hbm.at[pl.ds(row, CH)], sem_o[bb]).wait()

    for bb in range(LG):
        start_gather(bb, bb)

    @pl.loop(0, CHUNKS, step=NBUF)
    def _block(g):
        for u in range(NBUF):
            j = g + u
            bm = (u + LG) % NBUF
            m = j + LG

            @pl.when(m >= NBUF)
            def _():
                wait_out(bm)

            @pl.when(m < CHUNKS)
            def _():
                start_gather(m, bm)

            wait_gather(j, u)
            start_out(j, u)

    for c in range(CHUNKS - (NBUF - LG), CHUNKS):
        wait_out(c % NBUF)


_mesh = plsc.VectorSubcoreMesh(core_axis_name="c", subcore_axis_name="s")

_gather = pl.kernel(
    _body,
    out_type=jax.ShapeDtypeStruct((TOTAL, D), jnp.float32),
    mesh=_mesh,
    compiler_params=pltpu.CompilerParams(use_tc_tiling_on_sc=True),
    scratch_types=[
        pltpu.VMEM((L, BSTRIPE), jnp.int32),
        pltpu.VMEM((NBUF, CH, D), jnp.float32),
    ] + [pltpu.SemaphoreType.DMA] * (2 * NBUF),
)


@jax.jit
def kernel(inputs, weight):
    out = _gather(weight, inputs.astype(jnp.int32).T)
    return out.reshape(L, B, D).transpose(1, 0, 2)

# --- scband reference (transcript-rebuilt; emitter-appended) ---
"""Pipeline reference for scband-embedding-65498251264525 (READ-ONLY COPY).

The authoritative reference and input builder live on the scoring server;
editing this copy changes nothing except your own understanding.
"""

import jax, jax.numpy as jnp
import numpy as np

NUM_EMBEDDING = 100000
EMBEDDING_DIM = 128
BATCH = 4096
HIST_LEN = 50

def setup_inputs(seed: int = 0) -> dict:
    key = jax.random.key(seed)
    k_idx, k_w = jax.random.split(key)
    inputs = jax.random.randint(k_idx, (BATCH, HIST_LEN), 0, NUM_EMBEDDING, dtype=jnp.int64 if jax.config.read('jax_enable_x64') else jnp.int32)
    weight = jax.random.normal(k_w, (NUM_EMBEDDING, EMBEDDING_DIM), dtype=jnp.float32)
    # padding_idx=0 -> row 0 is zero in torch nn.Embedding
    weight = weight.at[0].set(0.0)
    return {"inputs": inputs, "weight": weight}

def reference(inputs, weight):
    # Faithful translation of nn.Embedding(num_embeddings, embedding_dim, padding_idx=0)
    # forward: a pure gather of rows from the embedding table.
    # Row 0 of `weight` is already zero (padding_idx semantics enforced at init),
    # but we re-apply it to be robust, matching torch where padding row stays zero.
    w = weight.at[0].set(0.0)
    out = jnp.take(w, inputs, axis=0)  # [B, L, D]
    return out

if __name__ == "__main__":
    import jax
    _d = setup_inputs()
    print(jax.jit(kernel)(*tuple(_d.values())))

</pallas_src>

<mosaic_0001>
#map = affine_map<(d0, d1) -> (0, 0)>
module attributes {stable_mosaic.version = 14 : i64} {
  func.func @_body(%arg0: i32, %arg1: i32, %arg2: memref<100000x128xf32, #tpu.memory_space<hbm>>, %arg3: memref<50x4096xi32, #tpu.memory_space<hbm>>, %arg4: memref<204800x128xf32, #tpu.memory_space<hbm>>, %arg5: memref<50x128xi32, #tpu.memory_space<vmem>>, %arg6: memref<10x64x128xf32, #tpu.memory_space<vmem>>, %arg7: memref<!tpu.dma_semaphore, #tpu.memory_space<semaphore_mem>>, %arg8: memref<!tpu.dma_semaphore, #tpu.memory_space<semaphore_mem>>, %arg9: memref<!tpu.dma_semaphore, #tpu.memory_space<semaphore_mem>>, %arg10: memref<!tpu.dma_semaphore, #tpu.memory_space<semaphore_mem>>, %arg11: memref<!tpu.dma_semaphore, #tpu.memory_space<semaphore_mem>>, %arg12: memref<!tpu.dma_semaphore, #tpu.memory_space<semaphore_mem>>, %arg13: memref<!tpu.dma_semaphore, #tpu.memory_space<semaphore_mem>>, %arg14: memref<!tpu.dma_semaphore, #tpu.memory_space<semaphore_mem>>, %arg15: memref<!tpu.dma_semaphore, #tpu.memory_space<semaphore_mem>>, %arg16: memref<!tpu.dma_semaphore, #tpu.memory_space<semaphore_mem>>, %arg17: memref<!tpu.dma_semaphore, #tpu.memory_space<semaphore_mem>>, %arg18: memref<!tpu.dma_semaphore, #tpu.memory_space<semaphore_mem>>, %arg19: memref<!tpu.dma_semaphore, #tpu.memory_space<semaphore_mem>>, %arg20: memref<!tpu.dma_semaphore, #tpu.memory_space<semaphore_mem>>, %arg21: memref<!tpu.dma_semaphore, #tpu.memory_space<semaphore_mem>>, %arg22: memref<!tpu.dma_semaphore, #tpu.memory_space<semaphore_mem>>, %arg23: memref<!tpu.dma_semaphore, #tpu.memory_space<semaphore_mem>>, %arg24: memref<!tpu.dma_semaphore, #tpu.memory_space<semaphore_mem>>, %arg25: memref<!tpu.dma_semaphore, #tpu.memory_space<semaphore_mem>>, %arg26: memref<!tpu.dma_semaphore, #tpu.memory_space<semaphore_mem>>) attributes {dimension_semantics = [#tpu.dimension_semantics<core_parallel>, #tpu.dimension_semantics<subcore_parallel>], iteration_bounds = array<i64: 2, 16>, scalar_prefetch = 0 : i64, scratch_operands = 22 : i64, tpu.core_type = #tpu.core_type<sc_vector_subcore>, window_params = [{transform_indices = #map}, {transform_indices = #map}, {transform_indices = #map}]} {
    %mul3A = arith.constant 2 : i32
    %mul3A_0 = arith.muli %arg1, %mul3A : i32
    %add3A = arith.addi %mul3A_0, %arg0 : i32
    %mul3A_1 = arith.constant 128 : i32
    %mul3A_2 = arith.muli %add3A, %mul3A_1 : i32
    %multiple_of3A = tpu.assume_multiple %mul3A_2, 128 : i32
    "tpu.region"() ({
      %run_scoped3A = tpu.sem_alloc : memref<!tpu.dma_semaphore, #tpu.memory_space<semaphore_mem>>
      %dma_start3A_133 = arith.constant 0 : i32
      %dma_start3A_134 = tpu.memref_slice %arg3[%dma_start3A_133, %multiple_of3A] : memref<50x4096xi32, #tpu.memory_space<hbm>> -> memref<50x128xi32, #tpu.memory_space<hbm>>
      %dma_start3A_135 = arith.constant 0 : i32
      %dma_start3A_136 = tpu.memref_slice %arg3[%dma_start3A_135, %multiple_of3A] : memref<50x4096xi32, #tpu.memory_space<hbm>> -> memref<50x128xi32, #tpu.memory_space<hbm>>
      tpu.enqueue_dma source(%dma_start3A_136 : memref<50x128xi32, #tpu.memory_space<hbm>>) target(%arg5 : memref<50x128xi32, #tpu.memory_space<vmem>>) target_semaphore(%run_scoped3A : memref<!tpu.dma_semaphore, #tpu.memory_space<semaphore_mem>>)
      %dma_wait3A_137 = arith.constant 0 : i32
      %dma_wait3A_138 = tpu.memref_slice %arg3[%dma_wait3A_137, %multiple_of3A] : memref<50x4096xi32, #tpu.memory_space<hbm>> -> memref<50x128xi32, #tpu.memory_space<hbm>>
      %dma_wait3A_139 = arith.constant 0 : i32
      %dma_wait3A_140 = tpu.memref_slice %arg3[%dma_wait3A_139, %multiple_of3A] : memref<50x4096xi32, #tpu.memory_space<hbm>> -> memref<50x128xi32, #tpu.memory_space<hbm>>
      tpu.wait_dma2 semaphore(%run_scoped3A : memref<!tpu.dma_semaphore, #tpu.memory_space<semaphore_mem>>) src(%dma_wait3A_140 : memref<50x128xi32, #tpu.memory_space<hbm>>) dst(%arg5 : memref<50x128xi32, #tpu.memory_space<vmem>>)
      tpu.yield
    }) : () -> ()
    %dma_start3A = arith.constant 0 : i32
    %dma_start3A_3 = arith.constant 0 : i32
    %dma_start3A_4 = arith.constant 0 : i32
    %dma_start3A_5 = arith.constant 0 : i32
    %dma_start3A_6 = tpu.memref_slice %arg6[%dma_start3A_3, %dma_start3A_4, %dma_start3A_5] : memref<10x64x128xf32, #tpu.memory_space<vmem>> -> memref<1x64x128xf32, #tpu.memory_space<vmem>>
    %dma_start3A_7 = tpu.memref_squeeze %dma_start3A_6 : memref<1x64x128xf32, #tpu.memory_space<vmem>> -> memref<64x128xf32, #tpu.memory_space<vmem>>
    %dma_start3A_8 = arith.constant 0 : i32
    %dma_start3A_9 = tpu.memref_slice %arg5[%dma_start3A, %dma_start3A_8] : memref<50x128xi32, #tpu.memory_space<vmem>> -> memref<1x64xi32, #tpu.memory_space<vmem>>
    %dma_start3A_10 = tpu.memref_squeeze %dma_start3A_9 : memref<1x64xi32, #tpu.memory_space<vmem>> -> memref<64xi32, #tpu.memory_space<vmem>>
    %dma_start3A_11 = arith.constant 0 : i32
    %dma_start3A_12 = arith.constant 0 : i32
    %dma_start3A_13 = tpu.memref_slice %arg2[%dma_start3A_11, %dma_start3A_12] : memref<100000x128xf32, #tpu.memory_space<hbm>> -> memref<100000x128xf32, #tpu.memory_space<hbm>>
    tpu.enqueue_indirect_dma source(%dma_start3A_13 : memref<100000x128xf32, #tpu.memory_space<hbm>>) target(%dma_start3A_7 : memref<64x128xf32, #tpu.memory_space<vmem>>) offsets(%dma_start3A_10 : memref<64xi32, #tpu.memory_space<vmem>>) semaphore(%arg7 : memref<!tpu.dma_semaphore, #tpu.memory_space<semaphore_mem>>)
    %dma_start3A_14 = arith.constant 0 : i32
    %dma_start3A_15 = arith.constant 1 : i32
    %dma_start3A_16 = arith.constant 0 : i32
    %dma_start3A_17 = arith.constant 0 : i32
    %dma_start3A_18 = tpu.memref_slice %arg6[%dma_start3A_15, %dma_start3A_16, %dma_start3A_17] : memref<10x64x128xf32, #tpu.memory_space<vmem>> -> memref<1x64x128xf32, #tpu.memory_space<vmem>>
    %dma_start3A_19 = tpu.memref_squeeze %dma_start3A_18 : memref<1x64x128xf32, #tpu.memory_space<vmem>> -> memref<64x128xf32, #tpu.memory_space<vmem>>
    %dma_start3A_20 = arith.constant 64 : i32
    %dma_start3A_21 = tpu.memref_slice %arg5[%dma_start3A_14, %dma_start3A_20] : memref<50x128xi32, #tpu.memory_space<vmem>> -> memref<1x64xi32, #tpu.memory_space<vmem>>
    %dma_start3A_22 = tpu.memref_squeeze %dma_start3A_21 : memref<1x64xi32, #tpu.memory_space<vmem>> -> memref<64xi32, #tpu.memory_space<vmem>>
    %dma_start3A_23 = arith.constant 0 : i32
    %dma_start3A_24 = arith.constant 0 : i32
    %dma_start3A_25 = tpu.memref_slice %arg2[%dma_start3A_23, %dma_start3A_24] : memref<100000x128xf32, #tpu.memory_space<hbm>> -> memref<100000x128xf32, #tpu.memory_space<hbm>>
    tpu.enqueue_indirect_dma source(%dma_start3A_25 : memref<100000x128xf32, #tpu.memory_space<hbm>>) target(%dma_start3A_19 : memref<64x128xf32, #tpu.memory_space<vmem>>) offsets(%dma_start3A_22 : memref<64xi32, #tpu.memory_space<vmem>>) semaphore(%arg8 : memref<!tpu.dma_semaphore, #tpu.memory_space<semaphore_mem>>)
    %dma_start3A_26 = arith.constant 1 : i32
    %dma_start3A_27 = arith.constant 2 : i32
    %dma_start3A_28 = arith.constant 0 : i32
    %dma_start3A_29 = arith.constant 0 : i32
    %dma_start3A_30 = tpu.memref_slice %arg6[%dma_start3A_27, %dma_start3A_28, %dma_start3A_29] : memref<10x64x128xf32, #tpu.memory_space<vmem>> -> memref<1x64x128xf32, #tpu.memory_space<vmem>>
    %dma_start3A_31 = tpu.memref_squeeze %dma_start3A_30 : memref<1x64x128xf32, #tpu.memory_space<vmem>> -> memref<64x128xf32, #tpu.memory_space<vmem>>
    %dma_start3A_32 = arith.constant 0 : i32
    %dma_start3A_33 = tpu.memref_slice %arg5[%dma_start3A_26, %dma_start3A_32] : memref<50x128xi32, #tpu.memory_space<vmem>> -> memref<1x64xi32, #tpu.memory_space<vmem>>
    %dma_start3A_34 = tpu.memref_squeeze %dma_start3A_33 : memref<1x64xi32, #tpu.memory_space<vmem>> -> memref<64xi32, #tpu.memory_space<vmem>>
    %dma_start3A_35 = arith.constant 0 : i32
    %dma_start3A_36 = arith.constant 0 : i32
    %dma_start3A_37 = tpu.memref_slice %arg2[%dma_start3A_35, %dma_start3A_36] : memref<100000x128xf32, #tpu.memory_space<hbm>> -> memref<100000x128xf32, #tpu.memory_space<hbm>>
    tpu.enqueue_indirect_dma source(%dma_start3A_37 : memref<100000x128xf32, #tpu.memory_space<hbm>>) target(%dma_start3A_31 : memref<64x128xf32, #tpu.memory_space<vmem>>) offsets(%dma_start3A_34 : memref<64xi32, #tpu.memory_space<vmem>>) semaphore(%arg9 : memref<!tpu.dma_semaphore, #tpu.memory_space<semaphore_mem>>)
    %dma_start3A_38 = arith.constant 1 : i32
    %dma_start3A_39 = arith.constant 3 : i32
    %dma_start3A_40 = arith.constant 0 : i32
    %dma_start3A_41 = arith.constant 0 : i32
    %dma_start3A_42 = tpu.memref_slice %arg6[%dma_start3A_39, %dma_start3A_40, %dma_start3A_41] : memref<10x64x128xf32, #tpu.memory_space<vmem>> -> memref<1x64x128xf32, #tpu.memory_space<vmem>>
    %dma_start3A_43 = tpu.memref_squeeze %dma_start3A_42 : memref<1x64x128xf32, #tpu.memory_space<vmem>> -> memref<64x128xf32, #tpu.memory_space<vmem>>
    %dma_start3A_44 = arith.constant 64 : i32
    %dma_start3A_45 = tpu.memref_slice %arg5[%dma_start3A_38, %dma_start3A_44] : memref<50x128xi32, #tpu.memory_space<vmem>> -> memref<1x64xi32, #tpu.memory_space<vmem>>
    %dma_start3A_46 = tpu.memref_squeeze %dma_start3A_45 : memref<1x64xi32, #tpu.memory_space<vmem>> -> memref<64xi32, #tpu.memory_space<vmem>>
    %dma_start3A_47 = arith.constant 0 : i32
    %dma_start3A_48 = arith.constant 0 : i32
    %dma_start3A_49 = tpu.memref_slice %arg2[%dma_start3A_47, %dma_start3A_48] : memref<100000x128xf32, #tpu.memory_space<hbm>> -> memref<100000x128xf32, #tpu.memory_space<hbm>>
    tpu.enqueue_indirect_dma source(%dma_start3A_49 : memref<100000x128xf32, #tpu.memory_space<hbm>>) target(%dma_start3A_43 : memref<64x128xf32, #tpu.memory_space<vmem>>) offsets(%dma_start3A_46 : memref<64xi32, #tpu.memory_space<vmem>>) semaphore(%arg10 : memref<!tpu.dma_semaphore, #tpu.memory_space<semaphore_mem>>)
    %dma_start3A_50 = arith.constant 2 : i32
    %dma_start3A_51 = arith.constant 4 : i32
    %dma_start3A_52 = arith.constant 0 : i32
    %dma_start3A_53 = arith.constant 0 : i32
    %dma_start3A_54 = tpu.memref_slice %arg6[%dma_start3A_51, %dma_start3A_52, %dma_start3A_53] : memref<10x64x128xf32, #tpu.memory_space<vmem>> -> memref<1x64x128xf32, #tpu.memory_space<vmem>>
    %dma_start3A_55 = tpu.memref_squeeze %dma_start3A_54 : memref<1x64x128xf32, #tpu.memory_space<vmem>> -> memref<64x128xf32, #tpu.memory_space<vmem>>
    %dma_start3A_56 = arith.constant 0 : i32
    %dma_start3A_57 = tpu.memref_slice %arg5[%dma_start3A_50, %dma_start3A_56] : memref<50x128xi32, #tpu.memory_space<vmem>> -> memref<1x64xi32, #tpu.memory_space<vmem>>
    %dma_start3A_58 = tpu.memref_squeeze %dma_start3A_57 : memref<1x64xi32, #tpu.memory_space<vmem>> -> memref<64xi32, #tpu.memory_space<vmem>>
    %dma_start3A_59 = arith.constant 0 : i32
    %dma_start3A_60 = arith.constant 0 : i32
    %dma_start3A_61 = tpu.memref_slice %arg2[%dma_start3A_59, %dma_start3A_60] : memref<100000x128xf32, #tpu.memory_space<hbm>> -> memref<100000x128xf32, #tpu.memory_space<hbm>>
    tpu.enqueue_indirect_dma source(%dma_start3A_61 : memref<100000x128xf32, #tpu.memory_space<hbm>>) target(%dma_start3A_55 : memref<64x128xf32, #tpu.memory_space<vmem>>) offsets(%dma_start3A_58 : memref<64xi32, #tpu.memory_space<vmem>>) semaphore(%arg11 : memref<!tpu.dma_semaphore, #tpu.memory_space<semaphore_mem>>)
    %dma_start3A_62 = arith.constant 2 : i32
    %dma_start3A_63 = arith.constant 5 : i32
    %dma_start3A_64 = arith.constant 0 : i32
    %dma_start3A_65 = arith.constant 0 : i32
    %dma_start3A_66 = tpu.memref_slice %arg6[%dma_start3A_63, %dma_start3A_64, %dma_start3A_65] : memref<10x64x128xf32, #tpu.memory_space<vmem>> -> memref<1x64x128xf32, #tpu.memory_space<vmem>>
    %dma_start3A_67 = tpu.memref_squeeze %dma_start3A_66 : memref<1x64x128xf32, #tpu.memory_space<vmem>> -> memref<64x128xf32, #tpu.memory_space<vmem>>
    %dma_start3A_68 = arith.constant 64 : i32
    %dma_start3A_69 = tpu.memref_slice %arg5[%dma_start3A_62, %dma_start3A_68] : memref<50x128xi32, #tpu.memory_space<vmem>> -> memref<1x64xi32, #tpu.memory_space<vmem>>
    %dma_start3A_70 = tpu.memref_squeeze %dma_start3A_69 : memref<1x64xi32, #tpu.memory_space<vmem>> -> memref<64xi32, #tpu.memory_space<vmem>>
    %dma_start3A_71 = arith.constant 0 : i32
    %dma_start3A_72 = arith.constant 0 : i32
    %dma_start3A_73 = tpu.memref_slice %arg2[%dma_start3A_71, %dma_start3A_72] : memref<100000x128xf32, #tpu.memory_space<hbm>> -> memref<100000x128xf32, #tpu.memory_space<hbm>>
    tpu.enqueue_indirect_dma source(%dma_start3A_73 : memref<100000x128xf32, #tpu.memory_space<hbm>>) target(%dma_start3A_67 : memref<64x128xf32, #tpu.memory_space<vmem>>) offsets(%dma_start3A_70 : memref<64xi32, #tpu.memory_space<vmem>>) semaphore(%arg12 : memref<!tpu.dma_semaphore, #tpu.memory_space<semaphore_mem>>)
    %dma_start3A_74 = arith.constant 3 : i32
    %dma_start3A_75 = arith.constant 6 : i32
    %dma_start3A_76 = arith.constant 0 : i32
    %dma_start3A_77 = arith.constant 0 : i32
    %dma_start3A_78 = tpu.memref_slice %arg6[%dma_start3A_75, %dma_start3A_76, %dma_start3A_77] : memref<10x64x128xf32, #tpu.memory_space<vmem>> -> memref<1x64x128xf32, #tpu.memory_space<vmem>>
    %dma_start3A_79 = tpu.memref_squeeze %dma_start3A_78 : memref<1x64x128xf32, #tpu.memory_space<vmem>> -> memref<64x128xf32, #tpu.memory_space<vmem>>
    %dma_start3A_80 = arith.constant 0 : i32
    %dma_start3A_81 = tpu.memref_slice %arg5[%dma_start3A_74, %dma_start3A_80] : memref<50x128xi32, #tpu.memory_space<vmem>> -> memref<1x64xi32, #tpu.memory_space<vmem>>
    %dma_start3A_82 = tpu.memref_squeeze %dma_start3A_81 : memref<1x64xi32, #tpu.memory_space<vmem>> -> memref<64xi32, #tpu.memory_space<vmem>>
    %dma_start3A_83 = arith.constant 0 : i32
    %dma_start3A_84 = arith.constant 0 : i32
    %dma_start3A_85 = tpu.memref_slice %arg2[%dma_start3A_83, %dma_start3A_84] : memref<100000x128xf32, #tpu.memory_space<hbm>> -> memref<100000x128xf32, #tpu.memory_space<hbm>>
    tpu.enqueue_indirect_dma source(%dma_start3A_85 : memref<100000x128xf32, #tpu.memory_space<hbm>>) target(%dma_start3A_79 : memref<64x128xf32, #tpu.memory_space<vmem>>) offsets(%dma_start3A_82 : memref<64xi32, #tpu.memory_space<vmem>>) semaphore(%arg13 : memref<!tpu.dma_semaphore, #tpu.memory_space<semaphore_mem>>)
    %dma_start3A_86 = arith.constant 3 : i32
    %dma_start3A_87 = arith.constant 7 : i32
    %dma_start3A_88 = arith.constant 0 : i32
    %dma_start3A_89 = arith.constant 0 : i32
    %dma_start3A_90 = tpu.memref_slice %arg6[%dma_start3A_87, %dma_start3A_88, %dma_start3A_89] : memref<10x64x128xf32, #tpu.memory_space<vmem>> -> memref<1x64x128xf32, #tpu.memory_space<vmem>>
    %dma_start3A_91 = tpu.memref_squeeze %dma_start3A_90 : memref<1x64x128xf32, #tpu.memory_space<vmem>> -> memref<64x128xf32, #tpu.memory_space<vmem>>
    %dma_start3A_92 = arith.constant 64 : i32
    %dma_start3A_93 = tpu.memref_slice %arg5[%dma_start3A_86, %dma_start3A_92] : memref<50x128xi32, #tpu.memory_space<vmem>> -> memref<1x64xi32, #tpu.memory_space<vmem>>
    %dma_start3A_94 = tpu.memref_squeeze %dma_start3A_93 : memref<1x64xi32, #tpu.memory_space<vmem>> -> memref<64xi32, #tpu.memory_space<vmem>>
    %dma_start3A_95 = arith.constant 0 : i32
    %dma_start3A_96 = arith.constant 0 : i32
    %dma_start3A_97 = tpu.memref_slice %arg2[%dma_start3A_95, %dma_start3A_96] : memref<100000x128xf32, #tpu.memory_space<hbm>> -> memref<100000x128xf32, #tpu.memory_space<hbm>>
    tpu.enqueue_indirect_dma source(%dma_start3A_97 : memref<100000x128xf32, #tpu.memory_space<hbm>>) target(%dma_start3A_91 : memref<64x128xf32, #tpu.memory_space<vmem>>) offsets(%dma_start3A_94 : memref<64xi32, #tpu.memory_space<vmem>>) semaphore(%arg14 : memref<!tpu.dma_semaphore, #tpu.memory_space<semaphore_mem>>)
    %scan3A = arith.constant 0 : i32
    %scan3A_98 = arith.constant 10 : i32
    %scan3A_99 = arith.addi %scan3A, %scan3A_98 : i32
    %scan3A_100 = arith.constant 1 : i32
    scf.for %scan3A_133 = %scan3A to %scan3A_99 step %scan3A_100  : i32 {
      %mul3A_134 = arith.constant 10 : i32
      %mul3A_135 = arith.muli %scan3A_133, %mul3A_134 : i32
      %add3A_136 = arith.constant 0 : i32
      %add3A_137 = arith.addi %add3A_136, %mul3A_135 : i32
      %add3A_138 = arith.constant 0 : i32
      %add3A_139 = arith.addi %add3A_137, %add3A_138 : i32
      %add3A_140 = arith.constant 8 : i32
      %add3A_141 = arith.addi %add3A_139, %add3A_140 : i32
      %ge3A = arith.constant 10 : i32
      %ge3A_142 = arith.cmpi sge, %add3A_141, %ge3A : i32
      %convert_element_type3A = arith.extui %ge3A_142 : i1 to i32
      %cond3A = arith.constant 0 : i32
      %cond3A_143 = arith.cmpi ne, %convert_element_type3A, %cond3A : i32
      scf.if %cond3A_143 {
        %mul3A_1405 = arith.constant 128 : i32
        %mul3A_1406 = arith.muli %add3A, %mul3A_1405 : i32
        %multiple_of3A_1407 = tpu.assume_multiple %mul3A_1406, 64 : i32
        %dma_wait3A_1408 = arith.constant 8 : i32
        %dma_wait3A_1409 = arith.constant 0 : i32
        %dma_wait3A_1410 = arith.constant 0 : i32
        %dma_wait3A_1411 = tpu.memref_slice %arg6[%dma_wait3A_1408, %dma_wait3A_1409, %dma_wait3A_1410] : memref<10x64x128xf32, #tpu.memory_space<vmem>> -> memref<1x64x128xf32, #tpu.memory_space<vmem>>
        %dma_wait3A_1412 = tpu.memref_squeeze %dma_wait3A_1411 : memref<1x64x128xf32, #tpu.memory_space<vmem>> -> memref<64x128xf32, #tpu.memory_space<vmem>>
        %dma_wait3A_1413 = arith.constant 0 : i32
        %dma_wait3A_1414 = tpu.memref_slice %arg4[%multiple_of3A_1407, %dma_wait3A_1413] : memref<204800x128xf32, #tpu.memory_space<hbm>> -> memref<64x128xf32, #tpu.memory_space<hbm>>
        %dma_wait3A_1415 = arith.constant 0 : i32
        %dma_wait3A_1416 = tpu.memref_slice %arg4[%multiple_of3A_1407, %dma_wait3A_1415] : memref<204800x128xf32, #tpu.memory_space<hbm>> -> memref<64x128xf32, #tpu.memory_space<hbm>>
        %dma_wait3A_1417 = arith.constant 0 : i32
        %dma_wait3A_1418 = arith.constant 0 : i32
        %dma_wait3A_1419 = tpu.memref_slice %arg6[%dma_wait3A_1408, %dma_wait3A_1417, %dma_wait3A_1418] : memref<10x64x128xf32, #tpu.memory_space<vmem>> -> memref<1x64x128xf32, #tpu.memory_space<vmem>>
        %dma_wait3A_1420 = tpu.memref_squeeze %dma_wait3A_1419 : memref<1x64x128xf32, #tpu.memory_space<vmem>> -> memref<64x128xf32, #tpu.memory_space<vmem>>
        tpu.wait_dma2 semaphore(%arg25 : memref<!tpu.dma_semaphore, #tpu.memory_space<semaphore_mem>>) src(%dma_wait3A_1420 : memref<64x128xf32, #tpu.memory_space<vmem>>) dst(%dma_wait3A_1416 : memref<64x128xf32, #tpu.memory_space<hbm>>)
      } else {
      }
      %lt3A = arith.constant 100 : i32
      %lt3A_144 = arith.cmpi slt, %add3A_141, %lt3A : i32
      %convert_element_type3A_145 = arith.extui %lt3A_144 : i1 to i32
      %cond3A_146 = arith.constant 0 : i32
      %cond3A_147 = arith.cmpi ne, %convert_element_type3A_145, %cond3A_146 : i32
      scf.if %cond3A_147 {
        %jit3A_1405 = arith.constant 2 : i32
        %div3A_1406 = arith.divsi %add3A_141, %jit3A_1405 : i32
        %sign3A_1407 = arith.constant 0 : i32
        %sign3A_1408 = arith.cmpi sgt, %add3A_141, %sign3A_1407 : i32
        %sign3A_1409 = arith.extui %sign3A_1408 : i1 to i32
        %sign3A_1410 = arith.constant 0 : i32
        %sign3A_1411 = arith.cmpi slt, %add3A_141, %sign3A_1410 : i32
        %sign3A_1412 = arith.extui %sign3A_1411 : i1 to i32
        %sign3A_1413 = arith.subi %sign3A_1409, %sign3A_1412 : i32
        %sign3A_1414 = arith.constant 0 : i32
        %sign3A_1415 = arith.cmpi sgt, %jit3A_1405, %sign3A_1414 : i32
        %sign3A_1416 = arith.extui %sign3A_1415 : i1 to i32
        %sign3A_1417 = arith.constant 0 : i32
        %sign3A_1418 = arith.cmpi slt, %jit3A_1405, %sign3A_1417 : i32
        %sign3A_1419 = arith.extui %sign3A_1418 : i1 to i32
        %sign3A_1420 = arith.subi %sign3A_1416, %sign3A_1419 : i32
        %ne3A_1421 = arith.cmpi ne, %sign3A_1413, %sign3A_1420 : i32
        %rem3A_1422 = arith.remsi %add3A_141, %jit3A_1405 : i32
        %ne3A_1423 = arith.constant 0 : i32
        %ne3A_1424 = arith.cmpi ne, %rem3A_1422, %ne3A_1423 : i32
        %and3A_1425 = arith.andi %ne3A_1421, %ne3A_1424 : i1
        %sub3A_1426 = arith.constant 1 : i32
        %sub3A_1427 = arith.subi %div3A_1406, %sub3A_1426 : i32
        %select_n3A_1428 = arith.select %and3A_1425, %sub3A_1427, %div3A_1406 : i32
        %jit3A_1429 = arith.constant 2 : i32
        %eq3A_1430 = arith.constant 0 : i32
        %eq3A_1431 = arith.cmpi eq, %jit3A_1429, %eq3A_1430 : i32
        %jit3A_1432 = arith.constant 1 : i32
        %select_n3A_1433 = arith.select %eq3A_1431, %jit3A_1432, %jit3A_1429 : i32
        %rem3A_1434 = arith.remsi %add3A_141, %select_n3A_1433 : i32
        %ne3A_1435 = arith.constant 0 : i32
        %ne3A_1436 = arith.cmpi ne, %rem3A_1434, %ne3A_1435 : i32
        %lt3A_1437 = arith.constant 0 : i32
        %lt3A_1438 = arith.cmpi slt, %rem3A_1434, %lt3A_1437 : i32
        %lt3A_1439 = arith.constant 0 : i32
        %lt3A_1440 = arith.cmpi slt, %select_n3A_1433, %lt3A_1439 : i32
        %ne3A_1441 = arith.xori %lt3A_1438, %lt3A_1440 : i1
        %and3A_1442 = arith.andi %ne3A_1441, %ne3A_1436 : i1
        %add3A_1443 = arith.addi %rem3A_1434, %select_n3A_1433 : i32
        %select_n3A_1444 = arith.select %and3A_1442, %add3A_1443, %rem3A_1434 : i32
        %mul3A_1445 = arith.constant 64 : i32
        %mul3A_1446 = arith.muli %select_n3A_1444, %mul3A_1445 : i32
        %dma_start3A_1447 = arith.constant 8 : i32
        %dma_start3A_1448 = arith.constant 0 : i32
        %dma_start3A_1449 = arith.constant 0 : i32
        %dma_start3A_1450 = tpu.memref_slice %arg6[%dma_start3A_1447, %dma_start3A_1448, %dma_start3A_1449] : memref<10x64x128xf32, #tpu.memory_space<vmem>> -> memref<1x64x128xf32, #tpu.memory_space<vmem>>
        %dma_start3A_1451 = tpu.memref_squeeze %dma_start3A_1450 : memref<1x64x128xf32, #tpu.memory_space<vmem>> -> memref<64x128xf32, #tpu.memory_space<vmem>>
        %dma_start3A_1452 = tpu.memref_slice %arg5[%select_n3A_1428, %mul3A_1446] : memref<50x128xi32, #tpu.memory_space<vmem>> -> memref<1x64xi32, #tpu.memory_space<vmem>>
        %dma_start3A_1453 = tpu.memref_squeeze %dma_start3A_1452 : memref<1x64xi32, #tpu.memory_space<vmem>> -> memref<64xi32, #tpu.memory_space<vmem>>
        %dma_start3A_1454 = arith.constant 0 : i32
        %dma_start3A_1455 = arith.constant 0 : i32
        %dma_start3A_1456 = tpu.memref_slice %arg2[%dma_start3A_1454, %dma_start3A_1455] : memref<100000x128xf32, #tpu.memory_space<hbm>> -> memref<100000x128xf32, #tpu.memory_space<hbm>>
        tpu.enqueue_indirect_dma source(%dma_start3A_1456 : memref<100000x128xf32, #tpu.memory_space<hbm>>) target(%dma_start3A_1451 : memref<64x128xf32, #tpu.memory_space<vmem>>) offsets(%dma_start3A_1453 : memref<64xi32, #tpu.memory_space<vmem>>) semaphore(%arg15 : memref<!tpu.dma_semaphore, #tpu.memory_space<semaphore_mem>>)
      } else {
      }
      %jit3A = arith.constant 2 : i32
      %div3A = arith.divsi %add3A_139, %jit3A : i32
      %sign3A = arith.constant 0 : i32
      %sign3A_148 = arith.cmpi sgt, %add3A_139, %sign3A : i32
      %sign3A_149 = arith.extui %sign3A_148 : i1 to i32
      %sign3A_150 = arith.constant 0 : i32
      %sign3A_151 = arith.cmpi slt, %add3A_139, %sign3A_150 : i32
      %sign3A_152 = arith.extui %sign3A_151 : i1 to i32
      %sign3A_153 = arith.subi %sign3A_149, %sign3A_152 : i32
      %sign3A_154 = arith.constant 0 : i32
      %sign3A_155 = arith.cmpi sgt, %jit3A, %sign3A_154 : i32
      %sign3A_156 = arith.extui %sign3A_155 : i1 to i32
      %sign3A_157 = arith.constant 0 : i32
      %sign3A_158 = arith.cmpi slt, %jit3A, %sign3A_157 : i32
      %sign3A_159 = arith.extui %sign3A_158 : i1 to i32
      %sign3A_160 = arith.subi %sign3A_156, %sign3A_159 : i32
      %ne3A = arith.cmpi ne, %sign3A_153, %sign3A_160 : i32
      %rem3A = arith.remsi %add3A_139, %jit3A : i32
      %ne3A_161 = arith.constant 0 : i32
      %ne3A_162 = arith.cmpi ne, %rem3A, %ne3A_161 : i32
      %and3A = arith.andi %ne3A, %ne3A_162 : i1
      %sub3A = arith.constant 1 : i32
      %sub3A_163 = arith.subi %div3A, %sub3A : i32
      %select_n3A = arith.select %and3A, %sub3A_163, %div3A : i32
      %jit3A_164 = arith.constant 2 : i32
      %eq3A = arith.constant 0 : i32
      %eq3A_165 = arith.cmpi eq, %jit3A_164, %eq3A : i32
      %jit3A_166 = arith.constant 1 : i32
      %select_n3A_167 = arith.select %eq3A_165, %jit3A_166, %jit3A_164 : i32
      %rem3A_168 = arith.remsi %add3A_139, %select_n3A_167 : i32
      %ne3A_169 = arith.constant 0 : i32
      %ne3A_170 = arith.cmpi ne, %rem3A_168, %ne3A_169 : i32
      %lt3A_171 = arith.constant 0 : i32
      %lt3A_172 = arith.cmpi slt, %rem3A_168, %lt3A_171 : i32
      %lt3A_173 = arith.constant 0 : i32
      %lt3A_174 = arith.cmpi slt, %select_n3A_167, %lt3A_173 : i32
      %ne3A_175 = arith.xori %lt3A_172, %lt3A_174 : i1
      %and3A_176 = arith.andi %ne3A_175, %ne3A_170 : i1
      %add3A_177 = arith.addi %rem3A_168, %select_n3A_167 : i32
      %select_n3A_178 = arith.select %and3A_176, %add3A_177, %rem3A_168 : i32
      %mul3A_179 = arith.constant 64 : i32
      %mul3A_180 = arith.muli %select_n3A_178, %mul3A_179 : i32
      %dma_wait3A_181 = arith.constant 0 : i32
      %dma_wait3A_182 = arith.constant 0 : i32
      %dma_wait3A_183 = arith.constant 0 : i32
      %dma_wait3A_184 = tpu.memref_slice %arg6[%dma_wait3A_181, %dma_wait3A_182, %dma_wait3A_183] : memref<10x64x128xf32, #tpu.memory_space<vmem>> -> memref<1x64x128xf32, #tpu.memory_space<vmem>>
      %dma_wait3A_185 = tpu.memref_squeeze %dma_wait3A_184 : memref<1x64x128xf32, #tpu.memory_space<vmem>> -> memref<64x128xf32, #tpu.memory_space<vmem>>
      %dma_wait3A_186 = tpu.memref_slice %arg5[%select_n3A, %mul3A_180] : memref<50x128xi32, #tpu.memory_space<vmem>> -> memref<1x64xi32, #tpu.memory_space<vmem>>
      %dma_wait3A_187 = tpu.memref_squeeze %dma_wait3A_186 : memref<1x64xi32, #tpu.memory_space<vmem>> -> memref<64xi32, #tpu.memory_space<vmem>>
      %dma_wait3A_188 = arith.constant 0 : i32
      %dma_wait3A_189 = arith.constant 0 : i32
      %dma_wait3A_190 = tpu.memref_slice %arg2[%dma_wait3A_188, %dma_wait3A_189] : memref<100000x128xf32, #tpu.memory_space<hbm>> -> memref<100000x128xf32, #tpu.memory_space<hbm>>
      tpu.wait_indirect_dma semaphore(%arg7 : memref<!tpu.dma_semaphore, #tpu.memory_space<semaphore_mem>>) src(%dma_wait3A_190 : memref<100000x128xf32, #tpu.memory_space<hbm>>) dst(%dma_wait3A_185 : memref<64x128xf32, #tpu.memory_space<vmem>>)
      %jit3A_191 = arith.constant 2 : i32
      %div3A_192 = arith.divsi %add3A_139, %jit3A_191 : i32
      %sign3A_193 = arith.constant 0 : i32
      %sign3A_194 = arith.cmpi sgt, %add3A_139, %sign3A_193 : i32
      %sign3A_195 = arith.extui %sign3A_194 : i1 to i32
      %sign3A_196 = arith.constant 0 : i32
      %sign3A_197 = arith.cmpi slt, %add3A_139, %sign3A_196 : i32
      %sign3A_198 = arith.extui %sign3A_197 : i1 to i32
      %sign3A_199 = arith.subi %sign3A_195, %sign3A_198 : i32
      %sign3A_200 = arith.constant 0 : i32
      %sign3A_201 = arith.cmpi sgt, %jit3A_191, %sign3A_200 : i32
      %sign3A_202 = arith.extui %sign3A_201 : i1 to i32
      %sign3A_203 = arith.constant 0 : i32
      %sign3A_204 = arith.cmpi slt, %jit3A_191, %sign3A_203 : i32
      %sign3A_205 = arith.extui %sign3A_204 : i1 to i32
      %sign3A_206 = arith.subi %sign3A_202, %sign3A_205 : i32
      %ne3A_207 = arith.cmpi ne, %sign3A_199, %sign3A_206 : i32
      %rem3A_208 = arith.remsi %add3A_139, %jit3A_191 : i32
      %ne3A_209 = arith.constant 0 : i32
      %ne3A_210 = arith.cmpi ne, %rem3A_208, %ne3A_209 : i32
      %and3A_211 = arith.andi %ne3A_207, %ne3A_210 : i1
      %sub3A_212 = arith.constant 1 : i32
      %sub3A_213 = arith.subi %div3A_192, %sub3A_212 : i32
      %select_n3A_214 = arith.select %and3A_211, %sub3A_213, %div3A_192 : i32
      %mul3A_215 = arith.constant 4096 : i32
      %mul3A_216 = arith.muli %select_n3A_214, %mul3A_215 : i32
      %mul3A_217 = arith.constant 128 : i32
      %mul3A_218 = arith.muli %add3A, %mul3A_217 : i32
      %add3A_219 = arith.addi %mul3A_216, %mul3A_218 : i32
      %jit3A_220 = arith.constant 2 : i32
      %eq3A_221 = arith.constant 0 : i32
      %eq3A_222 = arith.cmpi eq, %jit3A_220, %eq3A_221 : i32
      %jit3A_223 = arith.constant 1 : i32
      %select_n3A_224 = arith.select %eq3A_222, %jit3A_223, %jit3A_220 : i32
      %rem3A_225 = arith.remsi %add3A_139, %select_n3A_224 : i32
      %ne3A_226 = arith.constant 0 : i32
      %ne3A_227 = arith.cmpi ne, %rem3A_225, %ne3A_226 : i32
      %lt3A_228 = arith.constant 0 : i32
      %lt3A_229 = arith.cmpi slt, %rem3A_225, %lt3A_228 : i32
      %lt3A_230 = arith.constant 0 : i32
      %lt3A_231 = arith.cmpi slt, %select_n3A_224, %lt3A_230 : i32
      %ne3A_232 = arith.xori %lt3A_229, %lt3A_231 : i1
      %and3A_233 = arith.andi %ne3A_232, %ne3A_227 : i1
      %add3A_234 = arith.addi %rem3A_225, %select_n3A_224 : i32
      %select_n3A_235 = arith.select %and3A_233, %add3A_234, %rem3A_225 : i32
      %mul3A_236 = arith.constant 64 : i32
      %mul3A_237 = arith.muli %select_n3A_235, %mul3A_236 : i32
      %add3A_238 = arith.addi %add3A_219, %mul3A_237 : i32
      %multiple_of3A_239 = tpu.assume_multiple %add3A_238, 64 : i32
      %dma_start3A_240 = arith.constant 0 : i32
      %dma_start3A_241 = arith.constant 0 : i32
      %dma_start3A_242 = arith.constant 0 : i32
      %dma_start3A_243 = tpu.memref_slice %arg6[%dma_start3A_240, %dma_start3A_241, %dma_start3A_242] : memref<10x64x128xf32, #tpu.memory_space<vmem>> -> memref<1x64x128xf32, #tpu.memory_space<vmem>>
      %dma_start3A_244 = tpu.memref_squeeze %dma_start3A_243 : memref<1x64x128xf32, #tpu.memory_space<vmem>> -> memref<64x128xf32, #tpu.memory_space<vmem>>
      %dma_start3A_245 = arith.constant 0 : i32
      %dma_start3A_246 = tpu.memref_slice %arg4[%multiple_of3A_239, %dma_start3A_245] : memref<204800x128xf32, #tpu.memory_space<hbm>> -> memref<64x128xf32, #tpu.memory_space<hbm>>
      %dma_start3A_247 = arith.constant 0 : i32
      %dma_start3A_248 = tpu.memref_slice %arg4[%multiple_of3A_239, %dma_start3A_247] : memref<204800x128xf32, #tpu.memory_space<hbm>> -> memref<64x128xf32, #tpu.memory_space<hbm>>
      %dma_start3A_249 = arith.constant 0 : i32
      %dma_start3A_250 = arith.constant 0 : i32
      %dma_start3A_251 = tpu.memref_slice %arg6[%dma_start3A_240, %dma_start3A_249, %dma_start3A_250] : memref<10x64x128xf32, #tpu.memory_space<vmem>> -> memref<1x64x128xf32, #tpu.memory_space<vmem>>
      %dma_start3A_252 = tpu.memref_squeeze %dma_start3A_251 : memref<1x64x128xf32, #tpu.memory_space<vmem>> -> memref<64x128xf32, #tpu.memory_space<vmem>>
      tpu.enqueue_dma source(%dma_start3A_252 : memref<64x128xf32, #tpu.memory_space<vmem>>) target(%dma_start3A_248 : memref<64x128xf32, #tpu.memory_space<hbm>>) target_semaphore(%arg17 : memref<!tpu.dma_semaphore, #tpu.memory_space<semaphore_mem>>)
      %add3A_253 = arith.constant 1 : i32
      %add3A_254 = arith.addi %add3A_137, %add3A_253 : i32
      %add3A_255 = arith.constant 8 : i32
      %add3A_256 = arith.addi %add3A_254, %add3A_255 : i32
      %ge3A_257 = arith.constant 10 : i32
      %ge3A_258 = arith.cmpi sge, %add3A_256, %ge3A_257 : i32
      %convert_element_type3A_259 = arith.extui %ge3A_258 : i1 to i32
      %cond3A_260 = arith.constant 0 : i32
      %cond3A_261 = arith.cmpi ne, %convert_element_type3A_259, %cond3A_260 : i32
      scf.if %cond3A_261 {
        %mul3A_1405 = arith.constant 128 : i32
        %mul3A_1406 = arith.muli %add3A, %mul3A_1405 : i32
        %multiple_of3A_1407 = tpu.assume_multiple %mul3A_1406, 64 : i32
        %dma_wait3A_1408 = arith.constant 9 : i32
        %dma_wait3A_1409 = arith.constant 0 : i32
        %dma_wait3A_1410 = arith.constant 0 : i32
        %dma_wait3A_1411 = tpu.memref_slice %arg6[%dma_wait3A_1408, %dma_wait3A_1409, %dma_wait3A_1410] : memref<10x64x128xf32, #tpu.memory_space<vmem>> -> memref<1x64x128xf32, #tpu.memory_space<vmem>>
        %dma_wait3A_1412 = tpu.memref_squeeze %dma_wait3A_1411 : memref<1x64x128xf32, #tpu.memory_space<vmem>> -> memref<64x128xf32, #tpu.memory_space<vmem>>
        %dma_wait3A_1413 = arith.constant 0 : i32
        %dma_wait3A_1414 = tpu.memref_slice %arg4[%multiple_of3A_1407, %dma_wait3A_1413] : memref<204800x128xf32, #tpu.memory_space<hbm>> -> memref<64x128xf32, #tpu.memory_space<hbm>>
        %dma_wait3A_1415 = arith.constant 0 : i32
        %dma_wait3A_1416 = tpu.memref_slice %arg4[%multiple_of3A_1407, %dma_wait3A_1415] : memref<204800x128xf32, #tpu.memory_space<hbm>> -> memref<64x128xf32, #tpu.memory_space<hbm>>
        %dma_wait3A_1417 = arith.constant 0 : i32
        %dma_wait3A_1418 = arith.constant 0 : i32
        %dma_wait3A_1419 = tpu.memref_slice %arg6[%dma_wait3A_1408, %dma_wait3A_1417, %dma_wait3A_1418] : memref<10x64x128xf32, #tpu.memory_space<vmem>> -> memref<1x64x128xf32, #tpu.memory_space<vmem>>
        %dma_wait3A_1420 = tpu.memref_squeeze %dma_wait3A_1419 : memref<1x64x128xf32, #tpu.memory_space<vmem>> -> memref<64x128xf32, #tpu.memory_space<vmem>>
        tpu.wait_dma2 semaphore(%arg26 : memref<!tpu.dma_semaphore, #tpu.memory_space<semaphore_mem>>) src(%dma_wait3A_1420 : memref<64x128xf32, #tpu.memory_space<vmem>>) dst(%dma_wait3A_1416 : memref<64x128xf32, #tpu.memory_space<hbm>>)
      } else {
      }
      %lt3A_262 = arith.constant 100 : i32
      %lt3A_263 = arith.cmpi slt, %add3A_256, %lt3A_262 : i32
      %convert_element_type3A_264 = arith.extui %lt3A_263 : i1 to i32
      %cond3A_265 = arith.constant 0 : i32
      %cond3A_266 = arith.cmpi ne, %convert_element_type3A_264, %cond3A_265 : i32
      scf.if %cond3A_266 {
        %jit3A_1405 = arith.constant 2 : i32
        %div3A_1406 = arith.divsi %add3A_256, %jit3A_1405 : i32
        %sign3A_1407 = arith.constant 0 : i32
        %sign3A_1408 = arith.cmpi sgt, %add3A_256, %sign3A_1407 : i32
        %sign3A_1409 = arith.extui %sign3A_1408 : i1 to i32
        %sign3A_1410 = arith.constant 0 : i32
        %sign3A_1411 = arith.cmpi slt, %add3A_256, %sign3A_1410 : i32
        %sign3A_1412 = arith.extui %sign3A_1411 : i1 to i32
        %sign3A_1413 = arith.subi %sign3A_1409, %sign3A_1412 : i32
        %sign3A_1414 = arith.constant 0 : i32
        %sign3A_1415 = arith.cmpi sgt, %jit3A_1405, %sign3A_1414 : i32
        %sign3A_1416 = arith.extui %sign3A_1415 : i1 to i32
        %sign3A_1417 = arith.constant 0 : i32
        %sign3A_1418 = arith.cmpi slt, %jit3A_1405, %sign3A_1417 : i32
        %sign3A_1419 = arith.extui %sign3A_1418 : i1 to i32
        %sign3A_1420 = arith.subi %sign3A_1416, %sign3A_1419 : i32
        %ne3A_1421 = arith.cmpi ne, %sign3A_1413, %sign3A_1420 : i32
        %rem3A_1422 = arith.remsi %add3A_256, %jit3A_1405 : i32
        %ne3A_1423 = arith.constant 0 : i32
        %ne3A_1424 = arith.cmpi ne, %rem3A_1422, %ne3A_1423 : i32
        %and3A_1425 = arith.andi %ne3A_1421, %ne3A_1424 : i1
        %sub3A_1426 = arith.constant 1 : i32
        %sub3A_1427 = arith.subi %div3A_1406, %sub3A_1426 : i32
        %select_n3A_1428 = arith.select %and3A_1425, %sub3A_1427, %div3A_1406 : i32
        %jit3A_1429 = arith.constant 2 : i32
        %eq3A_1430 = arith.constant 0 : i32
        %eq3A_1431 = arith.cmpi eq, %jit3A_1429, %eq3A_1430 : i32
        %jit3A_1432 = arith.constant 1 : i32
        %select_n3A_1433 = arith.select %eq3A_1431, %jit3A_1432, %jit3A_1429 : i32
        %rem3A_1434 = arith.remsi %add3A_256, %select_n3A_1433 : i32
        %ne3A_1435 = arith.constant 0 : i32
        %ne3A_1436 = arith.cmpi ne, %rem3A_1434, %ne3A_1435 : i32
        %lt3A_1437 = arith.constant 0 : i32
        %lt3A_1438 = arith.cmpi slt, %rem3A_1434, %lt3A_1437 : i32
        %lt3A_1439 = arith.constant 0 : i32
        %lt3A_1440 = arith.cmpi slt, %select_n3A_1433, %lt3A_1439 : i32
        %ne3A_1441 = arith.xori %lt3A_1438, %lt3A_1440 : i1
        %and3A_1442 = arith.andi %ne3A_1441, %ne3A_1436 : i1
        %add3A_1443 = arith.addi %rem3A_1434, %select_n3A_1433 : i32
        %select_n3A_1444 = arith.select %and3A_1442, %add3A_1443, %rem3A_1434 : i32
        %mul3A_1445 = arith.constant 64 : i32
        %mul3A_1446 = arith.muli %select_n3A_1444, %mul3A_1445 : i32
        %dma_start3A_1447 = arith.constant 9 : i32
        %dma_start3A_1448 = arith.constant 0 : i32
        %dma_start3A_1449 = arith.constant 0 : i32
        %dma_start3A_1450 = tpu.memref_slice %arg6[%dma_start3A_1447, %dma_start3A_1448, %dma_start3A_1449] : memref<10x64x128xf32, #tpu.memory_space<vmem>> -> memref<1x64x128xf32, #tpu.memory_space<vmem>>
        %dma_start3A_1451 = tpu.memref_squeeze %dma_start3A_1450 : memref<1x64x128xf32, #tpu.memory_space<vmem>> -> memref<64x128xf32, #tpu.memory_space<vmem>>
        %dma_start3A_1452 = tpu.memref_slice %arg5[%select_n3A_1428, %mul3A_1446] : memref<50x128xi32, #tpu.memory_space<vmem>> -> memref<1x64xi32, #tpu.memory_space<vmem>>
        %dma_start3A_1453 = tpu.memref_squeeze %dma_start3A_1452 : memref<1x64xi32, #tpu.memory_space<vmem>> -> memref<64xi32, #tpu.memory_space<vmem>>
        %dma_start3A_1454 = arith.constant 0 : i32
        %dma_start3A_1455 = arith.constant 0 : i32
        %dma_start3A_1456 = tpu.memref_slice %arg2[%dma_start3A_1454, %dma_start3A_1455] : memref<100000x128xf32, #tpu.memory_space<hbm>> -> memref<100000x128xf32, #tpu.memory_space<hbm>>
        tpu.enqueue_indirect_dma source(%dma_start3A_1456 : memref<100000x128xf32, #tpu.memory_space<hbm>>) target(%dma_start3A_1451 : memref<64x128xf32, #tpu.memory_space<vmem>>) offsets(%dma_start3A_1453 : memref<64xi32, #tpu.memory_space<vmem>>) semaphore(%arg16 : memref<!tpu.dma_semaphore, #tpu.memory_space<semaphore_mem>>)
      } else {
      }
      %jit3A_267 = arith.constant 2 : i32
      %div3A_268 = arith.divsi %add3A_254, %jit3A_267 : i32
      %sign3A_269 = arith.constant 0 : i32
      %sign3A_270 = arith.cmpi sgt, %add3A_254, %sign3A_269 : i32
      %sign3A_271 = arith.extui %sign3A_270 : i1 to i32
      %sign3A_272 = arith.constant 0 : i32
      %sign3A_273 = arith.cmpi slt, %add3A_254, %sign3A_272 : i32
      %sign3A_274 = arith.extui %sign3A_273 : i1 to i32
      %sign3A_275 = arith.subi %sign3A_271, %sign3A_274 : i32
      %sign3A_276 = arith.constant 0 : i32
      %sign3A_277 = arith.cmpi sgt, %jit3A_267, %sign3A_276 : i32
      %sign3A_278 = arith.extui %sign3A_277 : i1 to i32
      %sign3A_279 = arith.constant 0 : i32
      %sign3A_280 = arith.cmpi slt, %jit3A_267, %sign3A_279 : i32
      %sign3A_281 = arith.extui %sign3A_280 : i1 to i32
      %sign3A_282 = arith.subi %sign3A_278, %sign3A_281 : i32
      %ne3A_283 = arith.cmpi ne, %sign3A_275, %sign3A_282 : i32
      %rem3A_284 = arith.remsi %add3A_254, %jit3A_267 : i32
      %ne3A_285 = arith.constant 0 : i32
      %ne3A_286 = arith.cmpi ne, %rem3A_284, %ne3A_285 : i32
      %and3A_287 = arith.andi %ne3A_283, %ne3A_286 : i1
      %sub3A_288 = arith.constant 1 : i32
      %sub3A_289 = arith.subi %div3A_268, %sub3A_288 : i32
      %select_n3A_290 = arith.select %and3A_287, %sub3A_289, %div3A_268 : i32
      %jit3A_291 = arith.constant 2 : i32
      %eq3A_292 = arith.constant 0 : i32
      %eq3A_293 = arith.cmpi eq, %jit3A_291, %eq3A_292 : i32
      %jit3A_294 = arith.constant 1 : i32
      %select_n3A_295 = arith.select %eq3A_293, %jit3A_294, %jit3A_291 : i32
      %rem3A_296 = arith.remsi %add3A_254, %select_n3A_295 : i32
      %ne3A_297 = arith.constant 0 : i32
      %ne3A_298 = arith.cmpi ne, %rem3A_296, %ne3A_297 : i32
      %lt3A_299 = arith.constant 0 : i32
      %lt3A_300 = arith.cmpi slt, %rem3A_296, %lt3A_299 : i32
      %lt3A_301 = arith.constant 0 : i32
      %lt3A_302 = arith.cmpi slt, %select_n3A_295, %lt3A_301 : i32
      %ne3A_303 = arith.xori %lt3A_300, %lt3A_302 : i1
      %and3A_304 = arith.andi %ne3A_303, %ne3A_298 : i1
      %add3A_305 = arith.addi %rem3A_296, %select_n3A_295 : i32
      %select_n3A_306 = arith.select %and3A_304, %add3A_305, %rem3A_296 : i32
      %mul3A_307 = arith.constant 64 : i32
      %mul3A_308 = arith.muli %select_n3A_306, %mul3A_307 : i32
      %dma_wait3A_309 = arith.constant 1 : i32
      %dma_wait3A_310 = arith.constant 0 : i32
      %dma_wait3A_311 = arith.constant 0 : i32
      %dma_wait3A_312 = tpu.memref_slice %arg6[%dma_wait3A_309, %dma_wait3A_310, %dma_wait3A_311] : memref<10x64x128xf32, #tpu.memory_space<vmem>> -> memref<1x64x128xf32, #tpu.memory_space<vmem>>
      %dma_wait3A_313 = tpu.memref_squeeze %dma_wait3A_312 : memref<1x64x128xf32, #tpu.memory_space<vmem>> -> memref<64x128xf32, #tpu.memory_space<vmem>>
      %dma_wait3A_314 = tpu.memref_slice %arg5[%select_n3A_290, %mul3A_308] : memref<50x128xi32, #tpu.memory_space<vmem>> -> memref<1x64xi32, #tpu.memory_space<vmem>>
      %dma_wait3A_315 = tpu.memref_squeeze %dma_wait3A_314 : memref<1x64xi32, #tpu.memory_space<vmem>> -> memref<64xi32, #tpu.memory_space<vmem>>
      %dma_wait3A_316 = arith.constant 0 : i32
      %dma_wait3A_317 = arith.constant 0 : i32
      %dma_wait3A_318 = tpu.memref_slice %arg2[%dma_wait3A_316, %dma_wait3A_317] : memref<100000x128xf32, #tpu.memory_space<hbm>> -> memref<100000x128xf32, #tpu.memory_space<hbm>>
      tpu.wait_indirect_dma semaphore(%arg8 : memref<!tpu.dma_semaphore, #tpu.memory_space<semaphore_mem>>) src(%dma_wait3A_318 : memref<100000x128xf32, #tpu.memory_space<hbm>>) dst(%dma_wait3A_313 : memref<64x128xf32, #tpu.memory_space<vmem>>)
      %jit3A_319 = arith.constant 2 : i32
      %div3A_320 = arith.divsi %add3A_254, %jit3A_319 : i32
      %sign3A_321 = arith.constant 0 : i32
      %sign3A_322 = arith.cmpi sgt, %add3A_254, %sign3A_321 : i32
      %sign3A_323 = arith.extui %sign3A_322 : i1 to i32
      %sign3A_324 = arith.constant 0 : i32
      %sign3A_325 = arith.cmpi slt, %add3A_254, %sign3A_324 : i32
      %sign3A_326 = arith.extui %sign3A_325 : i1 to i32
      %sign3A_327 = arith.subi %sign3A_323, %sign3A_326 : i32
      %sign3A_328 = arith.constant 0 : i32
      %sign3A_329 = arith.cmpi sgt, %jit3A_319, %sign3A_328 : i32
      %sign3A_330 = arith.extui %sign3A_329 : i1 to i32
      %sign3A_331 = arith.constant 0 : i32
      %sign3A_332 = arith.cmpi slt, %jit3A_319, %sign3A_331 : i32
      %sign3A_333 = arith.extui %sign3A_332 : i1 to i32
      %sign3A_334 = arith.subi %sign3A_330, %sign3A_333 : i32
      %ne3A_335 = arith.cmpi ne, %sign3A_327, %sign3A_334 : i32
      %rem3A_336 = arith.remsi %add3A_254, %jit3A_319 : i32
      %ne3A_337 = arith.constant 0 : i32
      %ne3A_338 = arith.cmpi ne, %rem3A_336, %ne3A_337 : i32
      %and3A_339 = arith.andi %ne3A_335, %ne3A_338 : i1
      %sub3A_340 = arith.constant 1 : i32
      %sub3A_341 = arith.subi %div3A_320, %sub3A_340 : i32
      %select_n3A_342 = arith.select %and3A_339, %sub3A_341, %div3A_320 : i32
      %mul3A_343 = arith.constant 4096 : i32
      %mul3A_344 = arith.muli %select_n3A_342, %mul3A_343 : i32
      %mul3A_345 = arith.constant 128 : i32
      %mul3A_346 = arith.muli %add3A, %mul3A_345 : i32
      %add3A_347 = arith.addi %mul3A_344, %mul3A_346 : i32
      %jit3A_348 = arith.constant 2 : i32
      %eq3A_349 = arith.constant 0 : i32
      %eq3A_350 = arith.cmpi eq, %jit3A_348, %eq3A_349 : i32
      %jit3A_351 = arith.constant 1 : i32
      %select_n3A_352 = arith.select %eq3A_350, %jit3A_351, %jit3A_348 : i32
      %rem3A_353 = arith.remsi %add3A_254, %select_n3A_352 : i32
      %ne3A_354 = arith.constant 0 : i32
      %ne3A_355 = arith.cmpi ne, %rem3A_353, %ne3A_354 : i32
      %lt3A_356 = arith.constant 0 : i32
      %lt3A_357 = arith.cmpi slt, %rem3A_353, %lt3A_356 : i32
      %lt3A_358 = arith.constant 0 : i32
      %lt3A_359 = arith.cmpi slt, %select_n3A_352, %lt3A_358 : i32
      %ne3A_360 = arith.xori %lt3A_357, %lt3A_359 : i1
      %and3A_361 = arith.andi %ne3A_360, %ne3A_355 : i1
      %add3A_362 = arith.addi %rem3A_353, %select_n3A_352 : i32
      %select_n3A_363 = arith.select %and3A_361, %add3A_362, %rem3A_353 : i32
      %mul3A_364 = arith.constant 64 : i32
      %mul3A_365 = arith.muli %select_n3A_363, %mul3A_364 : i32
      %add3A_366 = arith.addi %add3A_347, %mul3A_365 : i32
      %multiple_of3A_367 = tpu.assume_multiple %add3A_366, 64 : i32
      %dma_start3A_368 = arith.constant 1 : i32
      %dma_start3A_369 = arith.constant 0 : i32
      %dma_start3A_370 = arith.constant 0 : i32
      %dma_start3A_371 = tpu.memref_slice %arg6[%dma_start3A_368, %dma_start3A_369, %dma_start3A_370] : memref<10x64x128xf32, #tpu.memory_space<vmem>> -> memref<1x64x128xf32, #tpu.memory_space<vmem>>
      %dma_start3A_372 = tpu.memref_squeeze %dma_start3A_371 : memref<1x64x128xf32, #tpu.memory_space<vmem>> -> memref<64x128xf32, #tpu.memory_space<vmem>>
      %dma_start3A_373 = arith.constant 0 : i32
      %dma_start3A_374 = tpu.memref_slice %arg4[%multiple_of3A_367, %dma_start3A_373] : memref<204800x128xf32, #tpu.memory_space<hbm>> -> memref<64x128xf32, #tpu.memory_space<hbm>>
      %dma_start3A_375 = arith.constant 0 : i32
      %dma_start3A_376 = tpu.memref_slice %arg4[%multiple_of3A_367, %dma_start3A_375] : memref<204800x128xf32, #tpu.memory_space<hbm>> -> memref<64x128xf32, #tpu.memory_space<hbm>>
      %dma_start3A_377 = arith.constant 0 : i32
      %dma_start3A_378 = arith.constant 0 : i32
      %dma_start3A_379 = tpu.memref_slice %arg6[%dma_start3A_368, %dma_start3A_377, %dma_start3A_378] : memref<10x64x128xf32, #tpu.memory_space<vmem>> -> memref<1x64x128xf32, #tpu.memory_space<vmem>>
      %dma_start3A_380 = tpu.memref_squeeze %dma_start3A_379 : memref<1x64x128xf32, #tpu.memory_space<vmem>> -> memref<64x128xf32, #tpu.memory_space<vmem>>
      tpu.enqueue_dma source(%dma_start3A_380 : memref<64x128xf32, #tpu.memory_space<vmem>>) target(%dma_start3A_376 : memref<64x128xf32, #tpu.memory_space<hbm>>) target_semaphore(%arg18 : memref<!tpu.dma_semaphore, #tpu.memory_space<semaphore_mem>>)
      %add3A_381 = arith.constant 2 : i32
      %add3A_382 = arith.addi %add3A_137, %add3A_381 : i32
      %add3A_383 = arith.constant 8 : i32
      %add3A_384 = arith.addi %add3A_382, %add3A_383 : i32
      %ge3A_385 = arith.constant 10 : i32
      %ge3A_386 = arith.cmpi sge, %add3A_384, %ge3A_385 : i32
      %convert_element_type3A_387 = arith.extui %ge3A_386 : i1 to i32
      %cond3A_388 = arith.constant 0 : i32
      %cond3A_389 = arith.cmpi ne, %convert_element_type3A_387, %cond3A_388 : i32
      scf.if %cond3A_389 {
        %mul3A_1405 = arith.constant 128 : i32
        %mul3A_1406 = arith.muli %add3A, %mul3A_1405 : i32
        %multiple_of3A_1407 = tpu.assume_multiple %mul3A_1406, 64 : i32
        %dma_wait3A_1408 = arith.constant 0 : i32
        %dma_wait3A_1409 = arith.constant 0 : i32
        %dma_wait3A_1410 = arith.constant 0 : i32
        %dma_wait3A_1411 = tpu.memref_slice %arg6[%dma_wait3A_1408, %dma_wait3A_1409, %dma_wait3A_1410] : memref<10x64x128xf32, #tpu.memory_space<vmem>> -> memref<1x64x128xf32, #tpu.memory_space<vmem>>
        %dma_wait3A_1412 = tpu.memref_squeeze %dma_wait3A_1411 : memref<1x64x128xf32, #tpu.memory_space<vmem>> -> memref<64x128xf32, #tpu.memory_space<vmem>>
        %dma_wait3A_1413 = arith.constant 0 : i32
        %dma_wait3A_1414 = tpu.memref_slice %arg4[%multiple_of3A_1407, %dma_wait3A_1413] : memref<204800x128xf32, #tpu.memory_space<hbm>> -> memref<64x128xf32, #tpu.memory_space<hbm>>
        %dma_wait3A_1415 = arith.constant 0 : i32
        %dma_wait3A_1416 = tpu.memref_slice %arg4[%multiple_of3A_1407, %dma_wait3A_1415] : memref<204800x128xf32, #tpu.memory_space<hbm>> -> memref<64x128xf32, #tpu.memory_space<hbm>>
        %dma_wait3A_1417 = arith.constant 0 : i32
        %dma_wait3A_1418 = arith.constant 0 : i32
        %dma_wait3A_1419 = tpu.memref_slice %arg6[%dma_wait3A_1408, %dma_wait3A_1417, %dma_wait3A_1418] : memref<10x64x128xf32, #tpu.memory_space<vmem>> -> memref<1x64x128xf32, #tpu.memory_space<vmem>>
        %dma_wait3A_1420 = tpu.memref_squeeze %dma_wait3A_1419 : memref<1x64x128xf32, #tpu.memory_space<vmem>> -> memref<64x128xf32, #tpu.memory_space<vmem>>
        tpu.wait_dma2 semaphore(%arg17 : memref<!tpu.dma_semaphore, #tpu.memory_space<semaphore_mem>>) src(%dma_wait3A_1420 : memref<64x128xf32, #tpu.memory_space<vmem>>) dst(%dma_wait3A_1416 : memref<64x128xf32, #tpu.memory_space<hbm>>)
      } else {
      }
      %lt3A_390 = arith.constant 100 : i32
      %lt3A_391 = arith.cmpi slt, %add3A_384, %lt3A_390 : i32
      %convert_element_type3A_392 = arith.extui %lt3A_391 : i1 to i32
      %cond3A_393 = arith.constant 0 : i32
      %cond3A_394 = arith.cmpi ne, %convert_element_type3A_392, %cond3A_393 : i32
      scf.if %cond3A_394 {
        %jit3A_1405 = arith.constant 2 : i32
        %div3A_1406 = arith.divsi %add3A_384, %jit3A_1405 : i32
        %sign3A_1407 = arith.constant 0 : i32
        %sign3A_1408 = arith.cmpi sgt, %add3A_384, %sign3A_1407 : i32
        %sign3A_1409 = arith.extui %sign3A_1408 : i1 to i32
        %sign3A_1410 = arith.constant 0 : i32
        %sign3A_1411 = arith.cmpi slt, %add3A_384, %sign3A_1410 : i32
        %sign3A_1412 = arith.extui %sign3A_1411 : i1 to i32
        %sign3A_1413 = arith.subi %sign3A_1409, %sign3A_1412 : i32
        %sign3A_1414 = arith.constant 0 : i32
        %sign3A_1415 = arith.cmpi sgt, %jit3A_1405, %sign3A_1414 : i32
        %sign3A_1416 = arith.extui %sign3A_1415 : i1 to i32
        %sign3A_1417 = arith.constant 0 : i32
        %sign3A_1418 = arith.cmpi slt, %jit3A_1405, %sign3A_1417 : i32
        %sign3A_1419 = arith.extui %sign3A_1418 : i1 to i32
        %sign3A_1420 = arith.subi %sign3A_1416, %sign3A_1419 : i32
        %ne3A_1421 = arith.cmpi ne, %sign3A_1413, %sign3A_1420 : i32
        %rem3A_1422 = arith.remsi %add3A_384, %jit3A_1405 : i32
        %ne3A_1423 = arith.constant 0 : i32
        %ne3A_1424 = arith.cmpi ne, %rem3A_1422, %ne3A_1423 : i32
        %and3A_1425 = arith.andi %ne3A_1421, %ne3A_1424 : i1
        %sub3A_1426 = arith.constant 1 : i32
        %sub3A_1427 = arith.subi %div3A_1406, %sub3A_1426 : i32
        %select_n3A_1428 = arith.select %and3A_1425, %sub3A_1427, %div3A_1406 : i32
        %jit3A_1429 = arith.constant 2 : i32
        %eq3A_1430 = arith.constant 0 : i32
        %eq3A_1431 = arith.cmpi eq, %jit3A_1429, %eq3A_1430 : i32
        %jit3A_1432 = arith.constant 1 : i32
        %select_n3A_1433 = arith.select %eq3A_1431, %jit3A_1432, %jit3A_1429 : i32
        %rem3A_1434 = arith.remsi %add3A_384, %select_n3A_1433 : i32
        %ne3A_1435 = arith.constant 0 : i32
        %ne3A_1436 = arith.cmpi ne, %rem3A_1434, %ne3A_1435 : i32
        %lt3A_1437 = arith.constant 0 : i32
        %lt3A_1438 = arith.cmpi slt, %rem3A_1434, %lt3A_1437 : i32
        %lt3A_1439 = arith.constant 0 : i32
        %lt3A_1440 = arith.cmpi slt, %select_n3A_1433, %lt3A_1439 : i32
        %ne3A_1441 = arith.xori %lt3A_1438, %lt3A_1440 : i1
        %and3A_1442 = arith.andi %ne3A_1441, %ne3A_1436 : i1
        %add3A_1443 = arith.addi %rem3A_1434, %select_n3A_1433 : i32
        %select_n3A_1444 = arith.select %and3A_1442, %add3A_1443, %rem3A_1434 : i32
        %mul3A_1445 = arith.constant 64 : i32
        %mul3A_1446 = arith.muli %select_n3A_1444, %mul3A_1445 : i32
        %dma_start3A_1447 = arith.constant 0 : i32
        %dma_start3A_1448 = arith.constant 0 : i32
        %dma_start3A_1449 = arith.constant 0 : i32
        %dma_start3A_1450 = tpu.memref_slice %arg6[%dma_start3A_1447, %dma_start3A_1448, %dma_start3A_1449] : memref<10x64x128xf32, #tpu.memory_space<vmem>> -> memref<1x64x128xf32, #tpu.memory_space<vmem>>
        %dma_start3A_1451 = tpu.memref_squeeze %dma_start3A_1450 : memref<1x64x128xf32, #tpu.memory_space<vmem>> -> memref<64x128xf32, #tpu.memory_space<vmem>>
        %dma_start3A_1452 = tpu.memref_slice %arg5[%select_n3A_1428, %mul3A_1446] : memref<50x128xi32, #tpu.memory_space<vmem>> -> memref<1x64xi32, #tpu.memory_space<vmem>>
        %dma_start3A_1453 = tpu.memref_squeeze %dma_start3A_1452 : memref<1x64xi32, #tpu.memory_space<vmem>> -> memref<64xi32, #tpu.memory_space<vmem>>
        %dma_start3A_1454 = arith.constant 0 : i32
        %dma_start3A_1455 = arith.constant 0 : i32
        %dma_start3A_1456 = tpu.memref_slice %arg2[%dma_start3A_1454, %dma_start3A_1455] : memref<100000x128xf32, #tpu.memory_space<hbm>> -> memref<100000x128xf32, #tpu.memory_space<hbm>>
        tpu.enqueue_indirect_dma source(%dma_start3A_1456 : memref<100000x128xf32, #tpu.memory_space<hbm>>) target(%dma_start3A_1451 : memref<64x128xf32, #tpu.memory_space<vmem>>) offsets(%dma_start3A_1453 : memref<64xi32, #tpu.memory_space<vmem>>) semaphore(%arg7 : memref<!tpu.dma_semaphore, #tpu.memory_space<semaphore_mem>>)
      } else {
      }
      %jit3A_395 = arith.constant 2 : i32
      %div3A_396 = arith.divsi %add3A_382, %jit3A_395 : i32
      %sign3A_397 = arith.constant 0 : i32
      %sign3A_398 = arith.cmpi sgt, %add3A_382, %sign3A_397 : i32
      %sign3A_399 = arith.extui %sign3A_398 : i1 to i32
      %sign3A_400 = arith.constant 0 : i32
      %sign3A_401 = arith.cmpi slt, %add3A_382, %sign3A_400 : i32
      %sign3A_402 = arith.extui %sign3A_401 : i1 to i32
      %sign3A_403 = arith.subi %sign3A_399, %sign3A_402 : i32
      %sign3A_404 = arith.constant 0 : i32
      %sign3A_405 = arith.cmpi sgt, %jit3A_395, %sign3A_404 : i32
      %sign3A_406 = arith.extui %sign3A_405 : i1 to i32
      %sign3A_407 = arith.constant 0 : i32
      %sign3A_408 = arith.cmpi slt, %jit3A_395, %sign3A_407 : i32
      %sign3A_409 = arith.extui %sign3A_408 : i1 to i32
      %sign3A_410 = arith.subi %sign3A_406, %sign3A_409 : i32
      %ne3A_411 = arith.cmpi ne, %sign3A_403, %sign3A_410 : i32
      %rem3A_412 = arith.remsi %add3A_382, %jit3A_395 : i32
      %ne3A_413 = arith.constant 0 : i32
      %ne3A_414 = arith.cmpi ne, %rem3A_412, %ne3A_413 : i32
      %and3A_415 = arith.andi %ne3A_411, %ne3A_414 : i1
      %sub3A_416 = arith.constant 1 : i32
      %sub3A_417 = arith.subi %div3A_396, %sub3A_416 : i32
      %select_n3A_418 = arith.select %and3A_415, %sub3A_417, %div3A_396 : i32
      %jit3A_419 = arith.constant 2 : i32
      %eq3A_420 = arith.constant 0 : i32
      %eq3A_421 = arith.cmpi eq, %jit3A_419, %eq3A_420 : i32
      %jit3A_422 = arith.constant 1 : i32
      %select_n3A_423 = arith.select %eq3A_421, %jit3A_422, %jit3A_419 : i32
      %rem3A_424 = arith.remsi %add3A_382, %select_n3A_423 : i32
      %ne3A_425 = arith.constant 0 : i32
      %ne3A_426 = arith.cmpi ne, %rem3A_424, %ne3A_425 : i32
      %lt3A_427 = arith.constant 0 : i32
      %lt3A_428 = arith.cmpi slt, %rem3A_424, %lt3A_427 : i32
      %lt3A_429 = arith.constant 0 : i32
      %lt3A_430 = arith.cmpi slt, %select_n3A_423, %lt3A_429 : i32
      %ne3A_431 = arith.xori %lt3A_428, %lt3A_430 : i1
      %and3A_432 = arith.andi %ne3A_431, %ne3A_426 : i1
      %add3A_433 = arith.addi %rem3A_424, %select_n3A_423 : i32
      %select_n3A_434 = arith.select %and3A_432, %add3A_433, %rem3A_424 : i32
      %mul3A_435 = arith.constant 64 : i32
      %mul3A_436 = arith.muli %select_n3A_434, %mul3A_435 : i32
      %dma_wait3A_437 = arith.constant 2 : i32
      %dma_wait3A_438 = arith.constant 0 : i32
      %dma_wait3A_439 = arith.constant 0 : i32
      %dma_wait3A_440 = tpu.memref_slice %arg6[%dma_wait3A_437, %dma_wait3A_438, %dma_wait3A_439] : memref<10x64x128xf32, #tpu.memory_space<vmem>> -> memref<1x64x128xf32, #tpu.memory_space<vmem>>
      %dma_wait3A_441 = tpu.memref_squeeze %dma_wait3A_440 : memref<1x64x128xf32, #tpu.memory_space<vmem>> -> memref<64x128xf32, #tpu.memory_space<vmem>>
      %dma_wait3A_442 = tpu.memref_slice %arg5[%select_n3A_418, %mul3A_436] : memref<50x128xi32, #tpu.memory_space<vmem>> -> memref<1x64xi32, #tpu.memory_space<vmem>>
      %dma_wait3A_443 = tpu.memref_squeeze %dma_wait3A_442 : memref<1x64xi32, #tpu.memory_space<vmem>> -> memref<64xi32, #tpu.memory_space<vmem>>
      %dma_wait3A_444 = arith.constant 0 : i32
      %dma_wait3A_445 = arith.constant 0 : i32
      %dma_wait3A_446 = tpu.memref_slice %arg2[%dma_wait3A_444, %dma_wait3A_445] : memref<100000x128xf32, #tpu.memory_space<hbm>> -> memref<100000x128xf32, #tpu.memory_space<hbm>>
      tpu.wait_indirect_dma semaphore(%arg9 : memref<!tpu.dma_semaphore, #tpu.memory_space<semaphore_mem>>) src(%dma_wait3A_446 : memref<100000x128xf32, #tpu.memory_space<hbm>>) dst(%dma_wait3A_441 : memref<64x128xf32, #tpu.memory_space<vmem>>)
      %jit3A_447 = arith.constant 2 : i32
      %div3A_448 = arith.divsi %add3A_382, %jit3A_447 : i32
      %sign3A_449 = arith.constant 0 : i32
      %sign3A_450 = arith.cmpi sgt, %add3A_382, %sign3A_449 : i32
      %sign3A_451 = arith.extui %sign3A_450 : i1 to i32
      %sign3A_452 = arith.constant 0 : i32
      %sign3A_453 = arith.cmpi slt, %add3A_382, %sign3A_452 : i32
      %sign3A_454 = arith.extui %sign3A_453 : i1 to i32
      %sign3A_455 = arith.subi %sign3A_451, %sign3A_454 : i32
      %sign3A_456 = arith.constant 0 : i32
      %sign3A_457 = arith.cmpi sgt, %jit3A_447, %sign3A_456 : i32
      %sign3A_458 = arith.extui %sign3A_457 : i1 to i32
      %sign3A_459 = arith.constant 0 : i32
      %sign3A_460 = arith.cmpi slt, %jit3A_447, %sign3A_459 : i32
      %sign3A_461 = arith.extui %sign3A_460 : i1 to i32
      %sign3A_462 = arith.subi %sign3A_458, %sign3A_461 : i32
      %ne3A_463 = arith.cmpi ne, %sign3A_455, %sign3A_462 : i32
      %rem3A_464 = arith.remsi %add3A_382, %jit3A_447 : i32
      %ne3A_465 = arith.constant 0 : i32
      %ne3A_466 = arith.cmpi ne, %rem3A_464, %ne3A_465 : i32
      %and3A_467 = arith.andi %ne3A_463, %ne3A_466 : i1
      %sub3A_468 = arith.constant 1 : i32
      %sub3A_469 = arith.subi %div3A_448, %sub3A_468 : i32
      %select_n3A_470 = arith.select %and3A_467, %sub3A_469, %div3A_448 : i32
      %mul3A_471 = arith.constant 4096 : i32
      %mul3A_472 = arith.muli %select_n3A_470, %mul3A_471 : i32
      %mul3A_473 = arith.constant 128 : i32
      %mul3A_474 = arith.muli %add3A, %mul3A_473 : i32
      %add3A_475 = arith.addi %mul3A_472, %mul3A_474 : i32
      %jit3A_476 = arith.constant 2 : i32
      %eq3A_477 = arith.constant 0 : i32
      %eq3A_478 = arith.cmpi eq, %jit3A_476, %eq3A_477 : i32
      %jit3A_479 = arith.constant 1 : i32
      %select_n3A_480 = arith.select %eq3A_478, %jit3A_479, %jit3A_476 : i32
      %rem3A_481 = arith.remsi %add3A_382, %select_n3A_480 : i32
      %ne3A_482 = arith.constant 0 : i32
      %ne3A_483 = arith.cmpi ne, %rem3A_481, %ne3A_482 : i32
      %lt3A_484 = arith.constant 0 : i32
      %lt3A_485 = arith.cmpi slt, %rem3A_481, %lt3A_484 : i32
      %lt3A_486 = arith.constant 0 : i32
      %lt3A_487 = arith.cmpi slt, %select_n3A_480, %lt3A_486 : i32
      %ne3A_488 = arith.xori %lt3A_485, %lt3A_487 : i1
      %and3A_489 = arith.andi %ne3A_488, %ne3A_483 : i1
      %add3A_490 = arith.addi %rem3A_481, %select_n3A_480 : i32
      %select_n3A_491 = arith.select %and3A_489, %add3A_490, %rem3A_481 : i32
      %mul3A_492 = arith.constant 64 : i32
      %mul3A_493 = arith.muli %select_n3A_491, %mul3A_492 : i32
      %add3A_494 = arith.addi %add3A_475, %mul3A_493 : i32
      %multiple_of3A_495 = tpu.assume_multiple %add3A_494, 64 : i32
      %dma_start3A_496 = arith.constant 2 : i32
      %dma_start3A_497 = arith.constant 0 : i32
      %dma_start3A_498 = arith.constant 0 : i32
      %dma_start3A_499 = tpu.memref_slice %arg6[%dma_start3A_496, %dma_start3A_497, %dma_start3A_498] : memref<10x64x128xf32, #tpu.memory_space<vmem>> -> memref<1x64x128xf32, #tpu.memory_space<vmem>>
      %dma_start3A_500 = tpu.memref_squeeze %dma_start3A_499 : memref<1x64x128xf32, #tpu.memory_space<vmem>> -> memref<64x128xf32, #tpu.memory_space<vmem>>
      %dma_start3A_501 = arith.constant 0 : i32
      %dma_start3A_502 = tpu.memref_slice %arg4[%multiple_of3A_495, %dma_start3A_501] : memref<204800x128xf32, #tpu.memory_space<hbm>> -> memref<64x128xf32, #tpu.memory_space<hbm>>
      %dma_start3A_503 = arith.constant 0 : i32
      %dma_start3A_504 = tpu.memref_slice %arg4[%multiple_of3A_495, %dma_start3A_503] : memref<204800x128xf32, #tpu.memory_space<hbm>> -> memref<64x128xf32, #tpu.memory_space<hbm>>
      %dma_start3A_505 = arith.constant 0 : i32
      %dma_start3A_506 = arith.constant 0 : i32
      %dma_start3A_507 = tpu.memref_slice %arg6[%dma_start3A_496, %dma_start3A_505, %dma_start3A_506] : memref<10x64x128xf32, #tpu.memory_space<vmem>> -> memref<1x64x128xf32, #tpu.memory_space<vmem>>
      %dma_start3A_508 = tpu.memref_squeeze %dma_start3A_507 : memref<1x64x128xf32, #tpu.memory_space<vmem>> -> memref<64x128xf32, #tpu.memory_space<vmem>>
      tpu.enqueue_dma source(%dma_start3A_508 : memref<64x128xf32, #tpu.memory_space<vmem>>) target(%dma_start3A_504 : memref<64x128xf32, #tpu.memory_space<hbm>>) target_semaphore(%arg19 : memref<!tpu.dma_semaphore, #tpu.memory_space<semaphore_mem>>)
      %add3A_509 = arith.constant 3 : i32
      %add3A_510 = arith.addi %add3A_137, %add3A_509 : i32
      %add3A_511 = arith.constant 8 : i32
      %add3A_512 = arith.addi %add3A_510, %add3A_511 : i32
      %ge3A_513 = arith.constant 10 : i32
      %ge3A_514 = arith.cmpi sge, %add3A_512, %ge3A_513 : i32
      %convert_element_type3A_515 = arith.extui %ge3A_514 : i1 to i32
      %cond3A_516 = arith.constant 0 : i32
      %cond3A_517 = arith.cmpi ne, %convert_element_type3A_515, %cond3A_516 : i32
      scf.if %cond3A_517 {
        %mul3A_1405 = arith.constant 128 : i32
        %mul3A_1406 = arith.muli %add3A, %mul3A_1405 : i32
        %multiple_of3A_1407 = tpu.assume_multiple %mul3A_1406, 64 : i32
        %dma_wait3A_1408 = arith.constant 1 : i32
        %dma_wait3A_1409 = arith.constant 0 : i32
        %dma_wait3A_1410 = arith.constant 0 : i32
        %dma_wait3A_1411 = tpu.memref_slice %arg6[%dma_wait3A_1408, %dma_wait3A_1409, %dma_wait3A_1410] : memref<10x64x128xf32, #tpu.memory_space<vmem>> -> memref<1x64x128xf32, #tpu.memory_space<vmem>>
        %dma_wait3A_1412 = tpu.memref_squeeze %dma_wait3A_1411 : memref<1x64x128xf32, #tpu.memory_space<vmem>> -> memref<64x128xf32, #tpu.memory_space<vmem>>
        %dma_wait3A_1413 = arith.constant 0 : i32
        %dma_wait3A_1414 = tpu.memref_slice %arg4[%multiple_of3A_1407, %dma_wait3A_1413] : memref<204800x128xf32, #tpu.memory_space<hbm>> -> memref<64x128xf32, #tpu.memory_space<hbm>>
        %dma_wait3A_1415 = arith.constant 0 : i32
        %dma_wait3A_1416 = tpu.memref_slice %arg4[%multiple_of3A_1407, %dma_wait3A_1415] : memref<204800x128xf32, #tpu.memory_space<hbm>> -> memref<64x128xf32, #tpu.memory_space<hbm>>
        %dma_wait3A_1417 = arith.constant 0 : i32
        %dma_wait3A_1418 = arith.constant 0 : i32
        %dma_wait3A_1419 = tpu.memref_slice %arg6[%dma_wait3A_1408, %dma_wait3A_1417, %dma_wait3A_1418] : memref<10x64x128xf32, #tpu.memory_space<vmem>> -> memref<1x64x128xf32, #tpu.memory_space<vmem>>
        %dma_wait3A_1420 = tpu.memref_squeeze %dma_wait3A_1419 : memref<1x64x128xf32, #tpu.memory_space<vmem>> -> memref<64x128xf32, #tpu.memory_space<vmem>>
        tpu.wait_dma2 semaphore(%arg18 : memref<!tpu.dma_semaphore, #tpu.memory_space<semaphore_mem>>) src(%dma_wait3A_1420 : memref<64x128xf32, #tpu.memory_space<vmem>>) dst(%dma_wait3A_1416 : memref<64x128xf32, #tpu.memory_space<hbm>>)
      } else {
      }
      %lt3A_518 = arith.constant 100 : i32
      %lt3A_519 = arith.cmpi slt, %add3A_512, %lt3A_518 : i32
      %convert_element_type3A_520 = arith.extui %lt3A_519 : i1 to i32
      %cond3A_521 = arith.constant 0 : i32
      %cond3A_522 = arith.cmpi ne, %convert_element_type3A_520, %cond3A_521 : i32
      scf.if %cond3A_522 {
        %jit3A_1405 = arith.constant 2 : i32
        %div3A_1406 = arith.divsi %add3A_512, %jit3A_1405 : i32
        %sign3A_1407 = arith.constant 0 : i32
        %sign3A_1408 = arith.cmpi sgt, %add3A_512, %sign3A_1407 : i32
        %sign3A_1409 = arith.extui %sign3A_1408 : i1 to i32
        %sign3A_1410 = arith.constant 0 : i32
        %sign3A_1411 = arith.cmpi slt, %add3A_512, %sign3A_1410 : i32
        %sign3A_1412 = arith.extui %sign3A_1411 : i1 to i32
        %sign3A_1413 = arith.subi %sign3A_1409, %sign3A_1412 : i32
        %sign3A_1414 = arith.constant 0 : i32
        %sign3A_1415 = arith.cmpi sgt, %jit3A_1405, %sign3A_1414 : i32
        %sign3A_1416 = arith.extui %sign3A_1415 : i1 to i32
        %sign3A_1417 = arith.constant 0 : i32
        %sign3A_1418 = arith.cmpi slt, %jit3A_1405, %sign3A_1417 : i32
        %sign3A_1419 = arith.extui %sign3A_1418 : i1 to i32
        %sign3A_1420 = arith.subi %sign3A_1416, %sign3A_1419 : i32
        %ne3A_1421 = arith.cmpi ne, %sign3A_1413, %sign3A_1420 : i32
        %rem3A_1422 = arith.remsi %add3A_512, %jit3A_1405 : i32
        %ne3A_1423 = arith.constant 0 : i32
        %ne3A_1424 = arith.cmpi ne, %rem3A_1422, %ne3A_1423 : i32
        %and3A_1425 = arith.andi %ne3A_1421, %ne3A_1424 : i1
        %sub3A_1426 = arith.constant 1 : i32
        %sub3A_1427 = arith.subi %div3A_1406, %sub3A_1426 : i32
        %select_n3A_1428 = arith.select %and3A_1425, %sub3A_1427, %div3A_1406 : i32
        %jit3A_1429 = arith.constant 2 : i32
        %eq3A_1430 = arith.constant 0 : i32
        %eq3A_1431 = arith.cmpi eq, %jit3A_1429, %eq3A_1430 : i32
        %jit3A_1432 = arith.constant 1 : i32
        %select_n3A_1433 = arith.select %eq3A_1431, %jit3A_1432, %jit3A_1429 : i32
        %rem3A_1434 = arith.remsi %add3A_512, %select_n3A_1433 : i32
        %ne3A_1435 = arith.constant 0 : i32
        %ne3A_1436 = arith.cmpi ne, %rem3A_1434, %ne3A_1435 : i32
        %lt3A_1437 = arith.constant 0 : i32
        %lt3A_1438 = arith.cmpi slt, %rem3A_1434, %lt3A_1437 : i32
        %lt3A_1439 = arith.constant 0 : i32
        %lt3A_1440 = arith.cmpi slt, %select_n3A_1433, %lt3A_1439 : i32
        %ne3A_1441 = arith.xori %lt3A_1438, %lt3A_1440 : i1
        %and3A_1442 = arith.andi %ne3A_1441, %ne3A_1436 : i1
        %add3A_1443 = arith.addi %rem3A_1434, %select_n3A_1433 : i32
        %select_n3A_1444 = arith.select %and3A_1442, %add3A_1443, %rem3A_1434 : i32
        %mul3A_1445 = arith.constant 64 : i32
        %mul3A_1446 = arith.muli %select_n3A_1444, %mul3A_1445 : i32
        %dma_start3A_1447 = arith.constant 1 : i32
        %dma_start3A_1448 = arith.constant 0 : i32
        %dma_start3A_1449 = arith.constant 0 : i32
        %dma_start3A_1450 = tpu.memref_slice %arg6[%dma_start3A_1447, %dma_start3A_1448, %dma_start3A_1449] : memref<10x64x128xf32, #tpu.memory_space<vmem>> -> memref<1x64x128xf32, #tpu.memory_space<vmem>>
        %dma_start3A_1451 = tpu.memref_squeeze %dma_start3A_1450 : memref<1x64x128xf32, #tpu.memory_space<vmem>> -> memref<64x128xf32, #tpu.memory_space<vmem>>
        %dma_start3A_1452 = tpu.memref_slice %arg5[%select_n3A_1428, %mul3A_1446] : memref<50x128xi32, #tpu.memory_space<vmem>> -> memref<1x64xi32, #tpu.memory_space<vmem>>
        %dma_start3A_1453 = tpu.memref_squeeze %dma_start3A_1452 : memref<1x64xi32, #tpu.memory_space<vmem>> -> memref<64xi32, #tpu.memory_space<vmem>>
        %dma_start3A_1454 = arith.constant 0 : i32
        %dma_start3A_1455 = arith.constant 0 : i32
        %dma_start3A_1456 = tpu.memref_slice %arg2[%dma_start3A_1454, %dma_start3A_1455] : memref<100000x128xf32, #tpu.memory_space<hbm>> -> memref<100000x128xf32, #tpu.memory_space<hbm>>
        tpu.enqueue_indirect_dma source(%dma_start3A_1456 : memref<100000x128xf32, #tpu.memory_space<hbm>>) target(%dma_start3A_1451 : memref<64x128xf32, #tpu.memory_space<vmem>>) offsets(%dma_start3A_1453 : memref<64xi32, #tpu.memory_space<vmem>>) semaphore(%arg8 : memref<!tpu.dma_semaphore, #tpu.memory_space<semaphore_mem>>)
      } else {
      }
      %jit3A_523 = arith.constant 2 : i32
      %div3A_524 = arith.divsi %add3A_510, %jit3A_523 : i32
      %sign3A_525 = arith.constant 0 : i32
      %sign3A_526 = arith.cmpi sgt, %add3A_510, %sign3A_525 : i32
      %sign3A_527 = arith.extui %sign3A_526 : i1 to i32
      %sign3A_528 = arith.constant 0 : i32
      %sign3A_529 = arith.cmpi slt, %add3A_510, %sign3A_528 : i32
      %sign3A_530 = arith.extui %sign3A_529 : i1 to i32
      %sign3A_531 = arith.subi %sign3A_527, %sign3A_530 : i32
      %sign3A_532 = arith.constant 0 : i32
      %sign3A_533 = arith.cmpi sgt, %jit3A_523, %sign3A_532 : i32
      %sign3A_534 = arith.extui %sign3A_533 : i1 to i32
      %sign3A_535 = arith.constant 0 : i32
      %sign3A_536 = arith.cmpi slt, %jit3A_523, %sign3A_535 : i32
      %sign3A_537 = arith.extui %sign3A_536 : i1 to i32
      %sign3A_538 = arith.subi %sign3A_534, %sign3A_537 : i32
      %ne3A_539 = arith.cmpi ne, %sign3A_531, %sign3A_538 : i32
      %rem3A_540 = arith.remsi %add3A_510, %jit3A_523 : i32
      %ne3A_541 = arith.constant 0 : i32
      %ne3A_542 = arith.cmpi ne, %rem3A_540, %ne3A_541 : i32
      %and3A_543 = arith.andi %ne3A_539, %ne3A_542 : i1
      %sub3A_544 = arith.constant 1 : i32
      %sub3A_545 = arith.subi %div3A_524, %sub3A_544 : i32
      %select_n3A_546 = arith.select %and3A_543, %sub3A_545, %div3A_524 : i32
      %jit3A_547 = arith.constant 2 : i32
      %eq3A_548 = arith.constant 0 : i32
      %eq3A_549 = arith.cmpi eq, %jit3A_547, %eq3A_548 : i32
      %jit3A_550 = arith.constant 1 : i32
      %select_n3A_551 = arith.select %eq3A_549, %jit3A_550, %jit3A_547 : i32
      %rem3A_552 = arith.remsi %add3A_510, %select_n3A_551 : i32
      %ne3A_553 = arith.constant 0 : i32
      %ne3A_554 = arith.cmpi ne, %rem3A_552, %ne3A_553 : i32
      %lt3A_555 = arith.constant 0 : i32
      %lt3A_556 = arith.cmpi slt, %rem3A_552, %lt3A_555 : i32
      %lt3A_557 = arith.constant 0 : i32
      %lt3A_558 = arith.cmpi slt, %select_n3A_551, %lt3A_557 : i32
      %ne3A_559 = arith.xori %lt3A_556, %lt3A_558 : i1
      %and3A_560 = arith.andi %ne3A_559, %ne3A_554 : i1
      %add3A_561 = arith.addi %rem3A_552, %select_n3A_551 : i32
      %select_n3A_562 = arith.select %and3A_560, %add3A_561, %rem3A_552 : i32
      %mul3A_563 = arith.constant 64 : i32
      %mul3A_564 = arith.muli %select_n3A_562, %mul3A_563 : i32
      %dma_wait3A_565 = arith.constant 3 : i32
      %dma_wait3A_566 = arith.constant 0 : i32
      %dma_wait3A_567 = arith.constant 0 : i32
      %dma_wait3A_568 = tpu.memref_slice %arg6[%dma_wait3A_565, %dma_wait3A_566, %dma_wait3A_567] : memref<10x64x128xf32, #tpu.memory_space<vmem>> -> memref<1x64x128xf32, #tpu.memory_space<vmem>>
      %dma_wait3A_569 = tpu.memref_squeeze %dma_wait3A_568 : memref<1x64x128xf32, #tpu.memory_space<vmem>> -> memref<64x128xf32, #tpu.memory_space<vmem>>
      %dma_wait3A_570 = tpu.memref_slice %arg5[%select_n3A_546, %mul3A_564] : memref<50x128xi32, #tpu.memory_space<vmem>> -> memref<1x64xi32, #tpu.memory_space<vmem>>
      %dma_wait3A_571 = tpu.memref_squeeze %dma_wait3A_570 : memref<1x64xi32, #tpu.memory_space<vmem>> -> memref<64xi32, #tpu.memory_space<vmem>>
      %dma_wait3A_572 = arith.constant 0 : i32
      %dma_wait3A_573 = arith.constant 0 : i32
      %dma_wait3A_574 = tpu.memref_slice %arg2[%dma_wait3A_572, %dma_wait3A_573] : memref<100000x128xf32, #tpu.memory_space<hbm>> -> memref<100000x128xf32, #tpu.memory_space<hbm>>
      tpu.wait_indirect_dma semaphore(%arg10 : memref<!tpu.dma_semaphore, #tpu.memory_space<semaphore_mem>>) src(%dma_wait3A_574 : memref<100000x128xf32, #tpu.memory_space<hbm>>) dst(%dma_wait3A_569 : memref<64x128xf32, #tpu.memory_space<vmem>>)
      %jit3A_575 = arith.constant 2 : i32
      %div3A_576 = arith.divsi %add3A_510, %jit3A_575 : i32
      %sign3A_577 = arith.constant 0 : i32
      %sign3A_578 = arith.cmpi sgt, %add3A_510, %sign3A_577 : i32
      %sign3A_579 = arith.extui %sign3A_578 : i1 to i32
      %sign3A_580 = arith.constant 0 : i32
      %sign3A_581 = arith.cmpi slt, %add3A_510, %sign3A_580 : i32
      %sign3A_582 = arith.extui %sign3A_581 : i1 to i32
      %sign3A_583 = arith.subi %sign3A_579, %sign3A_582 : i32
      %sign3A_584 = arith.constant 0 : i32
      %sign3A_585 = arith.cmpi sgt, %jit3A_575, %sign3A_584 : i32
      %sign3A_586 = arith.extui %sign3A_585 : i1 to i32
      %sign3A_587 = arith.constant 0 : i32
      %sign3A_588 = arith.cmpi slt, %jit3A_575, %sign3A_587 : i32
      %sign3A_589 = arith.extui %sign3A_588 : i1 to i32
      %sign3A_590 = arith.subi %sign3A_586, %sign3A_589 : i32
      %ne3A_591 = arith.cmpi ne, %sign3A_583, %sign3A_590 : i32
      %rem3A_592 = arith.remsi %add3A_510, %jit3A_575 : i32
      %ne3A_593 = arith.constant 0 : i32
      %ne3A_594 = arith.cmpi ne, %rem3A_592, %ne3A_593 : i32
      %and3A_595 = arith.andi %ne3A_591, %ne3A_594 : i1
      %sub3A_596 = arith.constant 1 : i32
      %sub3A_597 = arith.subi %div3A_576, %sub3A_596 : i32
      %select_n3A_598 = arith.select %and3A_595, %sub3A_597, %div3A_576 : i32
      %mul3A_599 = arith.constant 4096 : i32
      %mul3A_600 = arith.muli %select_n3A_598, %mul3A_599 : i32
      %mul3A_601 = arith.constant 128 : i32
      %mul3A_602 = arith.muli %add3A, %mul3A_601 : i32
      %add3A_603 = arith.addi %mul3A_600, %mul3A_602 : i32
      %jit3A_604 = arith.constant 2 : i32
      %eq3A_605 = arith.constant 0 : i32
      %eq3A_606 = arith.cmpi eq, %jit3A_604, %eq3A_605 : i32
      %jit3A_607 = arith.constant 1 : i32
      %select_n3A_608 = arith.select %eq3A_606, %jit3A_607, %jit3A_604 : i32
      %rem3A_609 = arith.remsi %add3A_510, %select_n3A_608 : i32
      %ne3A_610 = arith.constant 0 : i32
      %ne3A_611 = arith.cmpi ne, %rem3A_609, %ne3A_610 : i32
      %lt3A_612 = arith.constant 0 : i32
      %lt3A_613 = arith.cmpi slt, %rem3A_609, %lt3A_612 : i32
      %lt3A_614 = arith.constant 0 : i32
      %lt3A_615 = arith.cmpi slt, %select_n3A_608, %lt3A_614 : i32
      %ne3A_616 = arith.xori %lt3A_613, %lt3A_615 : i1
      %and3A_617 = arith.andi %ne3A_616, %ne3A_611 : i1
      %add3A_618 = arith.addi %rem3A_609, %select_n3A_608 : i32
      %select_n3A_619 = arith.select %and3A_617, %add3A_618, %rem3A_609 : i32
      %mul3A_620 = arith.constant 64 : i32
      %mul3A_621 = arith.muli %select_n3A_619, %mul3A_620 : i32
      %add3A_622 = arith.addi %add3A_603, %mul3A_621 : i32
      %multiple_of3A_623 = tpu.assume_multiple %add3A_622, 64 : i32
      %dma_start3A_624 = arith.constant 3 : i32
      %dma_start3A_625 = arith.constant 0 : i32
      %dma_start3A_626 = arith.constant 0 : i32
      %dma_start3A_627 = tpu.memref_slice %arg6[%dma_start3A_624, %dma_start3A_625, %dma_start3A_626] : memref<10x64x128xf32, #tpu.memory_space<vmem>> -> memref<1x64x128xf32, #tpu.memory_space<vmem>>
      %dma_start3A_628 = tpu.memref_squeeze %dma_start3A_627 : memref<1x64x128xf32, #tpu.memory_space<vmem>> -> memref<64x128xf32, #tpu.memory_space<vmem>>
      %dma_start3A_629 = arith.constant 0 : i32
      %dma_start3A_630 = tpu.memref_slice %arg4[%multiple_of3A_623, %dma_start3A_629] : memref<204800x128xf32, #tpu.memory_space<hbm>> -> memref<64x128xf32, #tpu.memory_space<hbm>>
      %dma_start3A_631 = arith.constant 0 : i32
      %dma_start3A_632 = tpu.memref_slice %arg4[%multiple_of3A_623, %dma_start3A_631] : memref<204800x128xf32, #tpu.memory_space<hbm>> -> memref<64x128xf32, #tpu.memory_space<hbm>>
      %dma_start3A_633 = arith.constant 0 : i32
      %dma_start3A_634 = arith.constant 0 : i32
      %dma_start3A_635 = tpu.memref_slice %arg6[%dma_start3A_624, %dma_start3A_633, %dma_start3A_634] : memref<10x64x128xf32, #tpu.memory_space<vmem>> -> memref<1x64x128xf32, #tpu.memory_space<vmem>>
      %dma_start3A_636 = tpu.memref_squeeze %dma_start3A_635 : memref<1x64x128xf32, #tpu.memory_space<vmem>> -> memref<64x128xf32, #tpu.memory_space<vmem>>
      tpu.enqueue_dma source(%dma_start3A_636 : memref<64x128xf32, #tpu.memory_space<vmem>>) target(%dma_start3A_632 : memref<64x128xf32, #tpu.memory_space<hbm>>) target_semaphore(%arg20 : memref<!tpu.dma_semaphore, #tpu.memory_space<semaphore_mem>>)
      %add3A_637 = arith.constant 4 : i32
      %add3A_638 = arith.addi %add3A_137, %add3A_637 : i32
      %add3A_639 = arith.constant 8 : i32
      %add3A_640 = arith.addi %add3A_638, %add3A_639 : i32
      %ge3A_641 = arith.constant 10 : i32
      %ge3A_642 = arith.cmpi sge, %add3A_640, %ge3A_641 : i32
      %convert_element_type3A_643 = arith.extui %ge3A_642 : i1 to i32
      %cond3A_644 = arith.constant 0 : i32
      %cond3A_645 = arith.cmpi ne, %convert_element_type3A_643, %cond3A_644 : i32
      scf.if %cond3A_645 {
        %mul3A_1405 = arith.constant 128 : i32
        %mul3A_1406 = arith.muli %add3A, %mul3A_1405 : i32
        %multiple_of3A_1407 = tpu.assume_multiple %mul3A_1406, 64 : i32
        %dma_wait3A_1408 = arith.constant 2 : i32
        %dma_wait3A_1409 = arith.constant 0 : i32
        %dma_wait3A_1410 = arith.constant 0 : i32
        %dma_wait3A_1411 = tpu.memref_slice %arg6[%dma_wait3A_1408, %dma_wait3A_1409, %dma_wait3A_1410] : memref<10x64x128xf32, #tpu.memory_space<vmem>> -> memref<1x64x128xf32, #tpu.memory_space<vmem>>
        %dma_wait3A_1412 = tpu.memref_squeeze %dma_wait3A_1411 : memref<1x64x128xf32, #tpu.memory_space<vmem>> -> memref<64x128xf32, #tpu.memory_space<vmem>>
        %dma_wait3A_1413 = arith.constant 0 : i32
        %dma_wait3A_1414 = tpu.memref_slice %arg4[%multiple_of3A_1407, %dma_wait3A_1413] : memref<204800x128xf32, #tpu.memory_space<hbm>> -> memref<64x128xf32, #tpu.memory_space<hbm>>
        %dma_wait3A_1415 = arith.constant 0 : i32
        %dma_wait3A_1416 = tpu.memref_slice %arg4[%multiple_of3A_1407, %dma_wait3A_1415] : memref<204800x128xf32, #tpu.memory_space<hbm>> -> memref<64x128xf32, #tpu.memory_space<hbm>>
        %dma_wait3A_1417 = arith.constant 0 : i32
        %dma_wait3A_1418 = arith.constant 0 : i32
        %dma_wait3A_1419 = tpu.memref_slice %arg6[%dma_wait3A_1408, %dma_wait3A_1417, %dma_wait3A_1418] : memref<10x64x128xf32, #tpu.memory_space<vmem>> -> memref<1x64x128xf32, #tpu.memory_space<vmem>>
        %dma_wait3A_1420 = tpu.memref_squeeze %dma_wait3A_1419 : memref<1x64x128xf32, #tpu.memory_space<vmem>> -> memref<64x128xf32, #tpu.memory_space<vmem>>
        tpu.wait_dma2 semaphore(%arg19 : memref<!tpu.dma_semaphore, #tpu.memory_space<semaphore_mem>>) src(%dma_wait3A_1420 : memref<64x128xf32, #tpu.memory_space<vmem>>) dst(%dma_wait3A_1416 : memref<64x128xf32, #tpu.memory_space<hbm>>)
      } else {
      }
      %lt3A_646 = arith.constant 100 : i32
      %lt3A_647 = arith.cmpi slt, %add3A_640, %lt3A_646 : i32
      %convert_element_type3A_648 = arith.extui %lt3A_647 : i1 to i32
      %cond3A_649 = arith.constant 0 : i32
      %cond3A_650 = arith.cmpi ne, %convert_element_type3A_648, %cond3A_649 : i32
      scf.if %cond3A_650 {
        %jit3A_1405 = arith.constant 2 : i32
        %div3A_1406 = arith.divsi %add3A_640, %jit3A_1405 : i32
        %sign3A_1407 = arith.constant 0 : i32
        %sign3A_1408 = arith.cmpi sgt, %add3A_640, %sign3A_1407 : i32
        %sign3A_1409 = arith.extui %sign3A_1408 : i1 to i32
        %sign3A_1410 = arith.constant 0 : i32
        %sign3A_1411 = arith.cmpi slt, %add3A_640, %sign3A_1410 : i32
        %sign3A_1412 = arith.extui %sign3A_1411 : i1 to i32
        %sign3A_1413 = arith.subi %sign3A_1409, %sign3A_1412 : i32
        %sign3A_1414 = arith.constant 0 : i32
        %sign3A_1415 = arith.cmpi sgt, %jit3A_1405, %sign3A_1414 : i32
        %sign3A_1416 = arith.extui %sign3A_1415 : i1 to i32
        %sign3A_1417 = arith.constant 0 : i32
        %sign3A_1418 = arith.cmpi slt, %jit3A_1405, %sign3A_1417 : i32
        %sign3A_1419 = arith.extui %sign3A_1418 : i1 to i32
        %sign3A_1420 = arith.subi %sign3A_1416, %sign3A_1419 : i32
        %ne3A_1421 = arith.cmpi ne, %sign3A_1413, %sign3A_1420 : i32
        %rem3A_1422 = arith.remsi %add3A_640, %jit3A_1405 : i32
        %ne3A_1423 = arith.constant 0 : i32
        %ne3A_1424 = arith.cmpi ne, %rem3A_1422, %ne3A_1423 : i32
        %and3A_1425 = arith.andi %ne3A_1421, %ne3A_1424 : i1
        %sub3A_1426 = arith.constant 1 : i32
        %sub3A_1427 = arith.subi %div3A_1406, %sub3A_1426 : i32
        %select_n3A_1428 = arith.select %and3A_1425, %sub3A_1427, %div3A_1406 : i32
        %jit3A_1429 = arith.constant 2 : i32
        %eq3A_1430 = arith.constant 0 : i32
        %eq3A_1431 = arith.cmpi eq, %jit3A_1429, %eq3A_1430 : i32
        %jit3A_1432 = arith.constant 1 : i32
        %select_n3A_1433 = arith.select %eq3A_1431, %jit3A_1432, %jit3A_1429 : i32
        %rem3A_1434 = arith.remsi %add3A_640, %select_n3A_1433 : i32
        %ne3A_1435 = arith.constant 0 : i32
        %ne3A_1436 = arith.cmpi ne, %rem3A_1434, %ne3A_1435 : i32
        %lt3A_1437 = arith.constant 0 : i32
        %lt3A_1438 = arith.cmpi slt, %rem3A_1434, %lt3A_1437 : i32
        %lt3A_1439 = arith.constant 0 : i32
        %lt3A_1440 = arith.cmpi slt, %select_n3A_1433, %lt3A_1439 : i32
        %ne3A_1441 = arith.xori %lt3A_1438, %lt3A_1440 : i1
        %and3A_1442 = arith.andi %ne3A_1441, %ne3A_1436 : i1
        %add3A_1443 = arith.addi %rem3A_1434, %select_n3A_1433 : i32
        %select_n3A_1444 = arith.select %and3A_1442, %add3A_1443, %rem3A_1434 : i32
        %mul3A_1445 = arith.constant 64 : i32
        %mul3A_1446 = arith.muli %select_n3A_1444, %mul3A_1445 : i32
        %dma_start3A_1447 = arith.constant 2 : i32
        %dma_start3A_1448 = arith.constant 0 : i32
        %dma_start3A_1449 = arith.constant 0 : i32
        %dma_start3A_1450 = tpu.memref_slice %arg6[%dma_start3A_1447, %dma_start3A_1448, %dma_start3A_1449] : memref<10x64x128xf32, #tpu.memory_space<vmem>> -> memref<1x64x128xf32, #tpu.memory_space<vmem>>
        %dma_start3A_1451 = tpu.memref_squeeze %dma_start3A_1450 : memref<1x64x128xf32, #tpu.memory_space<vmem>> -> memref<64x128xf32, #tpu.memory_space<vmem>>
        %dma_start3A_1452 = tpu.memref_slice %arg5[%select_n3A_1428, %mul3A_1446] : memref<50x128xi32, #tpu.memory_space<vmem>> -> memref<1x64xi32, #tpu.memory_space<vmem>>
        %dma_start3A_1453 = tpu.memref_squeeze %dma_start3A_1452 : memref<1x64xi32, #tpu.memory_space<vmem>> -> memref<64xi32, #tpu.memory_space<vmem>>
        %dma_start3A_1454 = arith.constant 0 : i32
        %dma_start3A_1455 = arith.constant 0 : i32
        %dma_start3A_1456 = tpu.memref_slice %arg2[%dma_start3A_1454, %dma_start3A_1455] : memref<100000x128xf32, #tpu.memory_space<hbm>> -> memref<100000x128xf32, #tpu.memory_space<hbm>>
        tpu.enqueue_indirect_dma source(%dma_start3A_1456 : memref<100000x128xf32, #tpu.memory_space<hbm>>) target(%dma_start3A_1451 : memref<64x128xf32, #tpu.memory_space<vmem>>) offsets(%dma_start3A_1453 : memref<64xi32, #tpu.memory_space<vmem>>) semaphore(%arg9 : memref<!tpu.dma_semaphore, #tpu.memory_space<semaphore_mem>>)
      } else {
      }
      %jit3A_651 = arith.constant 2 : i32
      %div3A_652 = arith.divsi %add3A_638, %jit3A_651 : i32
      %sign3A_653 = arith.constant 0 : i32
      %sign3A_654 = arith.cmpi sgt, %add3A_638, %sign3A_653 : i32
      %sign3A_655 = arith.extui %sign3A_654 : i1 to i32
      %sign3A_656 = arith.constant 0 : i32
      %sign3A_657 = arith.cmpi slt, %add3A_638, %sign3A_656 : i32
      %sign3A_658 = arith.extui %sign3A_657 : i1 to i32
      %sign3A_659 = arith.subi %sign3A_655, %sign3A_658 : i32
      %sign3A_660 = arith.constant 0 : i32
      %sign3A_661 = arith.cmpi sgt, %jit3A_651, %sign3A_660 : i32
      %sign3A_662 = arith.extui %sign3A_661 : i1 to i32
      %sign3A_663 = arith.constant 0 : i32
      %sign3A_664 = arith.cmpi slt, %jit3A_651, %sign3A_663 : i32
      %sign3A_665 = arith.extui %sign3A_664 : i1 to i32
      %sign3A_666 = arith.subi %sign3A_662, %sign3A_665 : i32
      %ne3A_667 = arith.cmpi ne, %sign3A_659, %sign3A_666 : i32
      %rem3A_668 = arith.remsi %add3A_638, %jit3A_651 : i32
      %ne3A_669 = arith.constant 0 : i32
      %ne3A_670 = arith.cmpi ne, %rem3A_668, %ne3A_669 : i32
      %and3A_671 = arith.andi %ne3A_667, %ne3A_670 : i1
      %sub3A_672 = arith.constant 1 : i32
      %sub3A_673 = arith.subi %div3A_652, %sub3A_672 : i32
      %select_n3A_674 = arith.select %and3A_671, %sub3A_673, %div3A_652 : i32
      %jit3A_675 = arith.constant 2 : i32
      %eq3A_676 = arith.constant 0 : i32
      %eq3A_677 = arith.cmpi eq, %jit3A_675, %eq3A_676 : i32
      %jit3A_678 = arith.constant 1 : i32
      %select_n3A_679 = arith.select %eq3A_677, %jit3A_678, %jit3A_675 : i32
      %rem3A_680 = arith.remsi %add3A_638, %select_n3A_679 : i32
      %ne3A_681 = arith.constant 0 : i32
      %ne3A_682 = arith.cmpi ne, %rem3A_680, %ne3A_681 : i32
      %lt3A_683 = arith.constant 0 : i32
      %lt3A_684 = arith.cmpi slt, %rem3A_680, %lt3A_683 : i32
      %lt3A_685 = arith.constant 0 : i32
      %lt3A_686 = arith.cmpi slt, %select_n3A_679, %lt3A_685 : i32
      %ne3A_687 = arith.xori %lt3A_684, %lt3A_686 : i1
      %and3A_688 = arith.andi %ne3A_687, %ne3A_682 : i1
      %add3A_689 = arith.addi %rem3A_680, %select_n3A_679 : i32
      %select_n3A_690 = arith.select %and3A_688, %add3A_689, %rem3A_680 : i32
      %mul3A_691 = arith.constant 64 : i32
      %mul3A_692 = arith.muli %select_n3A_690, %mul3A_691 : i32
      %dma_wait3A_693 = arith.constant 4 : i32
      %dma_wait3A_694 = arith.constant 0 : i32
      %dma_wait3A_695 = arith.constant 0 : i32
      %dma_wait3A_696 = tpu.memref_slice %arg6[%dma_wait3A_693, %dma_wait3A_694, %dma_wait3A_695] : memref<10x64x128xf32, #tpu.memory_space<vmem>> -> memref<1x64x128xf32, #tpu.memory_space<vmem>>
      %dma_wait3A_697 = tpu.memref_squeeze %dma_wait3A_696 : memref<1x64x128xf32, #tpu.memory_space<vmem>> -> memref<64x128xf32, #tpu.memory_space<vmem>>
      %dma_wait3A_698 = tpu.memref_slice %arg5[%select_n3A_674, %mul3A_692] : memref<50x128xi32, #tpu.memory_space<vmem>> -> memref<1x64xi32, #tpu.memory_space<vmem>>
      %dma_wait3A_699 = tpu.memref_squeeze %dma_wait3A_698 : memref<1x64xi32, #tpu.memory_space<vmem>> -> memref<64xi32, #tpu.memory_space<vmem>>
      %dma_wait3A_700 = arith.constant 0 : i32
      %dma_wait3A_701 = arith.constant 0 : i32
      %dma_wait3A_702 = tpu.memref_slice %arg2[%dma_wait3A_700, %dma_wait3A_701] : memref<100000x128xf32, #tpu.memory_space<hbm>> -> memref<100000x128xf32, #tpu.memory_space<hbm>>
      tpu.wait_indirect_dma semaphore(%arg11 : memref<!tpu.dma_semaphore, #tpu.memory_space<semaphore_mem>>) src(%dma_wait3A_702 : memref<100000x128xf32, #tpu.memory_space<hbm>>) dst(%dma_wait3A_697 : memref<64x128xf32, #tpu.memory_space<vmem>>)
      %jit3A_703 = arith.constant 2 : i32
      %div3A_704 = arith.divsi %add3A_638, %jit3A_703 : i32
      %sign3A_705 = arith.constant 0 : i32
      %sign3A_706 = arith.cmpi sgt, %add3A_638, %sign3A_705 : i32
      %sign3A_707 = arith.extui %sign3A_706 : i1 to i32
      %sign3A_708 = arith.constant 0 : i32
      %sign3A_709 = arith.cmpi slt, %add3A_638, %sign3A_708 : i32
      %sign3A_710 = arith.extui %sign3A_709 : i1 to i32
      %sign3A_711 = arith.subi %sign3A_707, %sign3A_710 : i32
      %sign3A_712 = arith.constant 0 : i32
      %sign3A_713 = arith.cmpi sgt, %jit3A_703, %sign3A_712 : i32
      %sign3A_714 = arith.extui %sign3A_713 : i1 to i32
      %sign3A_715 = arith.constant 0 : i32
      %sign3A_716 = arith.cmpi slt, %jit3A_703, %sign3A_715 : i32
      %sign3A_717 = arith.extui %sign3A_716 : i1 to i32
      %sign3A_718 = arith.subi %sign3A_714, %sign3A_717 : i32
      %ne3A_719 = arith.cmpi ne, %sign3A_711, %sign3A_718 : i32
      %rem3A_720 = arith.remsi %add3A_638, %jit3A_703 : i32
      %ne3A_721 = arith.constant 0 : i32
      %ne3A_722 = arith.cmpi ne, %rem3A_720, %ne3A_721 : i32
      %and3A_723 = arith.andi %ne3A_719, %ne3A_722 : i1
      %sub3A_724 = arith.constant 1 : i32
      %sub3A_725 = arith.subi %div3A_704, %sub3A_724 : i32
      %select_n3A_726 = arith.select %and3A_723, %sub3A_725, %div3A_704 : i32
      %mul3A_727 = arith.constant 4096 : i32
      %mul3A_728 = arith.muli %select_n3A_726, %mul3A_727 : i32
      %mul3A_729 = arith.constant 128 : i32
      %mul3A_730 = arith.muli %add3A, %mul3A_729 : i32
      %add3A_731 = arith.addi %mul3A_728, %mul3A_730 : i32
      %jit3A_732 = arith.constant 2 : i32
      %eq3A_733 = arith.constant 0 : i32
      %eq3A_734 = arith.cmpi eq, %jit3A_732, %eq3A_733 : i32
      %jit3A_735 = arith.constant 1 : i32
      %select_n3A_736 = arith.select %eq3A_734, %jit3A_735, %jit3A_732 : i32
      %rem3A_737 = arith.remsi %add3A_638, %select_n3A_736 : i32
      %ne3A_738 = arith.constant 0 : i32
      %ne3A_739 = arith.cmpi ne, %rem3A_737, %ne3A_738 : i32
      %lt3A_740 = arith.constant 0 : i32
      %lt3A_741 = arith.cmpi slt, %rem3A_737, %lt3A_740 : i32
      %lt3A_742 = arith.constant 0 : i32
      %lt3A_743 = arith.cmpi slt, %select_n3A_736, %lt3A_742 : i32
      %ne3A_744 = arith.xori %lt3A_741, %lt3A_743 : i1
      %and3A_745 = arith.andi %ne3A_744, %ne3A_739 : i1
      %add3A_746 = arith.addi %rem3A_737, %select_n3A_736 : i32
      %select_n3A_747 = arith.select %and3A_745, %add3A_746, %rem3A_737 : i32
      %mul3A_748 = arith.constant 64 : i32
      %mul3A_749 = arith.muli %select_n3A_747, %mul3A_748 : i32
      %add3A_750 = arith.addi %add3A_731, %mul3A_749 : i32
      %multiple_of3A_751 = tpu.assume_multiple %add3A_750, 64 : i32
      %dma_start3A_752 = arith.constant 4 : i32
      %dma_start3A_753 = arith.constant 0 : i32
      %dma_start3A_754 = arith.constant 0 : i32
      %dma_start3A_755 = tpu.memref_slice %arg6[%dma_start3A_752, %dma_start3A_753, %dma_start3A_754] : memref<10x64x128xf32, #tpu.memory_space<vmem>> -> memref<1x64x128xf32, #tpu.memory_space<vmem>>
      %dma_start3A_756 = tpu.memref_squeeze %dma_start3A_755 : memref<1x64x128xf32, #tpu.memory_space<vmem>> -> memref<64x128xf32, #tpu.memory_space<vmem>>
      %dma_start3A_757 = arith.constant 0 : i32
      %dma_start3A_758 = tpu.memref_slice %arg4[%multiple_of3A_751, %dma_start3A_757] : memref<204800x128xf32, #tpu.memory_space<hbm>> -> memref<64x128xf32, #tpu.memory_space<hbm>>
      %dma_start3A_759 = arith.constant 0 : i32
      %dma_start3A_760 = tpu.memref_slice %arg4[%multiple_of3A_751, %dma_start3A_759] : memref<204800x128xf32, #tpu.memory_space<hbm>> -> memref<64x128xf32, #tpu.memory_space<hbm>>
      %dma_start3A_761 = arith.constant 0 : i32
      %dma_start3A_762 = arith.constant 0 : i32
      %dma_start3A_763 = tpu.memref_slice %arg6[%dma_start3A_752, %dma_start3A_761, %dma_start3A_762] : memref<10x64x128xf32, #tpu.memory_space<vmem>> -> memref<1x64x128xf32, #tpu.memory_space<vmem>>
      %dma_start3A_764 = tpu.memref_squeeze %dma_start3A_763 : memref<1x64x128xf32, #tpu.memory_space<vmem>> -> memref<64x128xf32, #tpu.memory_space<vmem>>
      tpu.enqueue_dma source(%dma_start3A_764 : memref<64x128xf32, #tpu.memory_space<vmem>>) target(%dma_start3A_760 : memref<64x128xf32, #tpu.memory_space<hbm>>) target_semaphore(%arg21 : memref<!tpu.dma_semaphore, #tpu.memory_space<semaphore_mem>>)
      %add3A_765 = arith.constant 5 : i32
      %add3A_766 = arith.addi %add3A_137, %add3A_765 : i32
      %add3A_767 = arith.constant 8 : i32
      %add3A_768 = arith.addi %add3A_766, %add3A_767 : i32
      %ge3A_769 = arith.constant 10 : i32
      %ge3A_770 = arith.cmpi sge, %add3A_768, %ge3A_769 : i32
      %convert_element_type3A_771 = arith.extui %ge3A_770 : i1 to i32
      %cond3A_772 = arith.constant 0 : i32
      %cond3A_773 = arith.cmpi ne, %convert_element_type3A_771, %cond3A_772 : i32
      scf.if %cond3A_773 {
        %mul3A_1405 = arith.constant 128 : i32
        %mul3A_1406 = arith.muli %add3A, %mul3A_1405 : i32
        %multiple_of3A_1407 = tpu.assume_multiple %mul3A_1406, 64 : i32
        %dma_wait3A_1408 = arith.constant 3 : i32
        %dma_wait3A_1409 = arith.constant 0 : i32
        %dma_wait3A_1410 = arith.constant 0 : i32
        %dma_wait3A_1411 = tpu.memref_slice %arg6[%dma_wait3A_1408, %dma_wait3A_1409, %dma_wait3A_1410] : memref<10x64x128xf32, #tpu.memory_space<vmem>> -> memref<1x64x128xf32, #tpu.memory_space<vmem>>
        %dma_wait3A_1412 = tpu.memref_squeeze %dma_wait3A_1411 : memref<1x64x128xf32, #tpu.memory_space<vmem>> -> memref<64x128xf32, #tpu.memory_space<vmem>>
        %dma_wait3A_1413 = arith.constant 0 : i32
        %dma_wait3A_1414 = tpu.memref_slice %arg4[%multiple_of3A_1407, %dma_wait3A_1413] : memref<204800x128xf32, #tpu.memory_space<hbm>> -> memref<64x128xf32, #tpu.memory_space<hbm>>
        %dma_wait3A_1415 = arith.constant 0 : i32
        %dma_wait3A_1416 = tpu.memref_slice %arg4[%multiple_of3A_1407, %dma_wait3A_1415] : memref<204800x128xf32, #tpu.memory_space<hbm>> -> memref<64x128xf32, #tpu.memory_space<hbm>>
        %dma_wait3A_1417 = arith.constant 0 : i32
        %dma_wait3A_1418 = arith.constant 0 : i32
        %dma_wait3A_1419 = tpu.memref_slice %arg6[%dma_wait3A_1408, %dma_wait3A_1417, %dma_wait3A_1418] : memref<10x64x128xf32, #tpu.memory_space<vmem>> -> memref<1x64x128xf32, #tpu.memory_space<vmem>>
        %dma_wait3A_1420 = tpu.memref_squeeze %dma_wait3A_1419 : memref<1x64x128xf32, #tpu.memory_space<vmem>> -> memref<64x128xf32, #tpu.memory_space<vmem>>
        tpu.wait_dma2 semaphore(%arg20 : memref<!tpu.dma_semaphore, #tpu.memory_space<semaphore_mem>>) src(%dma_wait3A_1420 : memref<64x128xf32, #tpu.memory_space<vmem>>) dst(%dma_wait3A_1416 : memref<64x128xf32, #tpu.memory_space<hbm>>)
      } else {
      }
      %lt3A_774 = arith.constant 100 : i32
      %lt3A_775 = arith.cmpi slt, %add3A_768, %lt3A_774 : i32
      %convert_element_type3A_776 = arith.extui %lt3A_775 : i1 to i32
      %cond3A_777 = arith.constant 0 : i32
      %cond3A_778 = arith.cmpi ne, %convert_element_type3A_776, %cond3A_777 : i32
      scf.if %cond3A_778 {
        %jit3A_1405 = arith.constant 2 : i32
        %div3A_1406 = arith.divsi %add3A_768, %jit3A_1405 : i32
        %sign3A_1407 = arith.constant 0 : i32
        %sign3A_1408 = arith.cmpi sgt, %add3A_768, %sign3A_1407 : i32
        %sign3A_1409 = arith.extui %sign3A_1408 : i1 to i32
        %sign3A_1410 = arith.constant 0 : i32
        %sign3A_1411 = arith.cmpi slt, %add3A_768, %sign3A_1410 : i32
        %sign3A_1412 = arith.extui %sign3A_1411 : i1 to i32
        %sign3A_1413 = arith.subi %sign3A_1409, %sign3A_1412 : i32
        %sign3A_1414 = arith.constant 0 : i32
        %sign3A_1415 = arith.cmpi sgt, %jit3A_1405, %sign3A_1414 : i32
        %sign3A_1416 = arith.extui %sign3A_1415 : i1 to i32
        %sign3A_1417 = arith.constant 0 : i32
        %sign3A_1418 = arith.cmpi slt, %jit3A_1405, %sign3A_1417 : i32
        %sign3A_1419 = arith.extui %sign3A_1418 : i1 to i32
        %sign3A_1420 = arith.subi %sign3A_1416, %sign3A_1419 : i32
        %ne3A_1421 = arith.cmpi ne, %sign3A_1413, %sign3A_1420 : i32
        %rem3A_1422 = arith.remsi %add3A_768, %jit3A_1405 : i32
        %ne3A_1423 = arith.constant 0 : i32
        %ne3A_1424 = arith.cmpi ne, %rem3A_1422, %ne3A_1423 : i32
        %and3A_1425 = arith.andi %ne3A_1421, %ne3A_1424 : i1
        %sub3A_1426 = arith.constant 1 : i32
        %sub3A_1427 = arith.subi %div3A_1406, %sub3A_1426 : i32
        %select_n3A_1428 = arith.select %and3A_1425, %sub3A_1427, %div3A_1406 : i32
        %jit3A_1429 = arith.constant 2 : i32
        %eq3A_1430 = arith.constant 0 : i32
        %eq3A_1431 = arith.cmpi eq, %jit3A_1429, %eq3A_1430 : i32
        %jit3A_1432 = arith.constant 1 : i32
        %select_n3A_1433 = arith.select %eq3A_1431, %jit3A_1432, %jit3A_1429 : i32
        %rem3A_1434 = arith.remsi %add3A_768, %select_n3A_1433 : i32
        %ne3A_1435 = arith.constant 0 : i32
        %ne3A_1436 = arith.cmpi ne, %rem3A_1434, %ne3A_1435 : i32
        %lt3A_1437 = arith.constant 0 : i32
        %lt3A_1438 = arith.cmpi slt, %rem3A_1434, %lt3A_1437 : i32
        %lt3A_1439 = arith.constant 0 : i32
        %lt3A_1440 = arith.cmpi slt, %select_n3A_1433, %lt3A_1439 : i32
        %ne3A_1441 = arith.xori %lt3A_1438, %lt3A_1440 : i1
        %and3A_1442 = arith.andi %ne3A_1441, %ne3A_1436 : i1
        %add3A_1443 = arith.addi %rem3A_1434, %select_n3A_1433 : i32
        %select_n3A_1444 = arith.select %and3A_1442, %add3A_1443, %rem3A_1434 : i32
        %mul3A_1445 = arith.constant 64 : i32
        %mul3A_1446 = arith.muli %select_n3A_1444, %mul3A_1445 : i32
        %dma_start3A_1447 = arith.constant 3 : i32
        %dma_start3A_1448 = arith.constant 0 : i32
        %dma_start3A_1449 = arith.constant 0 : i32
        %dma_start3A_1450 = tpu.memref_slice %arg6[%dma_start3A_1447, %dma_start3A_1448, %dma_start3A_1449] : memref<10x64x128xf32, #tpu.memory_space<vmem>> -> memref<1x64x128xf32, #tpu.memory_space<vmem>>
        %dma_start3A_1451 = tpu.memref_squeeze %dma_start3A_1450 : memref<1x64x128xf32, #tpu.memory_space<vmem>> -> memref<64x128xf32, #tpu.memory_space<vmem>>
        %dma_start3A_1452 = tpu.memref_slice %arg5[%select_n3A_1428, %mul3A_1446] : memref<50x128xi32, #tpu.memory_space<vmem>> -> memref<1x64xi32, #tpu.memory_space<vmem>>
        %dma_start3A_1453 = tpu.memref_squeeze %dma_start3A_1452 : memref<1x64xi32, #tpu.memory_space<vmem>> -> memref<64xi32, #tpu.memory_space<vmem>>
        %dma_start3A_1454 = arith.constant 0 : i32
        %dma_start3A_1455 = arith.constant 0 : i32
        %dma_start3A_1456 = tpu.memref_slice %arg2[%dma_start3A_1454, %dma_start3A_1455] : memref<100000x128xf32, #tpu.memory_space<hbm>> -> memref<100000x128xf32, #tpu.memory_space<hbm>>
        tpu.enqueue_indirect_dma source(%dma_start3A_1456 : memref<100000x128xf32, #tpu.memory_space<hbm>>) target(%dma_start3A_1451 : memref<64x128xf32, #tpu.memory_space<vmem>>) offsets(%dma_start3A_1453 : memref<64xi32, #tpu.memory_space<vmem>>) semaphore(%arg10 : memref<!tpu.dma_semaphore, #tpu.memory_space<semaphore_mem>>)
      } else {
      }
      %jit3A_779 = arith.constant 2 : i32
      %div3A_780 = arith.divsi %add3A_766, %jit3A_779 : i32
      %sign3A_781 = arith.constant 0 : i32
      %sign3A_782 = arith.cmpi sgt, %add3A_766, %sign3A_781 : i32
      %sign3A_783 = arith.extui %sign3A_782 : i1 to i32
      %sign3A_784 = arith.constant 0 : i32
      %sign3A_785 = arith.cmpi slt, %add3A_766, %sign3A_784 : i32
      %sign3A_786 = arith.extui %sign3A_785 : i1 to i32
      %sign3A_787 = arith.subi %sign3A_783, %sign3A_786 : i32
      %sign3A_788 = arith.constant 0 : i32
      %sign3A_789 = arith.cmpi sgt, %jit3A_779, %sign3A_788 : i32
      %sign3A_790 = arith.extui %sign3A_789 : i1 to i32
      %sign3A_791 = arith.constant 0 : i32
      %sign3A_792 = arith.cmpi slt, %jit3A_779, %sign3A_791 : i32
      %sign3A_793 = arith.extui %sign3A_792 : i1 to i32
      %sign3A_794 = arith.subi %sign3A_790, %sign3A_793 : i32
      %ne3A_795 = arith.cmpi ne, %sign3A_787, %sign3A_794 : i32
      %rem3A_796 = arith.remsi %add3A_766, %jit3A_779 : i32
      %ne3A_797 = arith.constant 0 : i32
      %ne3A_798 = arith.cmpi ne, %rem3A_796, %ne3A_797 : i32
      %and3A_799 = arith.andi %ne3A_795, %ne3A_798 : i1
      %sub3A_800 = arith.constant 1 : i32
      %sub3A_801 = arith.subi %div3A_780, %sub3A_800 : i32
      %select_n3A_802 = arith.select %and3A_799, %sub3A_801, %div3A_780 : i32
      %jit3A_803 = arith.constant 2 : i32
      %eq3A_804 = arith.constant 0 : i32
      %eq3A_805 = arith.cmpi eq, %jit3A_803, %eq3A_804 : i32
      %jit3A_806 = arith.constant 1 : i32
      %select_n3A_807 = arith.select %eq3A_805, %jit3A_806, %jit3A_803 : i32
      %rem3A_808 = arith.remsi %add3A_766, %select_n3A_807 : i32
      %ne3A_809 = arith.constant 0 : i32
      %ne3A_810 = arith.cmpi ne, %rem3A_808, %ne3A_809 : i32
      %lt3A_811 = arith.constant 0 : i32
      %lt3A_812 = arith.cmpi slt, %rem3A_808, %lt3A_811 : i32
      %lt3A_813 = arith.constant 0 : i32
      %lt3A_814 = arith.cmpi slt, %select_n3A_807, %lt3A_813 : i32
      %ne3A_815 = arith.xori %lt3A_812, %lt3A_814 : i1
      %and3A_816 = arith.andi %ne3A_815, %ne3A_810 : i1
      %add3A_817 = arith.addi %rem3A_808, %select_n3A_807 : i32
      %select_n3A_818 = arith.select %and3A_816, %add3A_817, %rem3A_808 : i32
      %mul3A_819 = arith.constant 64 : i32
      %mul3A_820 = arith.muli %select_n3A_818, %mul3A_819 : i32
      %dma_wait3A_821 = arith.constant 5 : i32
      %dma_wait3A_822 = arith.constant 0 : i32
      %dma_wait3A_823 = arith.constant 0 : i32
      %dma_wait3A_824 = tpu.memref_slice %arg6[%dma_wait3A_821, %dma_wait3A_822, %dma_wait3A_823] : memref<10x64x128xf32, #tpu.memory_space<vmem>> -> memref<1x64x128xf32, #tpu.memory_space<vmem>>
      %dma_wait3A_825 = tpu.memref_squeeze %dma_wait3A_824 : memref<1x64x128xf32, #tpu.memory_space<vmem>> -> memref<64x128xf32, #tpu.memory_space<vmem>>
      %dma_wait3A_826 = tpu.memref_slice %arg5[%select_n3A_802, %mul3A_820] : memref<50x128xi32, #tpu.memory_space<vmem>> -> memref<1x64xi32, #tpu.memory_space<vmem>>
      %dma_wait3A_827 = tpu.memref_squeeze %dma_wait3A_826 : memref<1x64xi32, #tpu.memory_space<vmem>> -> memref<64xi32, #tpu.memory_space<vmem>>
      %dma_wait3A_828 = arith.constant 0 : i32
      %dma_wait3A_829 = arith.constant 0 : i32
      %dma_wait3A_830 = tpu.memref_slice %arg2[%dma_wait3A_828, %dma_wait3A_829] : memref<100000x128xf32, #tpu.memory_space<hbm>> -> memref<100000x128xf32, #tpu.memory_space<hbm>>
      tpu.wait_indirect_dma semaphore(%arg12 : memref<!tpu.dma_semaphore, #tpu.memory_space<semaphore_mem>>) src(%dma_wait3A_830 : memref<100000x128xf32, #tpu.memory_space<hbm>>) dst(%dma_wait3A_825 : memref<64x128xf32, #tpu.memory_space<vmem>>)
      %jit3A_831 = arith.constant 2 : i32
      %div3A_832 = arith.divsi %add3A_766, %jit3A_831 : i32
      %sign3A_833 = arith.constant 0 : i32
      %sign3A_834 = arith.cmpi sgt, %add3A_766, %sign3A_833 : i32
      %sign3A_835 = arith.extui %sign3A_834 : i1 to i32
      %sign3A_836 = arith.constant 0 : i32
      %sign3A_837 = arith.cmpi slt, %add3A_766, %sign3A_836 : i32
      %sign3A_838 = arith.extui %sign3A_837 : i1 to i32
      %sign3A_839 = arith.subi %sign3A_835, %sign3A_838 : i32
      %sign3A_840 = arith.constant 0 : i32
      %sign3A_841 = arith.cmpi sgt, %jit3A_831, %sign3A_840 : i32
      %sign3A_842 = arith.extui %sign3A_841 : i1 to i32
      %sign3A_843 = arith.constant 0 : i32
      %sign3A_844 = arith.cmpi slt, %jit3A_831, %sign3A_843 : i32
      %sign3A_845 = arith.extui %sign3A_844 : i1 to i32
      %sign3A_846 = arith.subi %sign3A_842, %sign3A_845 : i32
      %ne3A_847 = arith.cmpi ne, %sign3A_839, %sign3A_846 : i32
      %rem3A_848 = arith.remsi %add3A_766, %jit3A_831 : i32
      %ne3A_849 = arith.constant 0 : i32
      %ne3A_850 = arith.cmpi ne, %rem3A_848, %ne3A_849 : i32
      %and3A_851 = arith.andi %ne3A_847, %ne3A_850 : i1
      %sub3A_852 = arith.constant 1 : i32
      %sub3A_853 = arith.subi %div3A_832, %sub3A_852 : i32
      %select_n3A_854 = arith.select %and3A_851, %sub3A_853, %div3A_832 : i32
      %mul3A_855 = arith.constant 4096 : i32
      %mul3A_856 = arith.muli %select_n3A_854, %mul3A_855 : i32
      %mul3A_857 = arith.constant 128 : i32
      %mul3A_858 = arith.muli %add3A, %mul3A_857 : i32
      %add3A_859 = arith.addi %mul3A_856, %mul3A_858 : i32
      %jit3A_860 = arith.constant 2 : i32
      %eq3A_861 = arith.constant 0 : i32
      %eq3A_862 = arith.cmpi eq, %jit3A_860, %eq3A_861 : i32
      %jit3A_863 = arith.constant 1 : i32
      %select_n3A_864 = arith.select %eq3A_862, %jit3A_863, %jit3A_860 : i32
      %rem3A_865 = arith.remsi %add3A_766, %select_n3A_864 : i32
      %ne3A_866 = arith.constant 0 : i32
      %ne3A_867 = arith.cmpi ne, %rem3A_865, %ne3A_866 : i32
      %lt3A_868 = arith.constant 0 : i32
      %lt3A_869 = arith.cmpi slt, %rem3A_865, %lt3A_868 : i32
      %lt3A_870 = arith.constant 0 : i32
      %lt3A_871 = arith.cmpi slt, %select_n3A_864, %lt3A_870 : i32
      %ne3A_872 = arith.xori %lt3A_869, %lt3A_871 : i1
      %and3A_873 = arith.andi %ne3A_872, %ne3A_867 : i1
      %add3A_874 = arith.addi %rem3A_865, %select_n3A_864 : i32
      %select_n3A_875 = arith.select %and3A_873, %add3A_874, %rem3A_865 : i32
      %mul3A_876 = arith.constant 64 : i32
      %mul3A_877 = arith.muli %select_n3A_875, %mul3A_876 : i32
      %add3A_878 = arith.addi %add3A_859, %mul3A_877 : i32
      %multiple_of3A_879 = tpu.assume_multiple %add3A_878, 64 : i32
      %dma_start3A_880 = arith.constant 5 : i32
      %dma_start3A_881 = arith.constant 0 : i32
      %dma_start3A_882 = arith.constant 0 : i32
      %dma_start3A_883 = tpu.memref_slice %arg6[%dma_start3A_880, %dma_start3A_881, %dma_start3A_882] : memref<10x64x128xf32, #tpu.memory_space<vmem>> -> memref<1x64x128xf32, #tpu.memory_space<vmem>>
      %dma_start3A_884 = tpu.memref_squeeze %dma_start3A_883 : memref<1x64x128xf32, #tpu.memory_space<vmem>> -> memref<64x128xf32, #tpu.memory_space<vmem>>
      %dma_start3A_885 = arith.constant 0 : i32
      %dma_start3A_886 = tpu.memref_slice %arg4[%multiple_of3A_879, %dma_start3A_885] : memref<204800x128xf32, #tpu.memory_space<hbm>> -> memref<64x128xf32, #tpu.memory_space<hbm>>
      %dma_start3A_887 = arith.constant 0 : i32
      %dma_start3A_888 = tpu.memref_slice %arg4[%multiple_of3A_879, %dma_start3A_887] : memref<204800x128xf32, #tpu.memory_space<hbm>> -> memref<64x128xf32, #tpu.memory_space<hbm>>
      %dma_start3A_889 = arith.constant 0 : i32
      %dma_start3A_890 = arith.constant 0 : i32
      %dma_start3A_891 = tpu.memref_slice %arg6[%dma_start3A_880, %dma_start3A_889, %dma_start3A_890] : memref<10x64x128xf32, #tpu.memory_space<vmem>> -> memref<1x64x128xf32, #tpu.memory_space<vmem>>
      %dma_start3A_892 = tpu.memref_squeeze %dma_start3A_891 : memref<1x64x128xf32, #tpu.memory_space<vmem>> -> memref<64x128xf32, #tpu.memory_space<vmem>>
      tpu.enqueue_dma source(%dma_start3A_892 : memref<64x128xf32, #tpu.memory_space<vmem>>) target(%dma_start3A_888 : memref<64x128xf32, #tpu.memory_space<hbm>>) target_semaphore(%arg22 : memref<!tpu.dma_semaphore, #tpu.memory_space<semaphore_mem>>)
      %add3A_893 = arith.constant 6 : i32
      %add3A_894 = arith.addi %add3A_137, %add3A_893 : i32
      %add3A_895 = arith.constant 8 : i32
      %add3A_896 = arith.addi %add3A_894, %add3A_895 : i32
      %ge3A_897 = arith.constant 10 : i32
      %ge3A_898 = arith.cmpi sge, %add3A_896, %ge3A_897 : i32
      %convert_element_type3A_899 = arith.extui %ge3A_898 : i1 to i32
      %cond3A_900 = arith.constant 0 : i32
      %cond3A_901 = arith.cmpi ne, %convert_element_type3A_899, %cond3A_900 : i32
      scf.if %cond3A_901 {
        %mul3A_1405 = arith.constant 128 : i32
        %mul3A_1406 = arith.muli %add3A, %mul3A_1405 : i32
        %multiple_of3A_1407 = tpu.assume_multiple %mul3A_1406, 64 : i32
        %dma_wait3A_1408 = arith.constant 4 : i32
        %dma_wait3A_1409 = arith.constant 0 : i32
        %dma_wait3A_1410 = arith.constant 0 : i32
        %dma_wait3A_1411 = tpu.memref_slice %arg6[%dma_wait3A_1408, %dma_wait3A_1409, %dma_wait3A_1410] : memref<10x64x128xf32, #tpu.memory_space<vmem>> -> memref<1x64x128xf32, #tpu.memory_space<vmem>>
        %dma_wait3A_1412 = tpu.memref_squeeze %dma_wait3A_1411 : memref<1x64x128xf32, #tpu.memory_space<vmem>> -> memref<64x128xf32, #tpu.memory_space<vmem>>
        %dma_wait3A_1413 = arith.constant 0 : i32
        %dma_wait3A_1414 = tpu.memref_slice %arg4[%multiple_of3A_1407, %dma_wait3A_1413] : memref<204800x128xf32, #tpu.memory_space<hbm>> -> memref<64x128xf32, #tpu.memory_space<hbm>>
        %dma_wait3A_1415 = arith.constant 0 : i32
        %dma_wait3A_1416 = tpu.memref_slice %arg4[%multiple_of3A_1407, %dma_wait3A_1415] : memref<204800x128xf32, #tpu.memory_space<hbm>> -> memref<64x128xf32, #tpu.memory_space<hbm>>
        %dma_wait3A_1417 = arith.constant 0 : i32
        %dma_wait3A_1418 = arith.constant 0 : i32
        %dma_wait3A_1419 = tpu.memref_slice %arg6[%dma_wait3A_1408, %dma_wait3A_1417, %dma_wait3A_1418] : memref<10x64x128xf32, #tpu.memory_space<vmem>> -> memref<1x64x128xf32, #tpu.memory_space<vmem>>
        %dma_wait3A_1420 = tpu.memref_squeeze %dma_wait3A_1419 : memref<1x64x128xf32, #tpu.memory_space<vmem>> -> memref<64x128xf32, #tpu.memory_space<vmem>>
        tpu.wait_dma2 semaphore(%arg21 : memref<!tpu.dma_semaphore, #tpu.memory_space<semaphore_mem>>) src(%dma_wait3A_1420 : memref<64x128xf32, #tpu.memory_space<vmem>>) dst(%dma_wait3A_1416 : memref<64x128xf32, #tpu.memory_space<hbm>>)
      } else {
      }
      %lt3A_902 = arith.constant 100 : i32
      %lt3A_903 = arith.cmpi slt, %add3A_896, %lt3A_902 : i32
      %convert_element_type3A_904 = arith.extui %lt3A_903 : i1 to i32
      %cond3A_905 = arith.constant 0 : i32
      %cond3A_906 = arith.cmpi ne, %convert_element_type3A_904, %cond3A_905 : i32
      scf.if %cond3A_906 {
        %jit3A_1405 = arith.constant 2 : i32
        %div3A_1406 = arith.divsi %add3A_896, %jit3A_1405 : i32
        %sign3A_1407 = arith.constant 0 : i32
        %sign3A_1408 = arith.cmpi sgt, %add3A_896, %sign3A_1407 : i32
        %sign3A_1409 = arith.extui %sign3A_1408 : i1 to i32
        %sign3A_1410 = arith.constant 0 : i32
        %sign3A_1411 = arith.cmpi slt, %add3A_896, %sign3A_1410 : i32
        %sign3A_1412 = arith.extui %sign3A_1411 : i1 to i32
        %sign3A_1413 = arith.subi %sign3A_1409, %sign3A_1412 : i32
        %sign3A_1414 = arith.constant 0 : i32
        %sign3A_1415 = arith.cmpi sgt, %jit3A_1405, %sign3A_1414 : i32
        %sign3A_1416 = arith.extui %sign3A_1415 : i1 to i32
        %sign3A_1417 = arith.constant 0 : i32
        %sign3A_1418 = arith.cmpi slt, %jit3A_1405, %sign3A_1417 : i32
        %sign3A_1419 = arith.extui %sign3A_1418 : i1 to i32
        %sign3A_1420 = arith.subi %sign3A_1416, %sign3A_1419 : i32
        %ne3A_1421 = arith.cmpi ne, %sign3A_1413, %sign3A_1420 : i32
        %rem3A_1422 = arith.remsi %add3A_896, %jit3A_1405 : i32
        %ne3A_1423 = arith.constant 0 : i32
        %ne3A_1424 = arith.cmpi ne, %rem3A_1422, %ne3A_1423 : i32
        %and3A_1425 = arith.andi %ne3A_1421, %ne3A_1424 : i1
        %sub3A_1426 = arith.constant 1 : i32
        %sub3A_1427 = arith.subi %div3A_1406, %sub3A_1426 : i32
        %select_n3A_1428 = arith.select %and3A_1425, %sub3A_1427, %div3A_1406 : i32
        %jit3A_1429 = arith.constant 2 : i32
        %eq3A_1430 = arith.constant 0 : i32
        %eq3A_1431 = arith.cmpi eq, %jit3A_1429, %eq3A_1430 : i32
        %jit3A_1432 = arith.constant 1 : i32
        %select_n3A_1433 = arith.select %eq3A_1431, %jit3A_1432, %jit3A_1429 : i32
        %rem3A_1434 = arith.remsi %add3A_896, %select_n3A_1433 : i32
        %ne3A_1435 = arith.constant 0 : i32
        %ne3A_1436 = arith.cmpi ne, %rem3A_1434, %ne3A_1435 : i32
        %lt3A_1437 = arith.constant 0 : i32
        %lt3A_1438 = arith.cmpi slt, %rem3A_1434, %lt3A_1437 : i32
        %lt3A_1439 = arith.constant 0 : i32
        %lt3A_1440 = arith.cmpi slt, %select_n3A_1433, %lt3A_1439 : i32
        %ne3A_1441 = arith.xori %lt3A_1438, %lt3A_1440 : i1
        %and3A_1442 = arith.andi %ne3A_1441, %ne3A_1436 : i1
        %add3A_1443 = arith.addi %rem3A_1434, %select_n3A_1433 : i32
        %select_n3A_1444 = arith.select %and3A_1442, %add3A_1443, %rem3A_1434 : i32
        %mul3A_1445 = arith.constant 64 : i32
        %mul3A_1446 = arith.muli %select_n3A_1444, %mul3A_1445 : i32
        %dma_start3A_1447 = arith.constant 4 : i32
        %dma_start3A_1448 = arith.constant 0 : i32
        %dma_start3A_1449 = arith.constant 0 : i32
        %dma_start3A_1450 = tpu.memref_slice %arg6[%dma_start3A_1447, %dma_start3A_1448, %dma_start3A_1449] : memref<10x64x128xf32, #tpu.memory_space<vmem>> -> memref<1x64x128xf32, #tpu.memory_space<vmem>>
        %dma_start3A_1451 = tpu.memref_squeeze %dma_start3A_1450 : memref<1x64x128xf32, #tpu.memory_space<vmem>> -> memref<64x128xf32, #tpu.memory_space<vmem>>
        %dma_start3A_1452 = tpu.memref_slice %arg5[%select_n3A_1428, %mul3A_1446] : memref<50x128xi32, #tpu.memory_space<vmem>> -> memref<1x64xi32, #tpu.memory_space<vmem>>
        %dma_start3A_1453 = tpu.memref_squeeze %dma_start3A_1452 : memref<1x64xi32, #tpu.memory_space<vmem>> -> memref<64xi32, #tpu.memory_space<vmem>>
        %dma_start3A_1454 = arith.constant 0 : i32
        %dma_start3A_1455 = arith.constant 0 : i32
        %dma_start3A_1456 = tpu.memref_slice %arg2[%dma_start3A_1454, %dma_start3A_1455] : memref<100000x128xf32, #tpu.memory_space<hbm>> -> memref<100000x128xf32, #tpu.memory_space<hbm>>
        tpu.enqueue_indirect_dma source(%dma_start3A_1456 : memref<100000x128xf32, #tpu.memory_space<hbm>>) target(%dma_start3A_1451 : memref<64x128xf32, #tpu.memory_space<vmem>>) offsets(%dma_start3A_1453 : memref<64xi32, #tpu.memory_space<vmem>>) semaphore(%arg11 : memref<!tpu.dma_semaphore, #tpu.memory_space<semaphore_mem>>)
      } else {
      }
      %jit3A_907 = arith.constant 2 : i32
      %div3A_908 = arith.divsi %add3A_894, %jit3A_907 : i32
      %sign3A_909 = arith.constant 0 : i32
      %sign3A_910 = arith.cmpi sgt, %add3A_894, %sign3A_909 : i32
      %sign3A_911 = arith.extui %sign3A_910 : i1 to i32
      %sign3A_912 = arith.constant 0 : i32
      %sign3A_913 = arith.cmpi slt, %add3A_894, %sign3A_912 : i32
      %sign3A_914 = arith.extui %sign3A_913 : i1 to i32
      %sign3A_915 = arith.subi %sign3A_911, %sign3A_914 : i32
      %sign3A_916 = arith.constant 0 : i32
      %sign3A_917 = arith.cmpi sgt, %jit3A_907, %sign3A_916 : i32
      %sign3A_918 = arith.extui %sign3A_917 : i1 to i32
      %sign3A_919 = arith.constant 0 : i32
      %sign3A_920 = arith.cmpi slt, %jit3A_907, %sign3A_919 : i32
      %sign3A_921 = arith.extui %sign3A_920 : i1 to i32
      %sign3A_922 = arith.subi %sign3A_918, %sign3A_921 : i32
      %ne3A_923 = arith.cmpi ne, %sign3A_915, %sign3A_922 : i32
      %rem3A_924 = arith.remsi %add3A_894, %jit3A_907 : i32
      %ne3A_925 = arith.constant 0 : i32
      %ne3A_926 = arith.cmpi ne, %rem3A_924, %ne3A_925 : i32
      %and3A_927 = arith.andi %ne3A_923, %ne3A_926 : i1
      %sub3A_928 = arith.constant 1 : i32
      %sub3A_929 = arith.subi %div3A_908, %sub3A_928 : i32
      %select_n3A_930 = arith.select %and3A_927, %sub3A_929, %div3A_908 : i32
      %jit3A_931 = arith.constant 2 : i32
      %eq3A_932 = arith.constant 0 : i32
      %eq3A_933 = arith.cmpi eq, %jit3A_931, %eq3A_932 : i32
      %jit3A_934 = arith.constant 1 : i32
      %select_n3A_935 = arith.select %eq3A_933, %jit3A_934, %jit3A_931 : i32
      %rem3A_936 = arith.remsi %add3A_894, %select_n3A_935 : i32
      %ne3A_937 = arith.constant 0 : i32
      %ne3A_938 = arith.cmpi ne, %rem3A_936, %ne3A_937 : i32
      %lt3A_939 = arith.constant 0 : i32
      %lt3A_940 = arith.cmpi slt, %rem3A_936, %lt3A_939 : i32
      %lt3A_941 = arith.constant 0 : i32
      %lt3A_942 = arith.cmpi slt, %select_n3A_935, %lt3A_941 : i32
      %ne3A_943 = arith.xori %lt3A_940, %lt3A_942 : i1
      %and3A_944 = arith.andi %ne3A_943, %ne3A_938 : i1
      %add3A_945 = arith.addi %rem3A_936, %select_n3A_935 : i32
      %select_n3A_946 = arith.select %and3A_944, %add3A_945, %rem3A_936 : i32
      %mul3A_947 = arith.constant 64 : i32
      %mul3A_948 = arith.muli %select_n3A_946, %mul3A_947 : i32
      %dma_wait3A_949 = arith.constant 6 : i32
      %dma_wait3A_950 = arith.constant 0 : i32
      %dma_wait3A_951 = arith.constant 0 : i32
      %dma_wait3A_952 = tpu.memref_slice %arg6[%dma_wait3A_949, %dma_wait3A_950, %dma_wait3A_951] : memref<10x64x128xf32, #tpu.memory_space<vmem>> -> memref<1x64x128xf32, #tpu.memory_space<vmem>>
      %dma_wait3A_953 = tpu.memref_squeeze %dma_wait3A_952 : memref<1x64x128xf32, #tpu.memory_space<vmem>> -> memref<64x128xf32, #tpu.memory_space<vmem>>
      %dma_wait3A_954 = tpu.memref_slice %arg5[%select_n3A_930, %mul3A_948] : memref<50x128xi32, #tpu.memory_space<vmem>> -> memref<1x64xi32, #tpu.memory_space<vmem>>
      %dma_wait3A_955 = tpu.memref_squeeze %dma_wait3A_954 : memref<1x64xi32, #tpu.memory_space<vmem>> -> memref<64xi32, #tpu.memory_space<vmem>>
      %dma_wait3A_956 = arith.constant 0 : i32
      %dma_wait3A_957 = arith.constant 0 : i32
      %dma_wait3A_958 = tpu.memref_slice %arg2[%dma_wait3A_956, %dma_wait3A_957] : memref<100000x128xf32, #tpu.memory_space<hbm>> -> memref<100000x128xf32, #tpu.memory_space<hbm>>
      tpu.wait_indirect_dma semaphore(%arg13 : memref<!tpu.dma_semaphore, #tpu.memory_space<semaphore_mem>>) src(%dma_wait3A_958 : memref<100000x128xf32, #tpu.memory_space<hbm>>) dst(%dma_wait3A_953 : memref<64x128xf32, #tpu.memory_space<vmem>>)
      %jit3A_959 = arith.constant 2 : i32
      %div3A_960 = arith.divsi %add3A_894, %jit3A_959 : i32
      %sign3A_961 = arith.constant 0 : i32
      %sign3A_962 = arith.cmpi sgt, %add3A_894, %sign3A_961 : i32
      %sign3A_963 = arith.extui %sign3A_962 : i1 to i32
      %sign3A_964 = arith.constant 0 : i32
      %sign3A_965 = arith.cmpi slt, %add3A_894, %sign3A_964 : i32
      %sign3A_966 = arith.extui %sign3A_965 : i1 to i32
      %sign3A_967 = arith.subi %sign3A_963, %sign3A_966 : i32
      %sign3A_968 = arith.constant 0 : i32
      %sign3A_969 = arith.cmpi sgt, %jit3A_959, %sign3A_968 : i32
      %sign3A_970 = arith.extui %sign3A_969 : i1 to i32
      %sign3A_971 = arith.constant 0 : i32
      %sign3A_972 = arith.cmpi slt, %jit3A_959, %sign3A_971 : i32
      %sign3A_973 = arith.extui %sign3A_972 : i1 to i32
      %sign3A_974 = arith.subi %sign3A_970, %sign3A_973 : i32
      %ne3A_975 = arith.cmpi ne, %sign3A_967, %sign3A_974 : i32
      %rem3A_976 = arith.remsi %add3A_894, %jit3A_959 : i32
      %ne3A_977 = arith.constant 0 : i32
      %ne3A_978 = arith.cmpi ne, %rem3A_976, %ne3A_977 : i32
      %and3A_979 = arith.andi %ne3A_975, %ne3A_978 : i1
      %sub3A_980 = arith.constant 1 : i32
      %sub3A_981 = arith.subi %div3A_960, %sub3A_980 : i32
      %select_n3A_982 = arith.select %and3A_979, %sub3A_981, %div3A_960 : i32
      %mul3A_983 = arith.constant 4096 : i32
      %mul3A_984 = arith.muli %select_n3A_982, %mul3A_983 : i32
      %mul3A_985 = arith.constant 128 : i32
      %mul3A_986 = arith.muli %add3A, %mul3A_985 : i32
      %add3A_987 = arith.addi %mul3A_984, %mul3A_986 : i32
      %jit3A_988 = arith.constant 2 : i32
      %eq3A_989 = arith.constant 0 : i32
      %eq3A_990 = arith.cmpi eq, %jit3A_988, %eq3A_989 : i32
      %jit3A_991 = arith.constant 1 : i32
      %select_n3A_992 = arith.select %eq3A_990, %jit3A_991, %jit3A_988 : i32
      %rem3A_993 = arith.remsi %add3A_894, %select_n3A_992 : i32
      %ne3A_994 = arith.constant 0 : i32
      %ne3A_995 = arith.cmpi ne, %rem3A_993, %ne3A_994 : i32
      %lt3A_996 = arith.constant 0 : i32
      %lt3A_997 = arith.cmpi slt, %rem3A_993, %lt3A_996 : i32
      %lt3A_998 = arith.constant 0 : i32
      %lt3A_999 = arith.cmpi slt, %select_n3A_992, %lt3A_998 : i32
      %ne3A_1000 = arith.xori %lt3A_997, %lt3A_999 : i1
      %and3A_1001 = arith.andi %ne3A_1000, %ne3A_995 : i1
      %add3A_1002 = arith.addi %rem3A_993, %select_n3A_992 : i32
      %select_n3A_1003 = arith.select %and3A_1001, %add3A_1002, %rem3A_993 : i32
      %mul3A_1004 = arith.constant 64 : i32
      %mul3A_1005 = arith.muli %select_n3A_1003, %mul3A_1004 : i32
      %add3A_1006 = arith.addi %add3A_987, %mul3A_1005 : i32
      %multiple_of3A_1007 = tpu.assume_multiple %add3A_1006, 64 : i32
      %dma_start3A_1008 = arith.constant 6 : i32
      %dma_start3A_1009 = arith.constant 0 : i32
      %dma_start3A_1010 = arith.constant 0 : i32
      %dma_start3A_1011 = tpu.memref_slice %arg6[%dma_start3A_1008, %dma_start3A_1009, %dma_start3A_1010] : memref<10x64x128xf32, #tpu.memory_space<vmem>> -> memref<1x64x128xf32, #tpu.memory_space<vmem>>
      %dma_start3A_1012 = tpu.memref_squeeze %dma_start3A_1011 : memref<1x64x128xf32, #tpu.memory_space<vmem>> -> memref<64x128xf32, #tpu.memory_space<vmem>>
      %dma_start3A_1013 = arith.constant 0 : i32
      %dma_start3A_1014 = tpu.memref_slice %arg4[%multiple_of3A_1007, %dma_start3A_1013] : memref<204800x128xf32, #tpu.memory_space<hbm>> -> memref<64x128xf32, #tpu.memory_space<hbm>>
      %dma_start3A_1015 = arith.constant 0 : i32
      %dma_start3A_1016 = tpu.memref_slice %arg4[%multiple_of3A_1007, %dma_start3A_1015] : memref<204800x128xf32, #tpu.memory_space<hbm>> -> memref<64x128xf32, #tpu.memory_space<hbm>>
      %dma_start3A_1017 = arith.constant 0 : i32
      %dma_start3A_1018 = arith.constant 0 : i32
      %dma_start3A_1019 = tpu.memref_slice %arg6[%dma_start3A_1008, %dma_start3A_1017, %dma_start3A_1018] : memref<10x64x128xf32, #tpu.memory_space<vmem>> -> memref<1x64x128xf32, #tpu.memory_space<vmem>>
      %dma_start3A_1020 = tpu.memref_squeeze %dma_start3A_1019 : memref<1x64x128xf32, #tpu.memory_space<vmem>> -> memref<64x128xf32, #tpu.memory_space<vmem>>
      tpu.enqueue_dma source(%dma_start3A_1020 : memref<64x128xf32, #tpu.memory_space<vmem>>) target(%dma_start3A_1016 : memref<64x128xf32, #tpu.memory_space<hbm>>) target_semaphore(%arg23 : memref<!tpu.dma_semaphore, #tpu.memory_space<semaphore_mem>>)
      %add3A_1021 = arith.constant 7 : i32
      %add3A_1022 = arith.addi %add3A_137, %add3A_1021 : i32
      %add3A_1023 = arith.constant 8 : i32
      %add3A_1024 = arith.addi %add3A_1022, %add3A_1023 : i32
      %ge3A_1025 = arith.constant 10 : i32
      %ge3A_1026 = arith.cmpi sge, %add3A_1024, %ge3A_1025 : i32
      %convert_element_type3A_1027 = arith.extui %ge3A_1026 : i1 to i32
      %cond3A_1028 = arith.constant 0 : i32
      %cond3A_1029 = arith.cmpi ne, %convert_element_type3A_1027, %cond3A_1028 : i32
      scf.if %cond3A_1029 {
        %mul3A_1405 = arith.constant 128 : i32
        %mul3A_1406 = arith.muli %add3A, %mul3A_1405 : i32
        %multiple_of3A_1407 = tpu.assume_multiple %mul3A_1406, 64 : i32
        %dma_wait3A_1408 = arith.constant 5 : i32
        %dma_wait3A_1409 = arith.constant 0 : i32
        %dma_wait3A_1410 = arith.constant 0 : i32
        %dma_wait3A_1411 = tpu.memref_slice %arg6[%dma_wait3A_1408, %dma_wait3A_1409, %dma_wait3A_1410] : memref<10x64x128xf32, #tpu.memory_space<vmem>> -> memref<1x64x128xf32, #tpu.memory_space<vmem>>
        %dma_wait3A_1412 = tpu.memref_squeeze %dma_wait3A_1411 : memref<1x64x128xf32, #tpu.memory_space<vmem>> -> memref<64x128xf32, #tpu.memory_space<vmem>>
        %dma_wait3A_1413 = arith.constant 0 : i32
        %dma_wait3A_1414 = tpu.memref_slice %arg4[%multiple_of3A_1407, %dma_wait3A_1413] : memref<204800x128xf32, #tpu.memory_space<hbm>> -> memref<64x128xf32, #tpu.memory_space<hbm>>
        %dma_wait3A_1415 = arith.constant 0 : i32
        %dma_wait3A_1416 = tpu.memref_slice %arg4[%multiple_of3A_1407, %dma_wait3A_1415] : memref<204800x128xf32, #tpu.memory_space<hbm>> -> memref<64x128xf32, #tpu.memory_space<hbm>>
        %dma_wait3A_1417 = arith.constant 0 : i32
        %dma_wait3A_1418 = arith.constant 0 : i32
        %dma_wait3A_1419 = tpu.memref_slice %arg6[%dma_wait3A_1408, %dma_wait3A_1417, %dma_wait3A_1418] : memref<10x64x128xf32, #tpu.memory_space<vmem>> -> memref<1x64x128xf32, #tpu.memory_space<vmem>>
        %dma_wait3A_1420 = tpu.memref_squeeze %dma_wait3A_1419 : memref<1x64x128xf32, #tpu.memory_space<vmem>> -> memref<64x128xf32, #tpu.memory_space<vmem>>
        tpu.wait_dma2 semaphore(%arg22 : memref<!tpu.dma_semaphore, #tpu.memory_space<semaphore_mem>>) src(%dma_wait3A_1420 : memref<64x128xf32, #tpu.memory_space<vmem>>) dst(%dma_wait3A_1416 : memref<64x128xf32, #tpu.memory_space<hbm>>)
      } else {
      }
      %lt3A_1030 = arith.constant 100 : i32
      %lt3A_1031 = arith.cmpi slt, %add3A_1024, %lt3A_1030 : i32
      %convert_element_type3A_1032 = arith.extui %lt3A_1031 : i1 to i32
      %cond3A_1033 = arith.constant 0 : i32
      %cond3A_1034 = arith.cmpi ne, %convert_element_type3A_1032, %cond3A_1033 : i32
      scf.if %cond3A_1034 {
        %jit3A_1405 = arith.constant 2 : i32
        %div3A_1406 = arith.divsi %add3A_1024, %jit3A_1405 : i32
        %sign3A_1407 = arith.constant 0 : i32
        %sign3A_1408 = arith.cmpi sgt, %add3A_1024, %sign3A_1407 : i32
        %sign3A_1409 = arith.extui %sign3A_1408 : i1 to i32
        %sign3A_1410 = arith.constant 0 : i32
        %sign3A_1411 = arith.cmpi slt, %add3A_1024, %sign3A_1410 : i32
        %sign3A_1412 = arith.extui %sign3A_1411 : i1 to i32
        %sign3A_1413 = arith.subi %sign3A_1409, %sign3A_1412 : i32
        %sign3A_1414 = arith.constant 0 : i32
        %sign3A_1415 = arith.cmpi sgt, %jit3A_1405, %sign3A_1414 : i32
        %sign3A_1416 = arith.extui %sign3A_1415 : i1 to i32
        %sign3A_1417 = arith.constant 0 : i32
        %sign3A_1418 = arith.cmpi slt, %jit3A_1405, %sign3A_1417 : i32
        %sign3A_1419 = arith.extui %sign3A_1418 : i1 to i32
        %sign3A_1420 = arith.subi %sign3A_1416, %sign3A_1419 : i32
        %ne3A_1421 = arith.cmpi ne, %sign3A_1413, %sign3A_1420 : i32
        %rem3A_1422 = arith.remsi %add3A_1024, %jit3A_1405 : i32
        %ne3A_1423 = arith.constant 0 : i32
        %ne3A_1424 = arith.cmpi ne, %rem3A_1422, %ne3A_1423 : i32
        %and3A_1425 = arith.andi %ne3A_1421, %ne3A_1424 : i1
        %sub3A_1426 = arith.constant 1 : i32
        %sub3A_1427 = arith.subi %div3A_1406, %sub3A_1426 : i32
        %select_n3A_1428 = arith.select %and3A_1425, %sub3A_1427, %div3A_1406 : i32
        %jit3A_1429 = arith.constant 2 : i32
        %eq3A_1430 = arith.constant 0 : i32
        %eq3A_1431 = arith.cmpi eq, %jit3A_1429, %eq3A_1430 : i32
        %jit3A_1432 = arith.constant 1 : i32
        %select_n3A_1433 = arith.select %eq3A_1431, %jit3A_1432, %jit3A_1429 : i32
        %rem3A_1434 = arith.remsi %add3A_1024, %select_n3A_1433 : i32
        %ne3A_1435 = arith.constant 0 : i32
        %ne3A_1436 = arith.cmpi ne, %rem3A_1434, %ne3A_1435 : i32
        %lt3A_1437 = arith.constant 0 : i32
        %lt3A_1438 = arith.cmpi slt, %rem3A_1434, %lt3A_1437 : i32
        %lt3A_1439 = arith.constant 0 : i32
        %lt3A_1440 = arith.cmpi slt, %select_n3A_1433, %lt3A_1439 : i32
        %ne3A_1441 = arith.xori %lt3A_1438, %lt3A_1440 : i1
        %and3A_1442 = arith.andi %ne3A_1441, %ne3A_1436 : i1
        %add3A_1443 = arith.addi %rem3A_1434, %select_n3A_1433 : i32
        %select_n3A_1444 = arith.select %and3A_1442, %add3A_1443, %rem3A_1434 : i32
        %mul3A_1445 = arith.constant 64 : i32
        %mul3A_1446 = arith.muli %select_n3A_1444, %mul3A_1445 : i32
        %dma_start3A_1447 = arith.constant 5 : i32
        %dma_start3A_1448 = arith.constant 0 : i32
        %dma_start3A_1449 = arith.constant 0 : i32
        %dma_start3A_1450 = tpu.memref_slice %arg6[%dma_start3A_1447, %dma_start3A_1448, %dma_start3A_1449] : memref<10x64x128xf32, #tpu.memory_space<vmem>> -> memref<1x64x128xf32, #tpu.memory_space<vmem>>
        %dma_start3A_1451 = tpu.memref_squeeze %dma_start3A_1450 : memref<1x64x128xf32, #tpu.memory_space<vmem>> -> memref<64x128xf32, #tpu.memory_space<vmem>>
        %dma_start3A_1452 = tpu.memref_slice %arg5[%select_n3A_1428, %mul3A_1446] : memref<50x128xi32, #tpu.memory_space<vmem>> -> memref<1x64xi32, #tpu.memory_space<vmem>>
        %dma_start3A_1453 = tpu.memref_squeeze %dma_start3A_1452 : memref<1x64xi32, #tpu.memory_space<vmem>> -> memref<64xi32, #tpu.memory_space<vmem>>
        %dma_start3A_1454 = arith.constant 0 : i32
        %dma_start3A_1455 = arith.constant 0 : i32
        %dma_start3A_1456 = tpu.memref_slice %arg2[%dma_start3A_1454, %dma_start3A_1455] : memref<100000x128xf32, #tpu.memory_space<hbm>> -> memref<100000x128xf32, #tpu.memory_space<hbm>>
        tpu.enqueue_indirect_dma source(%dma_start3A_1456 : memref<100000x128xf32, #tpu.memory_space<hbm>>) target(%dma_start3A_1451 : memref<64x128xf32, #tpu.memory_space<vmem>>) offsets(%dma_start3A_1453 : memref<64xi32, #tpu.memory_space<vmem>>) semaphore(%arg12 : memref<!tpu.dma_semaphore, #tpu.memory_space<semaphore_mem>>)
      } else {
      }
      %jit3A_1035 = arith.constant 2 : i32
      %div3A_1036 = arith.divsi %add3A_1022, %jit3A_1035 : i32
      %sign3A_1037 = arith.constant 0 : i32
      %sign3A_1038 = arith.cmpi sgt, %add3A_1022, %sign3A_1037 : i32
      %sign3A_1039 = arith.extui %sign3A_1038 : i1 to i32
      %sign3A_1040 = arith.constant 0 : i32
      %sign3A_1041 = arith.cmpi slt, %add3A_1022, %sign3A_1040 : i32
      %sign3A_1042 = arith.extui %sign3A_1041 : i1 to i32
      %sign3A_1043 = arith.subi %sign3A_1039, %sign3A_1042 : i32
      %sign3A_1044 = arith.constant 0 : i32
      %sign3A_1045 = arith.cmpi sgt, %jit3A_1035, %sign3A_1044 : i32
      %sign3A_1046 = arith.extui %sign3A_1045 : i1 to i32
      %sign3A_1047 = arith.constant 0 : i32
      %sign3A_1048 = arith.cmpi slt, %jit3A_1035, %sign3A_1047 : i32
      %sign3A_1049 = arith.extui %sign3A_1048 : i1 to i32
      %sign3A_1050 = arith.subi %sign3A_1046, %sign3A_1049 : i32
      %ne3A_1051 = arith.cmpi ne, %sign3A_1043, %sign3A_1050 : i32
      %rem3A_1052 = arith.remsi %add3A_1022, %jit3A_1035 : i32
      %ne3A_1053 = arith.constant 0 : i32
      %ne3A_1054 = arith.cmpi ne, %rem3A_1052, %ne3A_1053 : i32
      %and3A_1055 = arith.andi %ne3A_1051, %ne3A_1054 : i1
      %sub3A_1056 = arith.constant 1 : i32
      %sub3A_1057 = arith.subi %div3A_1036, %sub3A_1056 : i32
      %select_n3A_1058 = arith.select %and3A_1055, %sub3A_1057, %div3A_1036 : i32
      %jit3A_1059 = arith.constant 2 : i32
      %eq3A_1060 = arith.constant 0 : i32
      %eq3A_1061 = arith.cmpi eq, %jit3A_1059, %eq3A_1060 : i32
      %jit3A_1062 = arith.constant 1 : i32
      %select_n3A_1063 = arith.select %eq3A_1061, %jit3A_1062, %jit3A_1059 : i32
      %rem3A_1064 = arith.remsi %add3A_1022, %select_n3A_1063 : i32
      %ne3A_1065 = arith.constant 0 : i32
      %ne3A_1066 = arith.cmpi ne, %rem3A_1064, %ne3A_1065 : i32
      %lt3A_1067 = arith.constant 0 : i32
      %lt3A_1068 = arith.cmpi slt, %rem3A_1064, %lt3A_1067 : i32
      %lt3A_1069 = arith.constant 0 : i32
      %lt3A_1070 = arith.cmpi slt, %select_n3A_1063, %lt3A_1069 : i32
      %ne3A_1071 = arith.xori %lt3A_1068, %lt3A_1070 : i1
      %and3A_1072 = arith.andi %ne3A_1071, %ne3A_1066 : i1
      %add3A_1073 = arith.addi %rem3A_1064, %select_n3A_1063 : i32
      %select_n3A_1074 = arith.select %and3A_1072, %add3A_1073, %rem3A_1064 : i32
      %mul3A_1075 = arith.constant 64 : i32
      %mul3A_1076 = arith.muli %select_n3A_1074, %mul3A_1075 : i32
      %dma_wait3A_1077 = arith.constant 7 : i32
      %dma_wait3A_1078 = arith.constant 0 : i32
      %dma_wait3A_1079 = arith.constant 0 : i32
      %dma_wait3A_1080 = tpu.memref_slice %arg6[%dma_wait3A_1077, %dma_wait3A_1078, %dma_wait3A_1079] : memref<10x64x128xf32, #tpu.memory_space<vmem>> -> memref<1x64x128xf32, #tpu.memory_space<vmem>>
      %dma_wait3A_1081 = tpu.memref_squeeze %dma_wait3A_1080 : memref<1x64x128xf32, #tpu.memory_space<vmem>> -> memref<64x128xf32, #tpu.memory_space<vmem>>
      %dma_wait3A_1082 = tpu.memref_slice %arg5[%select_n3A_1058, %mul3A_1076] : memref<50x128xi32, #tpu.memory_space<vmem>> -> memref<1x64xi32, #tpu.memory_space<vmem>>
      %dma_wait3A_1083 = tpu.memref_squeeze %dma_wait3A_1082 : memref<1x64xi32, #tpu.memory_space<vmem>> -> memref<64xi32, #tpu.memory_space<vmem>>
      %dma_wait3A_1084 = arith.constant 0 : i32
      %dma_wait3A_1085 = arith.constant 0 : i32
      %dma_wait3A_1086 = tpu.memref_slice %arg2[%dma_wait3A_1084, %dma_wait3A_1085] : memref<100000x128xf32, #tpu.memory_space<hbm>> -> memref<100000x128xf32, #tpu.memory_space<hbm>>
      tpu.wait_indirect_dma semaphore(%arg14 : memref<!tpu.dma_semaphore, #tpu.memory_space<semaphore_mem>>) src(%dma_wait3A_1086 : memref<100000x128xf32, #tpu.memory_space<hbm>>) dst(%dma_wait3A_1081 : memref<64x128xf32, #tpu.memory_space<vmem>>)
      %jit3A_1087 = arith.constant 2 : i32
      %div3A_1088 = arith.divsi %add3A_1022, %jit3A_1087 : i32
      %sign3A_1089 = arith.constant 0 : i32
      %sign3A_1090 = arith.cmpi sgt, %add3A_1022, %sign3A_1089 : i32
      %sign3A_1091 = arith.extui %sign3A_1090 : i1 to i32
      %sign3A_1092 = arith.constant 0 : i32
      %sign3A_1093 = arith.cmpi slt, %add3A_1022, %sign3A_1092 : i32
      %sign3A_1094 = arith.extui %sign3A_1093 : i1 to i32
      %sign3A_1095 = arith.subi %sign3A_1091, %sign3A_1094 : i32
      %sign3A_1096 = arith.constant 0 : i32
      %sign3A_1097 = arith.cmpi sgt, %jit3A_1087, %sign3A_1096 : i32
      %sign3A_1098 = arith.extui %sign3A_1097 : i1 to i32
      %sign3A_1099 = arith.constant 0 : i32
      %sign3A_1100 = arith.cmpi slt, %jit3A_1087, %sign3A_1099 : i32
      %sign3A_1101 = arith.extui %sign3A_1100 : i1 to i32
      %sign3A_1102 = arith.subi %sign3A_1098, %sign3A_1101 : i32
      %ne3A_1103 = arith.cmpi ne, %sign3A_1095, %sign3A_1102 : i32
      %rem3A_1104 = arith.remsi %add3A_1022, %jit3A_1087 : i32
      %ne3A_1105 = arith.constant 0 : i32
      %ne3A_1106 = arith.cmpi ne, %rem3A_1104, %ne3A_1105 : i32
      %and3A_1107 = arith.andi %ne3A_1103, %ne3A_1106 : i1
      %sub3A_1108 = arith.constant 1 : i32
      %sub3A_1109 = arith.subi %div3A_1088, %sub3A_1108 : i32
      %select_n3A_1110 = arith.select %and3A_1107, %sub3A_1109, %div3A_1088 : i32
      %mul3A_1111 = arith.constant 4096 : i32
      %mul3A_1112 = arith.muli %select_n3A_1110, %mul3A_1111 : i32
      %mul3A_1113 = arith.constant 128 : i32
      %mul3A_1114 = arith.muli %add3A, %mul3A_1113 : i32
      %add3A_1115 = arith.addi %mul3A_1112, %mul3A_1114 : i32
      %jit3A_1116 = arith.constant 2 : i32
      %eq3A_1117 = arith.constant 0 : i32
      %eq3A_1118 = arith.cmpi eq, %jit3A_1116, %eq3A_1117 : i32
      %jit3A_1119 = arith.constant 1 : i32
      %select_n3A_1120 = arith.select %eq3A_1118, %jit3A_1119, %jit3A_1116 : i32
      %rem3A_1121 = arith.remsi %add3A_1022, %select_n3A_1120 : i32
      %ne3A_1122 = arith.constant 0 : i32
      %ne3A_1123 = arith.cmpi ne, %rem3A_1121, %ne3A_1122 : i32
      %lt3A_1124 = arith.constant 0 : i32
      %lt3A_1125 = arith.cmpi slt, %rem3A_1121, %lt3A_1124 : i32
      %lt3A_1126 = arith.constant 0 : i32
      %lt3A_1127 = arith.cmpi slt, %select_n3A_1120, %lt3A_1126 : i32
      %ne3A_1128 = arith.xori %lt3A_1125, %lt3A_1127 : i1
      %and3A_1129 = arith.andi %ne3A_1128, %ne3A_1123 : i1
      %add3A_1130 = arith.addi %rem3A_1121, %select_n3A_1120 : i32
      %select_n3A_1131 = arith.select %and3A_1129, %add3A_1130, %rem3A_1121 : i32
      %mul3A_1132 = arith.constant 64 : i32
      %mul3A_1133 = arith.muli %select_n3A_1131, %mul3A_1132 : i32
      %add3A_1134 = arith.addi %add3A_1115, %mul3A_1133 : i32
      %multiple_of3A_1135 = tpu.assume_multiple %add3A_1134, 64 : i32
      %dma_start3A_1136 = arith.constant 7 : i32
      %dma_start3A_1137 = arith.constant 0 : i32
      %dma_start3A_1138 = arith.constant 0 : i32
      %dma_start3A_1139 = tpu.memref_slice %arg6[%dma_start3A_1136, %dma_start3A_1137, %dma_start3A_1138] : memref<10x64x128xf32, #tpu.memory_space<vmem>> -> memref<1x64x128xf32, #tpu.memory_space<vmem>>
      %dma_start3A_1140 = tpu.memref_squeeze %dma_start3A_1139 : memref<1x64x128xf32, #tpu.memory_space<vmem>> -> memref<64x128xf32, #tpu.memory_space<vmem>>
      %dma_start3A_1141 = arith.constant 0 : i32
      %dma_start3A_1142 = tpu.memref_slice %arg4[%multiple_of3A_1135, %dma_start3A_1141] : memref<204800x128xf32, #tpu.memory_space<hbm>> -> memref<64x128xf32, #tpu.memory_space<hbm>>
      %dma_start3A_1143 = arith.constant 0 : i32
      %dma_start3A_1144 = tpu.memref_slice %arg4[%multiple_of3A_1135, %dma_start3A_1143] : memref<204800x128xf32, #tpu.memory_space<hbm>> -> memref<64x128xf32, #tpu.memory_space<hbm>>
      %dma_start3A_1145 = arith.constant 0 : i32
      %dma_start3A_1146 = arith.constant 0 : i32
      %dma_start3A_1147 = tpu.memref_slice %arg6[%dma_start3A_1136, %dma_start3A_1145, %dma_start3A_1146] : memref<10x64x128xf32, #tpu.memory_space<vmem>> -> memref<1x64x128xf32, #tpu.memory_space<vmem>>
      %dma_start3A_1148 = tpu.memref_squeeze %dma_start3A_1147 : memref<1x64x128xf32, #tpu.memory_space<vmem>> -> memref<64x128xf32, #tpu.memory_space<vmem>>
      tpu.enqueue_dma source(%dma_start3A_1148 : memref<64x128xf32, #tpu.memory_space<vmem>>) target(%dma_start3A_1144 : memref<64x128xf32, #tpu.memory_space<hbm>>) target_semaphore(%arg24 : memref<!tpu.dma_semaphore, #tpu.memory_space<semaphore_mem>>)
      %add3A_1149 = arith.constant 8 : i32
      %add3A_1150 = arith.addi %add3A_137, %add3A_1149 : i32
      %add3A_1151 = arith.constant 8 : i32
      %add3A_1152 = arith.addi %add3A_1150, %add3A_1151 : i32
      %ge3A_1153 = arith.constant 10 : i32
      %ge3A_1154 = arith.cmpi sge, %add3A_1152, %ge3A_1153 : i32
      %convert_element_type3A_1155 = arith.extui %ge3A_1154 : i1 to i32
      %cond3A_1156 = arith.constant 0 : i32
      %cond3A_1157 = arith.cmpi ne, %convert_element_type3A_1155, %cond3A_1156 : i32
      scf.if %cond3A_1157 {
        %mul3A_1405 = arith.constant 128 : i32
        %mul3A_1406 = arith.muli %add3A, %mul3A_1405 : i32
        %multiple_of3A_1407 = tpu.assume_multiple %mul3A_1406, 64 : i32
        %dma_wait3A_1408 = arith.constant 6 : i32
        %dma_wait3A_1409 = arith.constant 0 : i32
        %dma_wait3A_1410 = arith.constant 0 : i32
        %dma_wait3A_1411 = tpu.memref_slice %arg6[%dma_wait3A_1408, %dma_wait3A_1409, %dma_wait3A_1410] : memref<10x64x128xf32, #tpu.memory_space<vmem>> -> memref<1x64x128xf32, #tpu.memory_space<vmem>>
        %dma_wait3A_1412 = tpu.memref_squeeze %dma_wait3A_1411 : memref<1x64x128xf32, #tpu.memory_space<vmem>> -> memref<64x128xf32, #tpu.memory_space<vmem>>
        %dma_wait3A_1413 = arith.constant 0 : i32
        %dma_wait3A_1414 = tpu.memref_slice %arg4[%multiple_of3A_1407, %dma_wait3A_1413] : memref<204800x128xf32, #tpu.memory_space<hbm>> -> memref<64x128xf32, #tpu.memory_space<hbm>>
        %dma_wait3A_1415 = arith.constant 0 : i32
        %dma_wait3A_1416 = tpu.memref_slice %arg4[%multiple_of3A_1407, %dma_wait3A_1415] : memref<204800x128xf32, #tpu.memory_space<hbm>> -> memref<64x128xf32, #tpu.memory_space<hbm>>
        %dma_wait3A_1417 = arith.constant 0 : i32
        %dma_wait3A_1418 = arith.constant 0 : i32
        %dma_wait3A_1419 = tpu.memref_slice %arg6[%dma_wait3A_1408, %dma_wait3A_1417, %dma_wait3A_1418] : memref<10x64x128xf32, #tpu.memory_space<vmem>> -> memref<1x64x128xf32, #tpu.memory_space<vmem>>
        %dma_wait3A_1420 = tpu.memref_squeeze %dma_wait3A_1419 : memref<1x64x128xf32, #tpu.memory_space<vmem>> -> memref<64x128xf32, #tpu.memory_space<vmem>>
        tpu.wait_dma2 semaphore(%arg23 : memref<!tpu.dma_semaphore, #tpu.memory_space<semaphore_mem>>) src(%dma_wait3A_1420 : memref<64x128xf32, #tpu.memory_space<vmem>>) dst(%dma_wait3A_1416 : memref<64x128xf32, #tpu.memory_space<hbm>>)
      } else {
      }
      %lt3A_1158 = arith.constant 100 : i32
      %lt3A_1159 = arith.cmpi slt, %add3A_1152, %lt3A_1158 : i32
      %convert_element_type3A_1160 = arith.extui %lt3A_1159 : i1 to i32
      %cond3A_1161 = arith.constant 0 : i32
      %cond3A_1162 = arith.cmpi ne, %convert_element_type3A_1160, %cond3A_1161 : i32
      scf.if %cond3A_1162 {
        %jit3A_1405 = arith.constant 2 : i32
        %div3A_1406 = arith.divsi %add3A_1152, %jit3A_1405 : i32
        %sign3A_1407 = arith.constant 0 : i32
        %sign3A_1408 = arith.cmpi sgt, %add3A_1152, %sign3A_1407 : i32
        %sign3A_1409 = arith.extui %sign3A_1408 : i1 to i32
        %sign3A_1410 = arith.constant 0 : i32
        %sign3A_1411 = arith.cmpi slt, %add3A_1152, %sign3A_1410 : i32
        %sign3A_1412 = arith.extui %sign3A_1411 : i1 to i32
        %sign3A_1413 = arith.subi %sign3A_1409, %sign3A_1412 : i32
        %sign3A_1414 = arith.constant 0 : i32
        %sign3A_1415 = arith.cmpi sgt, %jit3A_1405, %sign3A_1414 : i32
        %sign3A_1416 = arith.extui %sign3A_1415 : i1 to i32
        %sign3A_1417 = arith.constant 0 : i32
        %sign3A_1418 = arith.cmpi slt, %jit3A_1405, %sign3A_1417 : i32
        %sign3A_1419 = arith.extui %sign3A_1418 : i1 to i32
        %sign3A_1420 = arith.subi %sign3A_1416, %sign3A_1419 : i32
        %ne3A_1421 = arith.cmpi ne, %sign3A_1413, %sign3A_1420 : i32
        %rem3A_1422 = arith.remsi %add3A_1152, %jit3A_1405 : i32
        %ne3A_1423 = arith.constant 0 : i32
        %ne3A_1424 = arith.cmpi ne, %rem3A_1422, %ne3A_1423 : i32
        %and3A_1425 = arith.andi %ne3A_1421, %ne3A_1424 : i1
        %sub3A_1426 = arith.constant 1 : i32
        %sub3A_1427 = arith.subi %div3A_1406, %sub3A_1426 : i32
        %select_n3A_1428 = arith.select %and3A_1425, %sub3A_1427, %div3A_1406 : i32
        %jit3A_1429 = arith.constant 2 : i32
        %eq3A_1430 = arith.constant 0 : i32
        %eq3A_1431 = arith.cmpi eq, %jit3A_1429, %eq3A_1430 : i32
        %jit3A_1432 = arith.constant 1 : i32
        %select_n3A_1433 = arith.select %eq3A_1431, %jit3A_1432, %jit3A_1429 : i32
        %rem3A_1434 = arith.remsi %add3A_1152, %select_n3A_1433 : i32
        %ne3A_1435 = arith.constant 0 : i32
        %ne3A_1436 = arith.cmpi ne, %rem3A_1434, %ne3A_1435 : i32
        %lt3A_1437 = arith.constant 0 : i32
        %lt3A_1438 = arith.cmpi slt, %rem3A_1434, %lt3A_1437 : i32
        %lt3A_1439 = arith.constant 0 : i32
        %lt3A_1440 = arith.cmpi slt, %select_n3A_1433, %lt3A_1439 : i32
        %ne3A_1441 = arith.xori %lt3A_1438, %lt3A_1440 : i1
        %and3A_1442 = arith.andi %ne3A_1441, %ne3A_1436 : i1
        %add3A_1443 = arith.addi %rem3A_1434, %select_n3A_1433 : i32
        %select_n3A_1444 = arith.select %and3A_1442, %add3A_1443, %rem3A_1434 : i32
        %mul3A_1445 = arith.constant 64 : i32
        %mul3A_1446 = arith.muli %select_n3A_1444, %mul3A_1445 : i32
        %dma_start3A_1447 = arith.constant 6 : i32
        %dma_start3A_1448 = arith.constant 0 : i32
        %dma_start3A_1449 = arith.constant 0 : i32
        %dma_start3A_1450 = tpu.memref_slice %arg6[%dma_start3A_1447, %dma_start3A_1448, %dma_start3A_1449] : memref<10x64x128xf32, #tpu.memory_space<vmem>> -> memref<1x64x128xf32, #tpu.memory_space<vmem>>
        %dma_start3A_1451 = tpu.memref_squeeze %dma_start3A_1450 : memref<1x64x128xf32, #tpu.memory_space<vmem>> -> memref<64x128xf32, #tpu.memory_space<vmem>>
        %dma_start3A_1452 = tpu.memref_slice %arg5[%select_n3A_1428, %mul3A_1446] : memref<50x128xi32, #tpu.memory_space<vmem>> -> memref<1x64xi32, #tpu.memory_space<vmem>>
        %dma_start3A_1453 = tpu.memref_squeeze %dma_start3A_1452 : memref<1x64xi32, #tpu.memory_space<vmem>> -> memref<64xi32, #tpu.memory_space<vmem>>
        %dma_start3A_1454 = arith.constant 0 : i32
        %dma_start3A_1455 = arith.constant 0 : i32
        %dma_start3A_1456 = tpu.memref_slice %arg2[%dma_start3A_1454, %dma_start3A_1455] : memref<100000x128xf32, #tpu.memory_space<hbm>> -> memref<100000x128xf32, #tpu.memory_space<hbm>>
        tpu.enqueue_indirect_dma source(%dma_start3A_1456 : memref<100000x128xf32, #tpu.memory_space<hbm>>) target(%dma_start3A_1451 : memref<64x128xf32, #tpu.memory_space<vmem>>) offsets(%dma_start3A_1453 : memref<64xi32, #tpu.memory_space<vmem>>) semaphore(%arg13 : memref<!tpu.dma_semaphore, #tpu.memory_space<semaphore_mem>>)
      } else {
      }
      %jit3A_1163 = arith.constant 2 : i32
      %div3A_1164 = arith.divsi %add3A_1150, %jit3A_1163 : i32
      %sign3A_1165 = arith.constant 0 : i32
      %sign3A_1166 = arith.cmpi sgt, %add3A_1150, %sign3A_1165 : i32
      %sign3A_1167 = arith.extui %sign3A_1166 : i1 to i32
      %sign3A_1168 = arith.constant 0 : i32
      %sign3A_1169 = arith.cmpi slt, %add3A_1150, %sign3A_1168 : i32
      %sign3A_1170 = arith.extui %sign3A_1169 : i1 to i32
      %sign3A_1171 = arith.subi %sign3A_1167, %sign3A_1170 : i32
      %sign3A_1172 = arith.constant 0 : i32
      %sign3A_1173 = arith.cmpi sgt, %jit3A_1163, %sign3A_1172 : i32
      %sign3A_1174 = arith.extui %sign3A_1173 : i1 to i32
      %sign3A_1175 = arith.constant 0 : i32
      %sign3A_1176 = arith.cmpi slt, %jit3A_1163, %sign3A_1175 : i32
      %sign3A_1177 = arith.extui %sign3A_1176 : i1 to i32
      %sign3A_1178 = arith.subi %sign3A_1174, %sign3A_1177 : i32
      %ne3A_1179 = arith.cmpi ne, %sign3A_1171, %sign3A_1178 : i32
      %rem3A_1180 = arith.remsi %add3A_1150, %jit3A_1163 : i32
      %ne3A_1181 = arith.constant 0 : i32
      %ne3A_1182 = arith.cmpi ne, %rem3A_1180, %ne3A_1181 : i32
      %and3A_1183 = arith.andi %ne3A_1179, %ne3A_1182 : i1
      %sub3A_1184 = arith.constant 1 : i32
      %sub3A_1185 = arith.subi %div3A_1164, %sub3A_1184 : i32
      %select_n3A_1186 = arith.select %and3A_1183, %sub3A_1185, %div3A_1164 : i32
      %jit3A_1187 = arith.constant 2 : i32
      %eq3A_1188 = arith.constant 0 : i32
      %eq3A_1189 = arith.cmpi eq, %jit3A_1187, %eq3A_1188 : i32
      %jit3A_1190 = arith.constant 1 : i32
      %select_n3A_1191 = arith.select %eq3A_1189, %jit3A_1190, %jit3A_1187 : i32
      %rem3A_1192 = arith.remsi %add3A_1150, %select_n3A_1191 : i32
      %ne3A_1193 = arith.constant 0 : i32
      %ne3A_1194 = arith.cmpi ne, %rem3A_1192, %ne3A_1193 : i32
      %lt3A_1195 = arith.constant 0 : i32
      %lt3A_1196 = arith.cmpi slt, %rem3A_1192, %lt3A_1195 : i32
      %lt3A_1197 = arith.constant 0 : i32
      %lt3A_1198 = arith.cmpi slt, %select_n3A_1191, %lt3A_1197 : i32
      %ne3A_1199 = arith.xori %lt3A_1196, %lt3A_1198 : i1
      %and3A_1200 = arith.andi %ne3A_1199, %ne3A_1194 : i1
      %add3A_1201 = arith.addi %rem3A_1192, %select_n3A_1191 : i32
      %select_n3A_1202 = arith.select %and3A_1200, %add3A_1201, %rem3A_1192 : i32
      %mul3A_1203 = arith.constant 64 : i32
      %mul3A_1204 = arith.muli %select_n3A_1202, %mul3A_1203 : i32
      %dma_wait3A_1205 = arith.constant 8 : i32
      %dma_wait3A_1206 = arith.constant 0 : i32
      %dma_wait3A_1207 = arith.constant 0 : i32
      %dma_wait3A_1208 = tpu.memref_slice %arg6[%dma_wait3A_1205, %dma_wait3A_1206, %dma_wait3A_1207] : memref<10x64x128xf32, #tpu.memory_space<vmem>> -> memref<1x64x128xf32, #tpu.memory_space<vmem>>
      %dma_wait3A_1209 = tpu.memref_squeeze %dma_wait3A_1208 : memref<1x64x128xf32, #tpu.memory_space<vmem>> -> memref<64x128xf32, #tpu.memory_space<vmem>>
      %dma_wait3A_1210 = tpu.memref_slice %arg5[%select_n3A_1186, %mul3A_1204] : memref<50x128xi32, #tpu.memory_space<vmem>> -> memref<1x64xi32, #tpu.memory_space<vmem>>
      %dma_wait3A_1211 = tpu.memref_squeeze %dma_wait3A_1210 : memref<1x64xi32, #tpu.memory_space<vmem>> -> memref<64xi32, #tpu.memory_space<vmem>>
      %dma_wait3A_1212 = arith.constant 0 : i32
      %dma_wait3A_1213 = arith.constant 0 : i32
      %dma_wait3A_1214 = tpu.memref_slice %arg2[%dma_wait3A_1212, %dma_wait3A_1213] : memref<100000x128xf32, #tpu.memory_space<hbm>> -> memref<100000x128xf32, #tpu.memory_space<hbm>>
      tpu.wait_indirect_dma semaphore(%arg15 : memref<!tpu.dma_semaphore, #tpu.memory_space<semaphore_mem>>) src(%dma_wait3A_1214 : memref<100000x128xf32, #tpu.memory_space<hbm>>) dst(%dma_wait3A_1209 : memref<64x128xf32, #tpu.memory_space<vmem>>)
      %jit3A_1215 = arith.constant 2 : i32
      %div3A_1216 = arith.divsi %add3A_1150, %jit3A_1215 : i32
      %sign3A_1217 = arith.constant 0 : i32
      %sign3A_1218 = arith.cmpi sgt, %add3A_1150, %sign3A_1217 : i32
      %sign3A_1219 = arith.extui %sign3A_1218 : i1 to i32
      %sign3A_1220 = arith.constant 0 : i32
      %sign3A_1221 = arith.cmpi slt, %add3A_1150, %sign3A_1220 : i32
      %sign3A_1222 = arith.extui %sign3A_1221 : i1 to i32
      %sign3A_1223 = arith.subi %sign3A_1219, %sign3A_1222 : i32
      %sign3A_1224 = arith.constant 0 : i32
      %sign3A_1225 = arith.cmpi sgt, %jit3A_1215, %sign3A_1224 : i32
      %sign3A_1226 = arith.extui %sign3A_1225 : i1 to i32
      %sign3A_1227 = arith.constant 0 : i32
      %sign3A_1228 = arith.cmpi slt, %jit3A_1215, %sign3A_1227 : i32
      %sign3A_1229 = arith.extui %sign3A_1228 : i1 to i32
      %sign3A_1230 = arith.subi %sign3A_1226, %sign3A_1229 : i32
      %ne3A_1231 = arith.cmpi ne, %sign3A_1223, %sign3A_1230 : i32
      %rem3A_1232 = arith.remsi %add3A_1150, %jit3A_1215 : i32
      %ne3A_1233 = arith.constant 0 : i32
      %ne3A_1234 = arith.cmpi ne, %rem3A_1232, %ne3A_1233 : i32
      %and3A_1235 = arith.andi %ne3A_1231, %ne3A_1234 : i1
      %sub3A_1236 = arith.constant 1 : i32
      %sub3A_1237 = arith.subi %div3A_1216, %sub3A_1236 : i32
      %select_n3A_1238 = arith.select %and3A_1235, %sub3A_1237, %div3A_1216 : i32
      %mul3A_1239 = arith.constant 4096 : i32
      %mul3A_1240 = arith.muli %select_n3A_1238, %mul3A_1239 : i32
      %mul3A_1241 = arith.constant 128 : i32
      %mul3A_1242 = arith.muli %add3A, %mul3A_1241 : i32
      %add3A_1243 = arith.addi %mul3A_1240, %mul3A_1242 : i32
      %jit3A_1244 = arith.constant 2 : i32
      %eq3A_1245 = arith.constant 0 : i32
      %eq3A_1246 = arith.cmpi eq, %jit3A_1244, %eq3A_1245 : i32
      %jit3A_1247 = arith.constant 1 : i32
      %select_n3A_1248 = arith.select %eq3A_1246, %jit3A_1247, %jit3A_1244 : i32
      %rem3A_1249 = arith.remsi %add3A_1150, %select_n3A_1248 : i32
      %ne3A_1250 = arith.constant 0 : i32
      %ne3A_1251 = arith.cmpi ne, %rem3A_1249, %ne3A_1250 : i32
      %lt3A_1252 = arith.constant 0 : i32
      %lt3A_1253 = arith.cmpi slt, %rem3A_1249, %lt3A_1252 : i32
      %lt3A_1254 = arith.constant 0 : i32
      %lt3A_1255 = arith.cmpi slt, %select_n3A_1248, %lt3A_1254 : i32
      %ne3A_1256 = arith.xori %lt3A_1253, %lt3A_1255 : i1
      %and3A_1257 = arith.andi %ne3A_1256, %ne3A_1251 : i1
      %add3A_1258 = arith.addi %rem3A_1249, %select_n3A_1248 : i32
      %select_n3A_1259 = arith.select %and3A_1257, %add3A_1258, %rem3A_1249 : i32
      %mul3A_1260 = arith.constant 64 : i32
      %mul3A_1261 = arith.muli %select_n3A_1259, %mul3A_1260 : i32
      %add3A_1262 = arith.addi %add3A_1243, %mul3A_1261 : i32
      %multiple_of3A_1263 = tpu.assume_multiple %add3A_1262, 64 : i32
      %dma_start3A_1264 = arith.constant 8 : i32
      %dma_start3A_1265 = arith.constant 0 : i32
      %dma_start3A_1266 = arith.constant 0 : i32
      %dma_start3A_1267 = tpu.memref_slice %arg6[%dma_start3A_1264, %dma_start3A_1265, %dma_start3A_1266] : memref<10x64x128xf32, #tpu.memory_space<vmem>> -> memref<1x64x128xf32, #tpu.memory_space<vmem>>
      %dma_start3A_1268 = tpu.memref_squeeze %dma_start3A_1267 : memref<1x64x128xf32, #tpu.memory_space<vmem>> -> memref<64x128xf32, #tpu.memory_space<vmem>>
      %dma_start3A_1269 = arith.constant 0 : i32
      %dma_start3A_1270 = tpu.memref_slice %arg4[%multiple_of3A_1263, %dma_start3A_1269] : memref<204800x128xf32, #tpu.memory_space<hbm>> -> memref<64x128xf32, #tpu.memory_space<hbm>>
      %dma_start3A_1271 = arith.constant 0 : i32
      %dma_start3A_1272 = tpu.memref_slice %arg4[%multiple_of3A_1263, %dma_start3A_1271] : memref<204800x128xf32, #tpu.memory_space<hbm>> -> memref<64x128xf32, #tpu.memory_space<hbm>>
      %dma_start3A_1273 = arith.constant 0 : i32
      %dma_start3A_1274 = arith.constant 0 : i32
      %dma_start3A_1275 = tpu.memref_slice %arg6[%dma_start3A_1264, %dma_start3A_1273, %dma_start3A_1274] : memref<10x64x128xf32, #tpu.memory_space<vmem>> -> memref<1x64x128xf32, #tpu.memory_space<vmem>>
      %dma_start3A_1276 = tpu.memref_squeeze %dma_start3A_1275 : memref<1x64x128xf32, #tpu.memory_space<vmem>> -> memref<64x128xf32, #tpu.memory_space<vmem>>
      tpu.enqueue_dma source(%dma_start3A_1276 : memref<64x128xf32, #tpu.memory_space<vmem>>) target(%dma_start3A_1272 : memref<64x128xf32, #tpu.memory_space<hbm>>) target_semaphore(%arg25 : memref<!tpu.dma_semaphore, #tpu.memory_space<semaphore_mem>>)
      %add3A_1277 = arith.constant 9 : i32
      %add3A_1278 = arith.addi %add3A_137, %add3A_1277 : i32
      %add3A_1279 = arith.constant 8 : i32
      %add3A_1280 = arith.addi %add3A_1278, %add3A_1279 : i32
      %ge3A_1281 = arith.constant 10 : i32
      %ge3A_1282 = arith.cmpi sge, %add3A_1280, %ge3A_1281 : i32
      %convert_element_type3A_1283 = arith.extui %ge3A_1282 : i1 to i32
      %cond3A_1284 = arith.constant 0 : i32
      %cond3A_1285 = arith.cmpi ne, %convert_element_type3A_1283, %cond3A_1284 : i32
      scf.if %cond3A_1285 {
        %mul3A_1405 = arith.constant 128 : i32
        %mul3A_1406 = arith.muli %add3A, %mul3A_1405 : i32
        %multiple_of3A_1407 = tpu.assume_multiple %mul3A_1406, 64 : i32
        %dma_wait3A_1408 = arith.constant 7 : i32
        %dma_wait3A_1409 = arith.constant 0 : i32
        %dma_wait3A_1410 = arith.constant 0 : i32
        %dma_wait3A_1411 = tpu.memref_slice %arg6[%dma_wait3A_1408, %dma_wait3A_1409, %dma_wait3A_1410] : memref<10x64x128xf32, #tpu.memory_space<vmem>> -> memref<1x64x128xf32, #tpu.memory_space<vmem>>
        %dma_wait3A_1412 = tpu.memref_squeeze %dma_wait3A_1411 : memref<1x64x128xf32, #tpu.memory_space<vmem>> -> memref<64x128xf32, #tpu.memory_space<vmem>>
        %dma_wait3A_1413 = arith.constant 0 : i32
        %dma_wait3A_1414 = tpu.memref_slice %arg4[%multiple_of3A_1407, %dma_wait3A_1413] : memref<204800x128xf32, #tpu.memory_space<hbm>> -> memref<64x128xf32, #tpu.memory_space<hbm>>
        %dma_wait3A_1415 = arith.constant 0 : i32
        %dma_wait3A_1416 = tpu.memref_slice %arg4[%multiple_of3A_1407, %dma_wait3A_1415] : memref<204800x128xf32, #tpu.memory_space<hbm>> -> memref<64x128xf32, #tpu.memory_space<hbm>>
        %dma_wait3A_1417 = arith.constant 0 : i32
        %dma_wait3A_1418 = arith.constant 0 : i32
        %dma_wait3A_1419 = tpu.memref_slice %arg6[%dma_wait3A_1408, %dma_wait3A_1417, %dma_wait3A_1418] : memref<10x64x128xf32, #tpu.memory_space<vmem>> -> memref<1x64x128xf32, #tpu.memory_space<vmem>>
        %dma_wait3A_1420 = tpu.memref_squeeze %dma_wait3A_1419 : memref<1x64x128xf32, #tpu.memory_space<vmem>> -> memref<64x128xf32, #tpu.memory_space<vmem>>
        tpu.wait_dma2 semaphore(%arg24 : memref<!tpu.dma_semaphore, #tpu.memory_space<semaphore_mem>>) src(%dma_wait3A_1420 : memref<64x128xf32, #tpu.memory_space<vmem>>) dst(%dma_wait3A_1416 : memref<64x128xf32, #tpu.memory_space<hbm>>)
      } else {
      }
      %lt3A_1286 = arith.constant 100 : i32
      %lt3A_1287 = arith.cmpi slt, %add3A_1280, %lt3A_1286 : i32
      %convert_element_type3A_1288 = arith.extui %lt3A_1287 : i1 to i32
      %cond3A_1289 = arith.constant 0 : i32
      %cond3A_1290 = arith.cmpi ne, %convert_element_type3A_1288, %cond3A_1289 : i32
      scf.if %cond3A_1290 {
        %jit3A_1405 = arith.constant 2 : i32
        %div3A_1406 = arith.divsi %add3A_1280, %jit3A_1405 : i32
        %sign3A_1407 = arith.constant 0 : i32
        %sign3A_1408 = arith.cmpi sgt, %add3A_1280, %sign3A_1407 : i32
        %sign3A_1409 = arith.extui %sign3A_1408 : i1 to i32
        %sign3A_1410 = arith.constant 0 : i32
        %sign3A_1411 = arith.cmpi slt, %add3A_1280, %sign3A_1410 : i32
        %sign3A_1412 = arith.extui %sign3A_1411 : i1 to i32
        %sign3A_1413 = arith.subi %sign3A_1409, %sign3A_1412 : i32
        %sign3A_1414 = arith.constant 0 : i32
        %sign3A_1415 = arith.cmpi sgt, %jit3A_1405, %sign3A_1414 : i32
        %sign3A_1416 = arith.extui %sign3A_1415 : i1 to i32
        %sign3A_1417 = arith.constant 0 : i32
        %sign3A_1418 = arith.cmpi slt, %jit3A_1405, %sign3A_1417 : i32
        %sign3A_1419 = arith.extui %sign3A_1418 : i1 to i32
        %sign3A_1420 = arith.subi %sign3A_1416, %sign3A_1419 : i32
        %ne3A_1421 = arith.cmpi ne, %sign3A_1413, %sign3A_1420 : i32
        %rem3A_1422 = arith.remsi %add3A_1280, %jit3A_1405 : i32
        %ne3A_1423 = arith.constant 0 : i32
        %ne3A_1424 = arith.cmpi ne, %rem3A_1422, %ne3A_1423 : i32
        %and3A_1425 = arith.andi %ne3A_1421, %ne3A_1424 : i1
        %sub3A_1426 = arith.constant 1 : i32
        %sub3A_1427 = arith.subi %div3A_1406, %sub3A_1426 : i32
        %select_n3A_1428 = arith.select %and3A_1425, %sub3A_1427, %div3A_1406 : i32
        %jit3A_1429 = arith.constant 2 : i32
        %eq3A_1430 = arith.constant 0 : i32
        %eq3A_1431 = arith.cmpi eq, %jit3A_1429, %eq3A_1430 : i32
        %jit3A_1432 = arith.constant 1 : i32
        %select_n3A_1433 = arith.select %eq3A_1431, %jit3A_1432, %jit3A_1429 : i32
        %rem3A_1434 = arith.remsi %add3A_1280, %select_n3A_1433 : i32
        %ne3A_1435 = arith.constant 0 : i32
        %ne3A_1436 = arith.cmpi ne, %rem3A_1434, %ne3A_1435 : i32
        %lt3A_1437 = arith.constant 0 : i32
        %lt3A_1438 = arith.cmpi slt, %rem3A_1434, %lt3A_1437 : i32
        %lt3A_1439 = arith.constant 0 : i32
        %lt3A_1440 = arith.cmpi slt, %select_n3A_1433, %lt3A_1439 : i32
        %ne3A_1441 = arith.xori %lt3A_1438, %lt3A_1440 : i1
        %and3A_1442 = arith.andi %ne3A_1441, %ne3A_1436 : i1
        %add3A_1443 = arith.addi %rem3A_1434, %select_n3A_1433 : i32
        %select_n3A_1444 = arith.select %and3A_1442, %add3A_1443, %rem3A_1434 : i32
        %mul3A_1445 = arith.constant 64 : i32
        %mul3A_1446 = arith.muli %select_n3A_1444, %mul3A_1445 : i32
        %dma_start3A_1447 = arith.constant 7 : i32
        %dma_start3A_1448 = arith.constant 0 : i32
        %dma_start3A_1449 = arith.constant 0 : i32
        %dma_start3A_1450 = tpu.memref_slice %arg6[%dma_start3A_1447, %dma_start3A_1448, %dma_start3A_1449] : memref<10x64x128xf32, #tpu.memory_space<vmem>> -> memref<1x64x128xf32, #tpu.memory_space<vmem>>
        %dma_start3A_1451 = tpu.memref_squeeze %dma_start3A_1450 : memref<1x64x128xf32, #tpu.memory_space<vmem>> -> memref<64x128xf32, #tpu.memory_space<vmem>>
        %dma_start3A_1452 = tpu.memref_slice %arg5[%select_n3A_1428, %mul3A_1446] : memref<50x128xi32, #tpu.memory_space<vmem>> -> memref<1x64xi32, #tpu.memory_space<vmem>>
        %dma_start3A_1453 = tpu.memref_squeeze %dma_start3A_1452 : memref<1x64xi32, #tpu.memory_space<vmem>> -> memref<64xi32, #tpu.memory_space<vmem>>
        %dma_start3A_1454 = arith.constant 0 : i32
        %dma_start3A_1455 = arith.constant 0 : i32
        %dma_start3A_1456 = tpu.memref_slice %arg2[%dma_start3A_1454, %dma_start3A_1455] : memref<100000x128xf32, #tpu.memory_space<hbm>> -> memref<100000x128xf32, #tpu.memory_space<hbm>>
        tpu.enqueue_indirect_dma source(%dma_start3A_1456 : memref<100000x128xf32, #tpu.memory_space<hbm>>) target(%dma_start3A_1451 : memref<64x128xf32, #tpu.memory_space<vmem>>) offsets(%dma_start3A_1453 : memref<64xi32, #tpu.memory_space<vmem>>) semaphore(%arg14 : memref<!tpu.dma_semaphore, #tpu.memory_space<semaphore_mem>>)
      } else {
      }
      %jit3A_1291 = arith.constant 2 : i32
      %div3A_1292 = arith.divsi %add3A_1278, %jit3A_1291 : i32
      %sign3A_1293 = arith.constant 0 : i32
      %sign3A_1294 = arith.cmpi sgt, %add3A_1278, %sign3A_1293 : i32
      %sign3A_1295 = arith.extui %sign3A_1294 : i1 to i32
      %sign3A_1296 = arith.constant 0 : i32
      %sign3A_1297 = arith.cmpi slt, %add3A_1278, %sign3A_1296 : i32
      %sign3A_1298 = arith.extui %sign3A_1297 : i1 to i32
      %sign3A_1299 = arith.subi %sign3A_1295, %sign3A_1298 : i32
      %sign3A_1300 = arith.constant 0 : i32
      %sign3A_1301 = arith.cmpi sgt, %jit3A_1291, %sign3A_1300 : i32
      %sign3A_1302 = arith.extui %sign3A_1301 : i1 to i32
      %sign3A_1303 = arith.constant 0 : i32
      %sign3A_1304 = arith.cmpi slt, %jit3A_1291, %sign3A_1303 : i32
      %sign3A_1305 = arith.extui %sign3A_1304 : i1 to i32
      %sign3A_1306 = arith.subi %sign3A_1302, %sign3A_1305 : i32
      %ne3A_1307 = arith.cmpi ne, %sign3A_1299, %sign3A_1306 : i32
      %rem3A_1308 = arith.remsi %add3A_1278, %jit3A_1291 : i32
      %ne3A_1309 = arith.constant 0 : i32
      %ne3A_1310 = arith.cmpi ne, %rem3A_1308, %ne3A_1309 : i32
      %and3A_1311 = arith.andi %ne3A_1307, %ne3A_1310 : i1
      %sub3A_1312 = arith.constant 1 : i32
      %sub3A_1313 = arith.subi %div3A_1292, %sub3A_1312 : i32
      %select_n3A_1314 = arith.select %and3A_1311, %sub3A_1313, %div3A_1292 : i32
      %jit3A_1315 = arith.constant 2 : i32
      %eq3A_1316 = arith.constant 0 : i32
      %eq3A_1317 = arith.cmpi eq, %jit3A_1315, %eq3A_1316 : i32
      %jit3A_1318 = arith.constant 1 : i32
      %select_n3A_1319 = arith.select %eq3A_1317, %jit3A_1318, %jit3A_1315 : i32
      %rem3A_1320 = arith.remsi %add3A_1278, %select_n3A_1319 : i32
      %ne3A_1321 = arith.constant 0 : i32
      %ne3A_1322 = arith.cmpi ne, %rem3A_1320, %ne3A_1321 : i32
      %lt3A_1323 = arith.constant 0 : i32
      %lt3A_1324 = arith.cmpi slt, %rem3A_1320, %lt3A_1323 : i32
      %lt3A_1325 = arith.constant 0 : i32
      %lt3A_1326 = arith.cmpi slt, %select_n3A_1319, %lt3A_1325 : i32
      %ne3A_1327 = arith.xori %lt3A_1324, %lt3A_1326 : i1
      %and3A_1328 = arith.andi %ne3A_1327, %ne3A_1322 : i1
      %add3A_1329 = arith.addi %rem3A_1320, %select_n3A_1319 : i32
      %select_n3A_1330 = arith.select %and3A_1328, %add3A_1329, %rem3A_1320 : i32
      %mul3A_1331 = arith.constant 64 : i32
      %mul3A_1332 = arith.muli %select_n3A_1330, %mul3A_1331 : i32
      %dma_wait3A_1333 = arith.constant 9 : i32
      %dma_wait3A_1334 = arith.constant 0 : i32
      %dma_wait3A_1335 = arith.constant 0 : i32
      %dma_wait3A_1336 = tpu.memref_slice %arg6[%dma_wait3A_1333, %dma_wait3A_1334, %dma_wait3A_1335] : memref<10x64x128xf32, #tpu.memory_space<vmem>> -> memref<1x64x128xf32, #tpu.memory_space<vmem>>
      %dma_wait3A_1337 = tpu.memref_squeeze %dma_wait3A_1336 : memref<1x64x128xf32, #tpu.memory_space<vmem>> -> memref<64x128xf32, #tpu.memory_space<vmem>>
      %dma_wait3A_1338 = tpu.memref_slice %arg5[%select_n3A_1314, %mul3A_1332] : memref<50x128xi32, #tpu.memory_space<vmem>> -> memref<1x64xi32, #tpu.memory_space<vmem>>
      %dma_wait3A_1339 = tpu.memref_squeeze %dma_wait3A_1338 : memref<1x64xi32, #tpu.memory_space<vmem>> -> memref<64xi32, #tpu.memory_space<vmem>>
      %dma_wait3A_1340 = arith.constant 0 : i32
      %dma_wait3A_1341 = arith.constant 0 : i32
      %dma_wait3A_1342 = tpu.memref_slice %arg2[%dma_wait3A_1340, %dma_wait3A_1341] : memref<100000x128xf32, #tpu.memory_space<hbm>> -> memref<100000x128xf32, #tpu.memory_space<hbm>>
      tpu.wait_indirect_dma semaphore(%arg16 : memref<!tpu.dma_semaphore, #tpu.memory_space<semaphore_mem>>) src(%dma_wait3A_1342 : memref<100000x128xf32, #tpu.memory_space<hbm>>) dst(%dma_wait3A_1337 : memref<64x128xf32, #tpu.memory_space<vmem>>)
      %jit3A_1343 = arith.constant 2 : i32
      %div3A_1344 = arith.divsi %add3A_1278, %jit3A_1343 : i32
      %sign3A_1345 = arith.constant 0 : i32
      %sign3A_1346 = arith.cmpi sgt, %add3A_1278, %sign3A_1345 : i32
      %sign3A_1347 = arith.extui %sign3A_1346 : i1 to i32
      %sign3A_1348 = arith.constant 0 : i32
      %sign3A_1349 = arith.cmpi slt, %add3A_1278, %sign3A_1348 : i32
      %sign3A_1350 = arith.extui %sign3A_1349 : i1 to i32
      %sign3A_1351 = arith.subi %sign3A_1347, %sign3A_1350 : i32
      %sign3A_1352 = arith.constant 0 : i32
      %sign3A_1353 = arith.cmpi sgt, %jit3A_1343, %sign3A_1352 : i32
      %sign3A_1354 = arith.extui %sign3A_1353 : i1 to i32
      %sign3A_1355 = arith.constant 0 : i32
      %sign3A_1356 = arith.cmpi slt, %jit3A_1343, %sign3A_1355 : i32
      %sign3A_1357 = arith.extui %sign3A_1356 : i1 to i32
      %sign3A_1358 = arith.subi %sign3A_1354, %sign3A_1357 : i32
      %ne3A_1359 = arith.cmpi ne, %sign3A_1351, %sign3A_1358 : i32
      %rem3A_1360 = arith.remsi %add3A_1278, %jit3A_1343 : i32
      %ne3A_1361 = arith.constant 0 : i32
      %ne3A_1362 = arith.cmpi ne, %rem3A_1360, %ne3A_1361 : i32
      %and3A_1363 = arith.andi %ne3A_1359, %ne3A_1362 : i1
      %sub3A_1364 = arith.constant 1 : i32
      %sub3A_1365 = arith.subi %div3A_1344, %sub3A_1364 : i32
      %select_n3A_1366 = arith.select %and3A_1363, %sub3A_1365, %div3A_1344 : i32
      %mul3A_1367 = arith.constant 4096 : i32
      %mul3A_1368 = arith.muli %select_n3A_1366, %mul3A_1367 : i32
      %mul3A_1369 = arith.constant 128 : i32
      %mul3A_1370 = arith.muli %add3A, %mul3A_1369 : i32
      %add3A_1371 = arith.addi %mul3A_1368, %mul3A_1370 : i32
      %jit3A_1372 = arith.constant 2 : i32
      %eq3A_1373 = arith.constant 0 : i32
      %eq3A_1374 = arith.cmpi eq, %jit3A_1372, %eq3A_1373 : i32
      %jit3A_1375 = arith.constant 1 : i32
      %select_n3A_1376 = arith.select %eq3A_1374, %jit3A_1375, %jit3A_1372 : i32
      %rem3A_1377 = arith.remsi %add3A_1278, %select_n3A_1376 : i32
      %ne3A_1378 = arith.constant 0 : i32
      %ne3A_1379 = arith.cmpi ne, %rem3A_1377, %ne3A_1378 : i32
      %lt3A_1380 = arith.constant 0 : i32
      %lt3A_1381 = arith.cmpi slt, %rem3A_1377, %lt3A_1380 : i32
      %lt3A_1382 = arith.constant 0 : i32
      %lt3A_1383 = arith.cmpi slt, %select_n3A_1376, %lt3A_1382 : i32
      %ne3A_1384 = arith.xori %lt3A_1381, %lt3A_1383 : i1
      %and3A_1385 = arith.andi %ne3A_1384, %ne3A_1379 : i1
      %add3A_1386 = arith.addi %rem3A_1377, %select_n3A_1376 : i32
      %select_n3A_1387 = arith.select %and3A_1385, %add3A_1386, %rem3A_1377 : i32
      %mul3A_1388 = arith.constant 64 : i32
      %mul3A_1389 = arith.muli %select_n3A_1387, %mul3A_1388 : i32
      %add3A_1390 = arith.addi %add3A_1371, %mul3A_1389 : i32
      %multiple_of3A_1391 = tpu.assume_multiple %add3A_1390, 64 : i32
      %dma_start3A_1392 = arith.constant 9 : i32
      %dma_start3A_1393 = arith.constant 0 : i32
      %dma_start3A_1394 = arith.constant 0 : i32
      %dma_start3A_1395 = tpu.memref_slice %arg6[%dma_start3A_1392, %dma_start3A_1393, %dma_start3A_1394] : memref<10x64x128xf32, #tpu.memory_space<vmem>> -> memref<1x64x128xf32, #tpu.memory_space<vmem>>
      %dma_start3A_1396 = tpu.memref_squeeze %dma_start3A_1395 : memref<1x64x128xf32, #tpu.memory_space<vmem>> -> memref<64x128xf32, #tpu.memory_space<vmem>>
      %dma_start3A_1397 = arith.constant 0 : i32
      %dma_start3A_1398 = tpu.memref_slice %arg4[%multiple_of3A_1391, %dma_start3A_1397] : memref<204800x128xf32, #tpu.memory_space<hbm>> -> memref<64x128xf32, #tpu.memory_space<hbm>>
      %dma_start3A_1399 = arith.constant 0 : i32
      %dma_start3A_1400 = tpu.memref_slice %arg4[%multiple_of3A_1391, %dma_start3A_1399] : memref<204800x128xf32, #tpu.memory_space<hbm>> -> memref<64x128xf32, #tpu.memory_space<hbm>>
      %dma_start3A_1401 = arith.constant 0 : i32
      %dma_start3A_1402 = arith.constant 0 : i32
      %dma_start3A_1403 = tpu.memref_slice %arg6[%dma_start3A_1392, %dma_start3A_1401, %dma_start3A_1402] : memref<10x64x128xf32, #tpu.memory_space<vmem>> -> memref<1x64x128xf32, #tpu.memory_space<vmem>>
      %dma_start3A_1404 = tpu.memref_squeeze %dma_start3A_1403 : memref<1x64x128xf32, #tpu.memory_space<vmem>> -> memref<64x128xf32, #tpu.memory_space<vmem>>
      tpu.enqueue_dma source(%dma_start3A_1404 : memref<64x128xf32, #tpu.memory_space<vmem>>) target(%dma_start3A_1400 : memref<64x128xf32, #tpu.memory_space<hbm>>) target_semaphore(%arg26 : memref<!tpu.dma_semaphore, #tpu.memory_space<semaphore_mem>>)
    }
    %scan3A_101 = arith.constant 10 : i32
    %mul3A_102 = arith.constant 128 : i32
    %mul3A_103 = arith.muli %add3A, %mul3A_102 : i32
    %multiple_of3A_104 = tpu.assume_multiple %mul3A_103, 64 : i32
    %dma_wait3A = arith.constant 8 : i32
    %dma_wait3A_105 = arith.constant 0 : i32
    %dma_wait3A_106 = arith.constant 0 : i32
    %dma_wait3A_107 = tpu.memref_slice %arg6[%dma_wait3A, %dma_wait3A_105, %dma_wait3A_106] : memref<10x64x128xf32, #tpu.memory_space<vmem>> -> memref<1x64x128xf32, #tpu.memory_space<vmem>>
    %dma_wait3A_108 = tpu.memref_squeeze %dma_wait3A_107 : memref<1x64x128xf32, #tpu.memory_space<vmem>> -> memref<64x128xf32, #tpu.memory_space<vmem>>
    %dma_wait3A_109 = arith.constant 0 : i32
    %dma_wait3A_110 = tpu.memref_slice %arg4[%multiple_of3A_104, %dma_wait3A_109] : memref<204800x128xf32, #tpu.memory_space<hbm>> -> memref<64x128xf32, #tpu.memory_space<hbm>>
    %dma_wait3A_111 = arith.constant 0 : i32
    %dma_wait3A_112 = tpu.memref_slice %arg4[%multiple_of3A_104, %dma_wait3A_111] : memref<204800x128xf32, #tpu.memory_space<hbm>> -> memref<64x128xf32, #tpu.memory_space<hbm>>
    %dma_wait3A_113 = arith.constant 0 : i32
    %dma_wait3A_114 = arith.constant 0 : i32
    %dma_wait3A_115 = tpu.memref_slice %arg6[%dma_wait3A, %dma_wait3A_113, %dma_wait3A_114] : memref<10x64x128xf32, #tpu.memory_space<vmem>> -> memref<1x64x128xf32, #tpu.memory_space<vmem>>
    %dma_wait3A_116 = tpu.memref_squeeze %dma_wait3A_115 : memref<1x64x128xf32, #tpu.memory_space<vmem>> -> memref<64x128xf32, #tpu.memory_space<vmem>>
    tpu.wait_dma2 semaphore(%arg25 : memref<!tpu.dma_semaphore, #tpu.memory_space<semaphore_mem>>) src(%dma_wait3A_116 : memref<64x128xf32, #tpu.memory_space<vmem>>) dst(%dma_wait3A_112 : memref<64x128xf32, #tpu.memory_space<hbm>>)
    %mul3A_117 = arith.constant 128 : i32
    %mul3A_118 = arith.muli %add3A, %mul3A_117 : i32
    %multiple_of3A_119 = tpu.assume_multiple %mul3A_118, 64 : i32
    %dma_wait3A_120 = arith.constant 9 : i32
    %dma_wait3A_121 = arith.constant 0 : i32
    %dma_wait3A_122 = arith.constant 0 : i32
    %dma_wait3A_123 = tpu.memref_slice %arg6[%dma_wait3A_120, %dma_wait3A_121, %dma_wait3A_122] : memref<10x64x128xf32, #tpu.memory_space<vmem>> -> memref<1x64x128xf32, #tpu.memory_space<vmem>>
    %dma_wait3A_124 = tpu.memref_squeeze %dma_wait3A_123 : memref<1x64x128xf32, #tpu.memory_space<vmem>> -> memref<64x128xf32, #tpu.memory_space<vmem>>
    %dma_wait3A_125 = arith.constant 0 : i32
    %dma_wait3A_126 = tpu.memref_slice %arg4[%multiple_of3A_119, %dma_wait3A_125] : memref<204800x128xf32, #tpu.memory_space<hbm>> -> memref<64x128xf32, #tpu.memory_space<hbm>>
    %dma_wait3A_127 = arith.constant 0 : i32
    %dma_wait3A_128 = tpu.memref_slice %arg4[%multiple_of3A_119, %dma_wait3A_127] : memref<204800x128xf32, #tpu.memory_space<hbm>> -> memref<64x128xf32, #tpu.memory_space<hbm>>
    %dma_wait3A_129 = arith.constant 0 : i32
    %dma_wait3A_130 = arith.constant 0 : i32
    %dma_wait3A_131 = tpu.memref_slice %arg6[%dma_wait3A_120, %dma_wait3A_129, %dma_wait3A_130] : memref<10x64x128xf32, #tpu.memory_space<vmem>> -> memref<1x64x128xf32, #tpu.memory_space<vmem>>
    %dma_wait3A_132 = tpu.memref_squeeze %dma_wait3A_131 : memref<1x64x128xf32, #tpu.memory_space<vmem>> -> memref<64x128xf32, #tpu.memory_space<vmem>>
    tpu.wait_dma2 semaphore(%arg26 : memref<!tpu.dma_semaphore, #tpu.memory_space<semaphore_mem>>) src(%dma_wait3A_132 : memref<64x128xf32, #tpu.memory_space<vmem>>) dst(%dma_wait3A_128 : memref<64x128xf32, #tpu.memory_space<hbm>>)
    return
  }
}

</mosaic_0001>

<sc_bundles>
// kernel: kernel.3.cloned.1.call-start
scs
__scs_entry_jumppad:
0x0: {  	(pc) =	sbr.rel $0x88, $3  }
0x1: {  	(tag) =	ssettag $0x0;
	lr =	simm.s32 $0x1  }
0x2: {  	[smem:$0x3F9F] =	sst lr;
	_ =	strace $0xD0000000  }
0x3: {  	_ = 	snop  }
0x4: {  	_ = 	snop  }
0x5: {  	_ = 	snop  }
0x6: {  	_ = 	snop  }
0x7: {  	_ = 	snop  }
__scs_overlays_trampoline_lowered:
0x8: {  	[smem:$0x3FAE] =	sst s0  }
0x9: {  	[smem:$0x3FAF] =	sst s1  }
0xa: {  	[smem:$0x3FB0] =	sst s2  }
0xb: {  	[smem:$0x3FB1] =	sst s3  }
0xc: {  	[smem:$0x3FB2] =	sst s4  }
0xd: {  	[smem:$0x3FB3] =	sst s5  }
0xe: {  	[smem:$0x3FB4] =	sst s6  }
0xf: {  	[smem:$0x3FB5] =	sst s7  }
0x10: {  	[smem:$0x3FB6] =	sst s8  }
0x11: {  	[smem:$0x3FB7] =	sst s9;
	s0 =	simm.s32 @!p0 $0x0  }
0x12: {  	s1 =	sld [smem:$0x3F9D];
	s0 =	simm.s32 @p0 $0x1  }
0x13: {  	[smem:$0x3FB8] =	sst s0;
	s0 =	simm.s32 @!p1 $0x0  }
0x14: {  	s2 =	sld [smem:$0x3F9C];
	s0 =	simm.s32 @p1 $0x1  }
0x15: {  	[smem:$0x3FB9] =	sst s0;
	s0 =	simm.s32 @!p2 $0x0  }
0x16: {  	s3 =	sld [smem:$0x3FDB];
	s0 =	simm.s32 @p2 $0x1  }
0x17: {  	s4 =	simm.s32 $0x1BF5;
	[smem:$0x3FBB] =	sst s0  }
0x18: {  	s0 =	sld [smem:$0x3F9E];
	_ =	swait.ge [sflag:s4], $0x0  }
0x19: {  	s7 =	sld [smem:$0x3F9F]  }
0x1a: {  	s8 =	sadd.s32 $0xFFFFE003, lr  }
0x1b: {  	s9 =	sadd.s32 $0xFFFFFEF7, lr;
	s5 =	simm.s32 $0xFFFFFFFF;
	p2 =	slt.u32 s8, $0xFFFFF086  }
0x1c: {  	p1 =	slt.u32 s9, $0xF7A;
	s5 =	simm.s32 @!p2 $0x0  }
0x1d: {  	s5 =	simm.s32 @p1 $0x1;
	p0 =	seq.s32 s7, s2  }
0x1e: {  	s7 =	smul.u32 @!p0 $0xF7A, s2;
	p2 =	seq.s32 @!p0 s5, $0x0  }
0x1f: {  	s9 =	smul.u32 $0xF7A, s1;
	s8 =	simm.s32 @!p0 $0x1BF5;
	p2 =	por !p2, p0  }
0x20: {  	[sflag:s8] =	ssyncset.s32 @!p0 $0xFFFFF086;
	s6 =	sadd.s32 @!p0 s3, s7;
	s7 =	simm.s32 @!p0 $0x108  }
0x21: {  	s3 =	sadd.s32 s3, s9;
	s6 =	sadd.s32 @!p0 $0x88, s6;
	s7 =	simm.s32 @p2 $0x1082  }
0x22: {  	[simem:s7], [sflag:s8] =	dma.local @!p0 [hbm:s6], $0xF7A  }
0x23: {  	s9 =	sor.u32 $0xD0000000, s2;
	s6 =	simm.s32 $0x108;
	_ =	swait.ge @!p0 [sflag:s8], $0x0  }
0x24: {  	s3 =	sadd.s32 $0x88, s3;
	s6 =	simm.s32 @!p1 $0x1082;
	[sflag:s4] =	ssyncset.s32 $0xFFFFF086  }
0x25: {  	[simem:s6], [sflag:s4] =	dma.local [hbm:s3], $0xF7A  }
0x26: {  	[smem:$0x3F9F] =	sst s1;
	(tag) =	ssettag s2;
	_ =	strace s9  }
0x27: {  	s1 =	sld [smem:$0x3FAF]  }
0x28: {  	s2 =	sld [smem:$0x3FB0]  }
0x29: {  	s4 =	sld [smem:$0x3FB2]  }
0x2a: {  	p0 =	seq.s32 s5, $0x0;
	s5 =	sld [smem:$0x3FB3]  }
0x2b: {  	s6 =	sld [smem:$0x3FB4]  }
0x2c: {  	s7 =	sld [smem:$0x3FB5]  }
0x2d: {  	s3 =	simm.s32 $0x108;
	s8 =	sld [smem:$0x3FB6]  }
0x2e: {  	s3 =	simm.s32 @!p0 $0x1082;
	s9 =	sld [smem:$0x3FB7]  }
0x2f: {  	lr =	sadd.s32 s0, s3;
	s0 =	sld [smem:$0x3FAE]  }
0x30: {  	s3 =	sld [smem:$0x3FB1]  }
0x31: {  	[smem:$0x3FBA] =	sst s10  }
0x32: {  	s10 =	sld [smem:$0x3FB8];
	_ =	sdelay $0x3  }
0x33: {  	p0 =	seq.s32 s10, $0x1;
	s10 =	sld [smem:$0x3FBA];
	_ =	sdelay $0x3  }
0x34: {  	[smem:$0x3FBA] =	sst s10  }
0x35: {  	s10 =	sld [smem:$0x3FB9];
	_ =	sdelay $0x3  }
0x36: {  	p1 =	seq.s32 s10, $0x1;
	s10 =	sld [smem:$0x3FBA];
	_ =	sdelay $0x3  }
0x37: {  	[smem:$0x3FBA] =	sst s10  }
0x38: {  	s10 =	sld [smem:$0x3FBB]  }
0x39: {  	_ = 	snop;
	(pc) =	sbr.ind lr, $3  }
0x3a: {  	_ = 	snop  }
0x3b: {  	_ = 	snop  }
0x3c: {  	p2 =	seq.s32 s10, $0x1;
	s10 =	sld [smem:$0x3FBA]  }
0x3d: {  	_ =	shalt  }
0x3e: {  	_ =	shalt  }
0x3f: {  	_ =	shalt  }
0x40: {  	_ =	shalt  }
0x41: {  	_ =	shalt  }
0x42: {  	_ =	shalt  }
0x43: {  	_ =	shalt  }
0x44: {  	_ =	shalt  }
0x45: {  	_ =	shalt  }
0x46: {  	_ =	shalt  }
0x47: {  	_ =	shalt  }
0x48: {  	_ =	shalt  }
0x49: {  	_ =	shalt  }
0x4a: {  	_ =	shalt  }
0x4b: {  	_ =	shalt  }
0x4c: {  	_ =	shalt  }
0x4d: {  	_ =	shalt  }
0x4e: {  	_ =	shalt  }
0x4f: {  	_ =	shalt  }
0x50: {  	_ =	shalt  }
0x51: {  	_ =	shalt  }
0x52: {  	_ =	shalt  }
0x53: {  	_ =	shalt  }
0x54: {  	_ =	shalt  }
0x55: {  	_ =	shalt  }
0x56: {  	_ =	shalt  }
0x57: {  	_ =	shalt  }
0x58: {  	_ =	shalt  }
0x59: {  	_ =	shalt  }
0x5a: {  	_ =	shalt  }
0x5b: {  	_ =	shalt  }
0x5c: {  	_ =	shalt  }
0x5d: {  	_ =	shalt  }
0x5e: {  	_ =	shalt  }
0x5f: {  	_ =	shalt  }
0x60: {  	_ =	shalt  }
0x61: {  	_ =	shalt  }
0x62: {  	_ =	shalt  }
0x63: {  	_ =	shalt  }
0x64: {  	_ =	shalt  }
0x65: {  	_ =	shalt  }
0x66: {  	_ =	shalt  }
0x67: {  	_ =	shalt  }
0x68: {  	_ =	shalt  }
0x69: {  	_ =	shalt  }
0x6a: {  	_ =	shalt  }
0x6b: {  	_ =	shalt  }
0x6c: {  	_ =	shalt  }
0x6d: {  	_ =	shalt  }
0x6e: {  	_ =	shalt  }
0x6f: {  	_ =	shalt  }
0x70: {  	_ =	shalt  }
0x71: {  	_ =	shalt  }
0x72: {  	_ =	shalt  }
0x73: {  	_ =	shalt  }
0x74: {  	_ =	shalt  }
0x75: {  	_ =	shalt  }
0x76: {  	_ =	shalt  }
0x77: {  	_ =	shalt  }
0x78: {  	_ =	shalt  }
0x79: {  	_ =	shalt  }
0x7a: {  	_ =	shalt  }
0x7b: {  	_ =	shalt  }
0x7c: {  	_ =	shalt  }
0x7d: {  	_ =	shalt  }
0x7e: {  	_ =	shalt  }
0x7f: {  	_ =	shalt  }
0x80: {  	_ =	shalt  }
0x81: {  	_ =	shalt  }
0x82: {  	_ =	shalt  }
0x83: {  	_ =	shalt  }
0x84: {  	_ =	shalt  }
0x85: {  	_ =	shalt  }
0x86: {  	_ =	shalt  }
0x87: {  	_ =	shalt  }
.Lfunc_end0:
.L_simem_size_0:
called_computation_lowered:
.L_overlay_start_0:
0x88: {  	s2 =	sld [smem:$0x3FD9]  }
0x89: {  	s3 =	sld [smem:$0x3FFE];
	_ =	sdelay $0x1  }
0x8a: {  	s1 =	srdreg.scid  }
0x8b: {  	s0 =	sand.u32 $0x1, s1  }
0x8c: {  	s18 =	sshll.u32 s0, $0xA;
	s2 =	sadd.s32 s3, s2  }
0x8d: {  	s2 =	sadd.s32 s2, s18  }
0x8e: {  	[smem:$0x3FC6] =	sst s2  }
0x8f: {  	_ = 	snop  }
0x90: {  	s2 =	sld [smem:$0x3FC9]  }
0x91: {  	s19 =	sld [smem:$0x3FC8]  }
0x92: {  	s4 =	sld [smem:$0x3FD0];
	(tm) =	ssettm $0x1  }
0x93: {  	s5 =	sld [smem:$0x3FFB];
	_ =	sdelay $0x3  }
0x94: {  	_ =	strace s5  }
0x95: {  	s5 =	sld [smem:$0x3FFC];
	_ =	sdelay $0x3  }
0x96: {  	_ =	strace s5  }
0x97: {  	s5 =	sld [smem:$0x3FFD];
	_ =	sdelay $0x3  }
0x98: {  	_ =	strace s5  }
0x99: {  	_ =	strace $0x8FFFFFFF  }
0x9a: {  	s20 =	sld [smem:$0x3FDB];
	_ =	sdelay $0x1  }
0x9b: {  	s6 =	simm.s32 $_scs_section_size  }
0x9c: {  	s7 =	simm.s32 $_size__tile_overlayer_lowered;
	s8 =	simm.s32 $_tile_overlayer_lowered  }
0x9d: {  	s23 =	simm.s32 $0x1BFF;
	s22 =	sshll.u32 s8, $0x1;
	s5 =	sadd.s32 s6, s20  }
0x9e: {  	s9 =	simm.s32 $0x0;
	s21 =	sshll.u32 s7, $0x1;
	s7 =	sadd.s32 s22, s5  }
0x9f: {  	[timem:s9], [sflag:s23] =	dma.local [hbm:s7], s21  }
0xa0: {  	_ =	swait.ge [sflag:s23], s21  }
0xa1: {  	s6 =	ssub.s32 $0x0, s21;
	[sflag:s23] =	ssyncset.done $0x0  }
0xa2: {  	[sflag:s23] =	ssyncadd.s32 s6;
	_ =	sdelay $0x1  }
0xa3: {  	s24 =	simm.s32 $0x1B8B  }
0xa4: {  	_ =	swait.ge [sflag:s24], $0x1  }
0xa5: {  	[sflag:s24] =	ssyncset.done $0x0  }
0xa6: {  	s25 =	simm.s32 $0x1B8E;
	[sflag:s24] =	ssyncadd.s32 $0xFFFFFFFF  }
0xa7: {  	s26 =	simm.s32 $execute0_lowered;
	[smem:$0x3FD2] =	sst s25  }
0xa8: {  	s6 =	sshll.u32 s26, $0x1;
	_ =	strace $0x80000046;
	[dreg:$0x1] =	wrdreg $0xFFFFFFFF  }
0xa9: {  	s28 =	simm.s32 $_size_execute0_lowered;
	s5 =	sadd.s32 s5, s6;
	[dreg:$0x0] =	wrdreg $0x0  }
0xaa: {  	s6 =	sshll.u32 s28, $0x1;
	[dreg:$0x2] =	wrdreg s5  }
0xab: {  	[dreg:$0x3] =	wrdreg s6  }
0xac: {  	[dreg:$0x4] =	wrdreg $0xC0  }
0xad: {  	_ =	task [dreg:s9], $0x5FFFF  }
0xae: {  	[dreg:$0x1] =	wrdreg $0xFFFFFFFF  }
0xaf: {  	[dreg:$0x0] =	wrdreg $0x60  }
0xb0: {  	[dreg:$0x2] =	wrdreg s19  }
0xb1: {  	[dreg:$0x3] =	wrdreg s2  }
0xb2: {  	[dreg:$0x4] =	wrdreg s4  }
0xb3: {  	[dreg:$0x5] =	wrdreg $0x9  }
0xb4: {  	_ =	task.clear_ibuf [dreg:s9], $0x6FFFF;
	_ =	strace $0x90000046  }
0xb5: {  	s29 =	simm.s32 $0x9;
	_ =	strace $0x80000048  }
0xb6: {  	_ =	swait.ge [sflag:s29], $0x1  }
0xb7: {  	[sflag:s29] =	ssyncadd.s32 $0xFFFFFFFF  }
0xb8: {  	_ =	strace $0x90000048  }
0xb9: {  	_ =	sfence  }
0xba: {  	s30 =	sld [smem:$0x0];
	_ =	sdelay $0x2  }
0xbb: {  	s31 =	sshll.u32 s1, $0xD;
	s1 =	sshrl.u32 s1, $0x2  }
0xbc: {  	s3 =	sand.u32 $0x4000, s31;
	s1 =	sadd.s32 s1, s30  }
0xbd: {  	s0 =	sor.u32 s3, s0;
	s1 =	sshll.u32 s1, $0x11  }
0xbe: {  	s0 =	sor.u32 s1, s0  }
0xbf: {  	s0 =	sadd.s32 $0x8F2B, s0  }
0xc0: {  	[sflag:s0] =	ssyncadd.remote.s32 $0x1  }
0xc1: {  	_ =	sfence.sel $0xFFFF  }
0xc2: {  	[dreg:$0x0] =	wrdreg $0xFFFFFFFF;
	(pc) =	sbr.abs _section_cstart, $3  }
0xc3: {  	[dreg:$0x1] =	wrdreg $0xFFFFFFFF  }
0xc4: {  	_ =	task.clear_ibuf [dreg:s9], $0x2FFFF;
	_ =	strace $0x9FFFFFFF  }
0xc5: {  	(tm) =	ssettm $0x7FFFFFFF  }
tec
execute0_lowered:
.L_overlay_start_1:
0x0: {  	(tag) =	ssettag $0x1  }
0x1: {  	s1 =	rddreg [dreg:$0x0]  }
0x2: {  	s0 =	rddreg [dreg:$0x1]  }
0x3: {  	s2 =	srdreg.scid;
	s4 =	simm.s32 $0x0;
	s9 =	stileid.u32  }
0x4: {  	s31 =	simm.s32 $0x13C00;
	s10 =	simm.s32 $0xD;
	s15 =	simm.s32 $0x5  }
0x5: {  	s17 =	simm.s32 $0xE;
	s11 =	simm.s32 $0x12;
	s13 =	simm.s32 $0x0  }
0x6: {  	s2 =	sand.u32 $0x1, s2;
	[smem:$0x7FF] =	sst s4;
	s19 =	sshll.u32 s9, $0x8  }
0x7: {  	s7 =	sshll.u32 s9, $0xF;
	s9 =	sshll.u32 s9, $0xC;
	s3 =	ssub.s32 $0x2, s2  }
0x8: {  	_ =	strace $0x80000047;
	s6 =	sshll.u32 s2, $0x7;
	s8 =	sshll.u32 s2, $0xE  }
0x9: {  	s2 =	sshll.u32 s2, $0xB;
	s5 =	sshrl.u32 s3, $0x1;
	s7 =	sor.u32 s8, s7  }
0xa: {  	s2 =	sor.u32 s2, s9;
	s9 =	simm.s32 $0x4;
	s3 =	ssub.s32 s3, s5  }
0xb: {  	s5 =	sor.u32 s6, s19;
	s20 =	sor.u32 $0x180000, s7;
	[dreg:$0x4] =	wrdreg s2  }
0xc: {  	s22 =	sor.u32 $0x100000, s7;
	s8 =	sor.u32 $0x80000, s7;
	s26 =	sshrl.u32 s7, $0x3  }
0xd: {  	s19 =	simm.s32 $0x6;
	s7 =	simm.s32 $0x11;
	s5 =	sadd.s32 s0, s5  }
0xe: {  	s21 =	sshrl.u32 s20, $0x3;
	s30 =	smax.u32 s3, $0x1;
	[dreg:$0x9] =	wrdreg s5  }
0xf: {  	s6 =	sshrl.u32 s22, $0x3;
	s28 =	sor.u32 $0x400, s26;
	[dreg:$0xb] =	wrdreg s30  }
0x10: {  	s24 =	sshrl.u32 s8, $0x3;
	s2 =	sor.u32 $0x400, s21;
	[dreg:$0x8] =	wrdreg s28  }
0x11: {  	s3 =	simm.s32 $0x3;
	s23 =	sor.u32 $0x400, s6;
	[dreg:$0x5] =	wrdreg s2  }
0x12: {  	s8 =	simm.s32 $0xC;
	s25 =	sor.u32 $0x400, s24;
	[dreg:$0x6] =	wrdreg s23  }
0x13: {  	s29 =	sadd.s32 $0x6000, s5;
	s21 =	simm.s32 $0xF;
	[dreg:$0x7] =	wrdreg s25  }
0x14: {  	s6 =	simm.s32 $0x8;
	s5 =	simm.s32 $0x9;
	[dreg:$0xa] =	wrdreg s29  }
0x15: {  	s23 =	simm.s32 $0x7;
	s25 =	simm.s32 $0x10;
	s2 =	simm.s32 $0xA  }
.LBB2_1:
0x16: {  	[dreg:$0xc] =	wrdreg s13  }
0x17: {  	s12 =	rddreg [dreg:$0x9];
	s18 =	simm.s32 $0x400;
	s14 =	simm.s32 $0x8000  }
0x18: {  	[tilespmem:s4], [sflag:$0x15] =	stream.strided.gather [hbm4b:s12+s18], $0x1800, s14, s18, $0x38;
	[tilespmem:$0x15C00] =	vst v63  }
0x19: {  	s20 =	rddreg [dreg:$0xa];
	s22 =	simm.s32 $0x1800;
	s24 =	simm.s32 $0x15  }
0x1a: {  	[tilespmem:s22], [sflag:$0x15] =	stream.linear.gather [hbm4b:s20+s4], $0x100, $0x38;
	[tilespmem:$0x15C00] =	vst v63  }
0x1b: {  	_ =	swait.ge [sflag:s24], $0x1900  }
0x1c: {  	[sflag:s24] =	ssyncset.done $0x0  }
0x1d: {  	s13 =	simm.s32 $0x40;
	s14 =	simm.s32 $0x1C00;
	[sflag:s24] =	ssyncadd.s32 $0xFFFFE700  }
0x1e: {  	[tilespmem:s14], [sflag:$0x1] =	stream.indirect.gather [hbm4b:s1+s13], $0x80, s4, s13, $0xb8;
	[tilespmem:$0x15C00] =	vst v63  }
0x1f: {  	s16 =	simm.s32 $0x3C00  }
0x20: {  	[tilespmem:s16], [sflag:$0x2] =	stream.indirect.gather [hbm4b:s1+s13], $0x80, s13, s13, $0xb8;
	[tilespmem:$0x15C00] =	vst v63  }
0x21: {  	s26 =	simm.s32 $0x80;
	s22 =	simm.s32 $0x5C00  }
0x22: {  	[tilespmem:s22], [sflag:$0x3] =	stream.indirect.gather [hbm4b:s1+s13], $0x80, s26, s13, $0xb8;
	[tilespmem:$0x15C00] =	vst v63  }
0x23: {  	s28 =	simm.s32 $0xC0;
	s24 =	simm.s32 $0x7C00  }
0x24: {  	[tilespmem:s24], [sflag:$0x4] =	stream.indirect.gather [hbm4b:s1+s13], $0x80, s28, s13, $0xb8;
	[tilespmem:$0x15C00] =	vst v63  }
0x25: {  	s29 =	simm.s32 $0x100;
	s26 =	simm.s32 $0x9C00  }
0x26: {  	[tilespmem:s26], [sflag:$0x5] =	stream.indirect.gather [hbm4b:s1+s13], $0x80, s29, s13, $0xb8;
	[tilespmem:$0x15C00] =	vst v63  }
0x27: {  	s30 =	simm.s32 $0x140;
	s28 =	simm.s32 $0xBC00  }
0x28: {  	[tilespmem:s28], [sflag:$0x6] =	stream.indirect.gather [hbm4b:s1+s13], $0x80, s30, s13, $0xb8;
	[tilespmem:$0x15C00] =	vst v63  }
0x29: {  	s0 =	simm.s32 $0x180;
	p0 =	por $0x1, $0x1;
	s29 =	simm.s32 $0xDC00  }
0x2a: {  	[tilespmem:s29], [sflag:$0x7] =	stream.indirect.gather [hbm4b:s1+s13], $0x80, s0, s13, $0xb8;
	[tilespmem:$0x15C00] =	vst v63  }
0x2b: {  	s18 =	simm.s32 $0x1C0;
	s12 =	simm.s32 @!p0 $0x13;
	s30 =	simm.s32 $0xFC00  }
0x2c: {  	[tilespmem:s30], [sflag:$0x8] =	stream.indirect.gather [hbm4b:s1+s13], $0x80, s18, s13, $0xb8;
	[tilespmem:$0x15C00] =	vst v63  }
0x2d: {  	_ =	swait.ge @!p0 [sflag:s12], $0x2000  }
0x2e: {  	s20 =	simm.s32 $0x200;
	[sflag:s12] =	ssyncset.done @!p0 $0x0  }
0x2f: {  	s0 =	simm.s32 $0x11C00;
	s18 =	simm.s32 $0x1;
	[sflag:s12] =	ssyncadd.s32 @!p0 $0xFFFFE000  }
0x30: {  	[tilespmem:s0], [sflag:$0x9] =	stream.indirect.gather [hbm4b:s1+s13], $0x80, s20, s13, $0xb8;
	[tilespmem:$0x15C00] =	vst v63  }
0x31: {  	_ =	swait.ge [sflag:s18], $0x2000  }
0x32: {  	[sflag:s18] =	ssyncset.done $0x0  }
0x33: {  	s12 =	rddreg [dreg:$0x4];
	[sflag:s18] =	ssyncadd.s32 $0xFFFFE000  }
0x34: {  	s20 =	rddreg [dreg:$0x2]  }
0x35: {  	s18 =	sadd.s32 s20, s12;
	s12 =	simm.s32 @!p0 $0x14  }
0x36: {  	[hbm4b:s18+s4] =	stream.linear.scatter [tilespmem:s14], [sflag:$0xB], $0x2000, $0x38;
	[tilespmem:$0x15C00] =	vst v63  }
0x37: {  	_ =	swait.ge @!p0 [sflag:s12], $0x2000  }
0x38: {  	[sflag:s12] =	ssyncset.done @!p0 $0x0  }
0x39: {  	s14 =	simm.s32 $0x240;
	[sflag:s12] =	ssyncadd.s32 @!p0 $0xFFFFE000  }
0x3a: {  	[tilespmem:s31], [sflag:$0xA] =	stream.indirect.gather [hbm4b:s1+s13], $0x80, s14, s13, $0xb8;
	[tilespmem:$0x15C00] =	vst v63  }
0x3b: {  	s14 =	simm.s32 $0x2  }
0x3c: {  	_ =	swait.ge [sflag:s14], $0x2000  }
0x3d: {  	s31 =	rddreg [dreg:$0x8];
	[sflag:s14] =	ssyncset.done $0x0  }
0x3e: {  	[sflag:s14] =	ssyncadd.s32 $0xFFFFE000;
	s12 =	sadd.s32 s20, s31;
	s14 =	simm.s32 $0xB  }
0x3f: {  	[hbm4b:s12+s4] =	stream.linear.scatter [tilespmem:s16], [sflag:$0xC], $0x2000, $0x38;
	[tilespmem:$0x15C00] =	vst v63  }
0x40: {  	p0 =	por $0x0, $0x0;
	_ =	swait.ge [sflag:s14], $0x2000  }
0x41: {  	s13 =	simm.s32 @!p0 $0x1C00;
	[sflag:s14] =	ssyncset.done $0x0  }
0x42: {  	s12 =	simm.s32 @!p0 $0x40;
	[sflag:s14] =	ssyncadd.s32 $0xFFFFE000;
	s14 =	simm.s32 @!p0 $0x280  }
0x43: {  	[tilespmem:s13], [sflag:$0x1] =	stream.indirect.gather @!p0 [hbm4b:s1+s12], $0x80, s14, s12, $0xb8;
	[tilespmem:$0x15C00] =	vst v63  }
0x44: {  	_ =	swait.ge [sflag:s3], $0x2000  }
0x45: {  	[sflag:s3] =	ssyncset.done $0x0  }
0x46: {  	s16 =	sadd.s32 $0x10000, s18;
	[sflag:s3] =	ssyncadd.s32 $0xFFFFE000  }
0x47: {  	[hbm4b:s16+s4] =	stream.linear.scatter [tilespmem:s22], [sflag:$0xD], $0x2000, $0x38;
	[tilespmem:$0x15C00] =	vst v63  }
0x48: {  	_ =	swait.ge [sflag:s8], $0x2000  }
0x49: {  	[sflag:s8] =	ssyncset.done $0x0  }
0x4a: {  	s13 =	simm.s32 @!p0 $0x2C0;
	s14 =	simm.s32 @!p0 $0x3C00;
	[sflag:s8] =	ssyncadd.s32 $0xFFFFE000  }
0x4b: {  	[tilespmem:s14], [sflag:$0x2] =	stream.indirect.gather @!p0 [hbm4b:s1+s12], $0x80, s13, s12, $0xb8;
	[tilespmem:$0x15C00] =	vst v63  }
0x4c: {  	_ =	swait.ge [sflag:s9], $0x2000  }
0x4d: {  	s22 =	rddreg [dreg:$0x7];
	[sflag:s9] =	ssyncset.done $0x0  }
0x4e: {  	[sflag:s9] =	ssyncadd.s32 $0xFFFFE000;
	s13 =	sadd.s32 s20, s22  }
0x4f: {  	[hbm4b:s13+s4] =	stream.linear.scatter [tilespmem:s24], [sflag:$0xE], $0x2000, $0x38;
	[tilespmem:$0x15C00] =	vst v63  }
0x50: {  	_ =	swait.ge [sflag:s10], $0x2000  }
0x51: {  	[sflag:s10] =	ssyncset.done $0x0  }
0x52: {  	s14 =	simm.s32 @!p0 $0x5C00;
	s13 =	simm.s32 @!p0 $0x300;
	[sflag:s10] =	ssyncadd.s32 $0xFFFFE000  }
0x53: {  	[tilespmem:s14], [sflag:$0x3] =	stream.indirect.gather @!p0 [hbm4b:s1+s12], $0x80, s13, s12, $0xb8;
	[tilespmem:$0x15C00] =	vst v63  }
0x54: {  	_ =	swait.ge [sflag:s15], $0x2000  }
0x55: {  	[sflag:s15] =	ssyncset.done $0x0  }
0x56: {  	s24 =	sadd.s32 $0x20000, s18;
	[sflag:s15] =	ssyncadd.s32 $0xFFFFE000  }
0x57: {  	[hbm4b:s24+s4] =	stream.linear.scatter [tilespmem:s26], [sflag:$0xF], $0x2000, $0x38;
	[tilespmem:$0x15C00] =	vst v63  }
0x58: {  	_ =	swait.ge [sflag:s17], $0x2000  }
0x59: {  	[sflag:s17] =	ssyncset.done $0x0  }
0x5a: {  	s13 =	simm.s32 @!p0 $0x340;
	s14 =	simm.s32 @!p0 $0x7C00;
	[sflag:s17] =	ssyncadd.s32 $0xFFFFE000  }
0x5b: {  	[tilespmem:s14], [sflag:$0x4] =	stream.indirect.gather @!p0 [hbm4b:s1+s12], $0x80, s13, s12, $0xb8;
	[tilespmem:$0x15C00] =	vst v63  }
0x5c: {  	_ =	swait.ge [sflag:s19], $0x2000  }
0x5d: {  	s26 =	rddreg [dreg:$0x6];
	[sflag:s19] =	ssyncset.done $0x0  }
0x5e: {  	[sflag:s19] =	ssyncadd.s32 $0xFFFFE000;
	s13 =	sadd.s32 s20, s26  }
0x5f: {  	[hbm4b:s13+s4] =	stream.linear.scatter [tilespmem:s28], [sflag:$0x10], $0x2000, $0x38;
	[tilespmem:$0x15C00] =	vst v63  }
0x60: {  	_ =	swait.ge [sflag:s21], $0x2000  }
0x61: {  	[sflag:s21] =	ssyncset.done $0x0  }
0x62: {  	s14 =	simm.s32 @!p0 $0x9C00;
	s13 =	simm.s32 @!p0 $0x380;
	[sflag:s21] =	ssyncadd.s32 $0xFFFFE000  }
0x63: {  	[tilespmem:s14], [sflag:$0x5] =	stream.indirect.gather @!p0 [hbm4b:s1+s12], $0x80, s13, s12, $0xb8;
	[tilespmem:$0x15C00] =	vst v63  }
0x64: {  	_ =	swait.ge [sflag:s23], $0x2000  }
0x65: {  	[sflag:s23] =	ssyncset.done $0x0  }
0x66: {  	s28 =	sadd.s32 $0x30000, s18;
	[sflag:s23] =	ssyncadd.s32 $0xFFFFE000  }
0x67: {  	[hbm4b:s28+s4] =	stream.linear.scatter [tilespmem:s29], [sflag:$0x11], $0x2000, $0x38;
	[tilespmem:$0x15C00] =	vst v63  }
0x68: {  	_ =	swait.ge [sflag:s25], $0x2000  }
0x69: {  	[sflag:s25] =	ssyncset.done $0x0  }
0x6a: {  	s13 =	simm.s32 @!p0 $0x3C0;
	s14 =	simm.s32 @!p0 $0xBC00;
	[sflag:s25] =	ssyncadd.s32 $0xFFFFE000  }
0x6b: {  	[tilespmem:s14], [sflag:$0x6] =	stream.indirect.gather @!p0 [hbm4b:s1+s12], $0x80, s13, s12, $0xb8;
	[tilespmem:$0x15C00] =	vst v63  }
0x6c: {  	_ =	swait.ge [sflag:s6], $0x2000  }
0x6d: {  	s29 =	rddreg [dreg:$0x5];
	[sflag:s6] =	ssyncset.done $0x0  }
0x6e: {  	[sflag:s6] =	ssyncadd.s32 $0xFFFFE000;
	s13 =	sadd.s32 s20, s29  }
0x6f: {  	[hbm4b:s13+s4] =	stream.linear.scatter [tilespmem:s30], [sflag:$0x12], $0x2000, $0x38;
	[tilespmem:$0x15C00] =	vst v63  }
0x70: {  	_ =	swait.ge [sflag:s7], $0x2000  }
0x71: {  	[sflag:s7] =	ssyncset.done $0x0  }
0x72: {  	s14 =	simm.s32 @!p0 $0xDC00;
	s13 =	simm.s32 @!p0 $0x400;
	[sflag:s7] =	ssyncadd.s32 $0xFFFFE000  }
0x73: {  	[tilespmem:s14], [sflag:$0x7] =	stream.indirect.gather @!p0 [hbm4b:s1+s12], $0x80, s13, s12, $0xb8;
	[tilespmem:$0x15C00] =	vst v63  }
0x74: {  	_ =	swait.ge [sflag:s5], $0x2000  }
0x75: {  	[sflag:s5] =	ssyncset.done $0x0  }
0x76: {  	s31 =	sadd.s32 $0x40000, s18;
	[sflag:s5] =	ssyncadd.s32 $0xFFFFE000  }
0x77: {  	[hbm4b:s31+s4] =	stream.linear.scatter [tilespmem:s0], [sflag:$0x13], $0x2000, $0x38;
	[tilespmem:$0x15C00] =	vst v63  }
0x78: {  	_ =	swait.ge [sflag:s11], $0x2000  }
0x79: {  	p1 =	por $0x0, $0x0;
	[sflag:s11] =	ssyncset.done $0x0  }
0x7a: {  	s13 =	simm.s32 @!p0 $0x440;
	s14 =	simm.s32 @!p0 $0xFC00;
	[sflag:s11] =	ssyncadd.s32 $0xFFFFE000  }
0x7b: {  	[tilespmem:s14], [sflag:$0x8] =	stream.indirect.gather @!p0 [hbm4b:s1+s12], $0x80, s13, s12, $0xb8;
	[tilespmem:$0x15C00] =	vst v63  }
0x7c: {  	s16 =	simm.s32 $0x1400;
	s18 =	sadd.s32 $0x40400, s18;
	_ =	swait.ge [sflag:s2], $0x2000  }
0x7d: {  	s14 =	simm.s32 $0xA00;
	s13 =	sadd.s32 $0x50000, s20;
	[sflag:s2] =	ssyncset.done $0x0  }
.LBB2_2:
0x7e: {  	s20 =	simm.s32 @!p1 $0x13;
	[sflag:s2] =	ssyncadd.s32 $0xFFFFE000;
	s28 =	simm.s32 $0x13C00  }
0x7f: {  	[hbm4b:s18+s4] =	stream.linear.scatter [tilespmem:s28], [sflag:$0x14], $0x2000, $0x38;
	[tilespmem:$0x15C00] =	vst v63  }
0x80: {  	s22 =	sshra.s32 s14, $0x2;
	_ =	swait.ge @!p1 [sflag:s20], $0x2000  }
0x81: {  	s24 =	simm.s32 $0x40;
	s0 =	simm.s32 $0x11C00;
	[sflag:s20] =	ssyncset.done @!p1 $0x0  }
0x82: {  	s30 =	simm.s32 $0x1;
	s29 =	sadd.s32 $0x200, s22;
	[sflag:s20] =	ssyncadd.s32 @!p1 $0xFFFFE000  }
0x83: {  	[tilespmem:s0], [sflag:$0x9] =	stream.indirect.gather [hbm4b:s1+s24], $0x80, s29, s24, $0xb8;
	[tilespmem:$0x15C00] =	vst v63  }
0x84: {  	_ =	swait.ge [sflag:s30], $0x2000  }
0x85: {  	s26 =	simm.s32 $0x1C00;
	s31 =	rddreg [dreg:$0x4];
	[sflag:s30] =	ssyncset.done $0x0  }
0x86: {  	s20 =	simm.s32 @!p1 $0x14;
	[sflag:s30] =	ssyncadd.s32 $0xFFFFE000;
	s18 =	sadd.s32 s13, s31  }
0x87: {  	[hbm4b:s18+s4] =	stream.linear.scatter [tilespmem:s26], [sflag:$0xB], $0x2000, $0x38;
	[tilespmem:$0x15C00] =	vst v63  }
0x88: {  	_ =	swait.ge @!p1 [sflag:s20], $0x2000  }
0x89: {  	[sflag:s20] =	ssyncset.done @!p1 $0x0  }
0x8a: {  	s22 =	sadd.s32 $0x240, s22;
	[sflag:s20] =	ssyncadd.s32 @!p1 $0xFFFFE000  }
0x8b: {  	[tilespmem:s28], [sflag:$0xA] =	stream.indirect.gather [hbm4b:s1+s24], $0x80, s22, s24, $0xb8;
	[tilespmem:$0x15C00] =	vst v63  }
0x8c: {  	s24 =	simm.s32 $0x2  }
0x8d: {  	_ =	swait.ge [sflag:s24], $0x2000  }
0x8e: {  	s29 =	simm.s32 $0xB;
	s26 =	rddreg [dreg:$0x8];
	[sflag:s24] =	ssyncset.done $0x0  }
0x8f: {  	s28 =	simm.s32 $0x3C00;
	[sflag:s24] =	ssyncadd.s32 $0xFFFFE000;
	s20 =	sadd.s32 s13, s26  }
0x90: {  	[hbm4b:s20+s4] =	stream.linear.scatter [tilespmem:s28], [sflag:$0xC], $0x2000, $0x38;
	[tilespmem:$0x15C00] =	vst v63  }
0x91: {  	p1 =	seq.s32 s14, $0x5A00;
	_ =	swait.ge [sflag:s29], $0x2000  }
0x92: {  	s14 =	sshra.s32 @!p1 s14, $0x2;
	s22 =	simm.s32 @!p1 $0x1C00;
	[sflag:s29] =	ssyncset.done $0x0  }
0x93: {  	s24 =	sadd.s32 @!p1 $0x280, s14;
	s20 =	simm.s32 @!p1 $0x40;
	[sflag:s29] =	ssyncadd.s32 $0xFFFFE000  }
0x94: {  	[tilespmem:s22], [sflag:$0x1] =	stream.indirect.gather @!p1 [hbm4b:s1+s20], $0x80, s24, s20, $0xb8;
	[tilespmem:$0x15C00] =	vst v63  }
0x95: {  	s12 =	smov.u32 s16;
	s30 =	sadd.s32 @!p1 $0x2C0, s14;
	_ =	swait.ge [sflag:s3], $0x2000  }
0x96: {  	s31 =	sadd.s32 @!p1 $0x340, s14;
	s26 =	sadd.s32 @!p1 $0x3C0, s14;
	[sflag:s3] =	ssyncset.done $0x0  }
0x97: {  	s22 =	sadd.s32 $0x10000, s18;
	s24 =	simm.s32 $0x5C00;
	[sflag:s3] =	ssyncadd.s32 $0xFFFFE000  }
0x98: {  	[hbm4b:s22+s4] =	stream.linear.scatter [tilespmem:s24], [sflag:$0xD], $0x2000, $0x38;
	[tilespmem:$0x15C00] =	vst v63  }
0x99: {  	s28 =	sadd.s32 @!p1 $0x380, s14;
	s29 =	sadd.s32 @!p1 $0x300, s14;
	_ =	swait.ge [sflag:s8], $0x2000  }
0x9a: {  	s24 =	sadd.s32 @!p1 $0x400, s14;
	s22 =	sadd.s32 @!p1 $0x440, s14;
	[sflag:s8] =	ssyncset.done $0x0  }
0x9b: {  	s14 =	smov.u32 s12;
	s12 =	simm.s32 @!p1 $0x3C00;
	[sflag:s8] =	ssyncadd.s32 $0xFFFFE000  }
0x9c: {  	[tilespmem:s12], [sflag:$0x2] =	stream.indirect.gather @!p1 [hbm4b:s1+s20], $0x80, s30, s20, $0xb8;
	[tilespmem:$0x15C00] =	vst v63  }
0x9d: {  	_ =	swait.ge [sflag:s9], $0x2000  }
0x9e: {  	s30 =	rddreg [dreg:$0x7];
	[sflag:s9] =	ssyncset.done $0x0  }
0x9f: {  	[sflag:s9] =	ssyncadd.s32 $0xFFFFE000;
	s12 =	sadd.s32 s13, s30;
	s30 =	simm.s32 $0x7C00  }
0xa0: {  	[hbm4b:s12+s4] =	stream.linear.scatter [tilespmem:s30], [sflag:$0xE], $0x2000, $0x38;
	[tilespmem:$0x15C00] =	vst v63  }
0xa1: {  	_ =	swait.ge [sflag:s10], $0x2000  }
0xa2: {  	[sflag:s10] =	ssyncset.done $0x0  }
0xa3: {  	s12 =	simm.s32 @!p1 $0x5C00;
	[sflag:s10] =	ssyncadd.s32 $0xFFFFE000  }
0xa4: {  	[tilespmem:s12], [sflag:$0x3] =	stream.indirect.gather @!p1 [hbm4b:s1+s20], $0x80, s29, s20, $0xb8;
	[tilespmem:$0x15C00] =	vst v63  }
0xa5: {  	_ =	swait.ge [sflag:s15], $0x2000  }
0xa6: {  	[sflag:s15] =	ssyncset.done $0x0  }
0xa7: {  	s30 =	simm.s32 $0x9C00;
	s12 =	sadd.s32 $0x20000, s18;
	[sflag:s15] =	ssyncadd.s32 $0xFFFFE000  }
0xa8: {  	[hbm4b:s12+s4] =	stream.linear.scatter [tilespmem:s30], [sflag:$0xF], $0x2000, $0x38;
	[tilespmem:$0x15C00] =	vst v63  }
0xa9: {  	_ =	swait.ge [sflag:s17], $0x2000  }
0xaa: {  	[sflag:s17] =	ssyncset.done $0x0  }
0xab: {  	s12 =	simm.s32 @!p1 $0x7C00;
	[sflag:s17] =	ssyncadd.s32 $0xFFFFE000  }
0xac: {  	[tilespmem:s12], [sflag:$0x4] =	stream.indirect.gather @!p1 [hbm4b:s1+s20], $0x80, s31, s20, $0xb8;
	[tilespmem:$0x15C00] =	vst v63  }
0xad: {  	_ =	swait.ge [sflag:s19], $0x2000  }
0xae: {  	s30 =	rddreg [dreg:$0x6];
	[sflag:s19] =	ssyncset.done $0x0  }
0xaf: {  	s31 =	simm.s32 $0xBC00;
	[sflag:s19] =	ssyncadd.s32 $0xFFFFE000;
	s12 =	sadd.s32 s13, s30  }
0xb0: {  	[hbm4b:s12+s4] =	stream.linear.scatter [tilespmem:s31], [sflag:$0x10], $0x2000, $0x38;
	[tilespmem:$0x15C00] =	vst v63  }
0xb1: {  	_ =	swait.ge [sflag:s21], $0x2000  }
0xb2: {  	[sflag:s21] =	ssyncset.done $0x0  }
0xb3: {  	s12 =	simm.s32 @!p1 $0x9C00;
	[sflag:s21] =	ssyncadd.s32 $0xFFFFE000  }
0xb4: {  	[tilespmem:s12], [sflag:$0x5] =	stream.indirect.gather @!p1 [hbm4b:s1+s20], $0x80, s28, s20, $0xb8;
	[tilespmem:$0x15C00] =	vst v63  }
0xb5: {  	_ =	swait.ge [sflag:s23], $0x2000  }
0xb6: {  	[sflag:s23] =	ssyncset.done $0x0  }
0xb7: {  	s30 =	sadd.s32 $0x30000, s18;
	s31 =	simm.s32 $0xDC00;
	[sflag:s23] =	ssyncadd.s32 $0xFFFFE000  }
0xb8: {  	[hbm4b:s30+s4] =	stream.linear.scatter [tilespmem:s31], [sflag:$0x11], $0x2000, $0x38;
	[tilespmem:$0x15C00] =	vst v63  }
0xb9: {  	_ =	swait.ge [sflag:s25], $0x2000  }
0xba: {  	[sflag:s25] =	ssyncset.done $0x0  }
0xbb: {  	s12 =	simm.s32 @!p1 $0xBC00;
	[sflag:s25] =	ssyncadd.s32 $0xFFFFE000  }
0xbc: {  	[tilespmem:s12], [sflag:$0x6] =	stream.indirect.gather @!p1 [hbm4b:s1+s20], $0x80, s26, s20, $0xb8;
	[tilespmem:$0x15C00] =	vst v63  }
0xbd: {  	_ =	swait.ge [sflag:s6], $0x2000  }
0xbe: {  	s29 =	rddreg [dreg:$0x5];
	[sflag:s6] =	ssyncset.done $0x0  }
0xbf: {  	s30 =	simm.s32 $0xFC00;
	[sflag:s6] =	ssyncadd.s32 $0xFFFFE000;
	s12 =	sadd.s32 s13, s29  }
0xc0: {  	[hbm4b:s12+s4] =	stream.linear.scatter [tilespmem:s30], [sflag:$0x12], $0x2000, $0x38;
	[tilespmem:$0x15C00] =	vst v63  }
0xc1: {  	_ =	swait.ge [sflag:s7], $0x2000  }
0xc2: {  	[sflag:s7] =	ssyncset.done $0x0  }
0xc3: {  	s12 =	simm.s32 @!p1 $0xDC00;
	[sflag:s7] =	ssyncadd.s32 $0xFFFFE000  }
0xc4: {  	[tilespmem:s12], [sflag:$0x7] =	stream.indirect.gather @!p1 [hbm4b:s1+s20], $0x80, s24, s20, $0xb8;
	[tilespmem:$0x15C00] =	vst v63  }
0xc5: {  	_ =	swait.ge [sflag:s5], $0x2000  }
0xc6: {  	[sflag:s5] =	ssyncset.done $0x0  }
0xc7: {  	s16 =	sadd.s32 $0xA00, s16;
	s31 =	sadd.s32 $0x40000, s18;
	[sflag:s5] =	ssyncadd.s32 $0xFFFFE000  }
0xc8: {  	[hbm4b:s31+s4] =	stream.linear.scatter [tilespmem:s0], [sflag:$0x13], $0x2000, $0x38;
	[tilespmem:$0x15C00] =	vst v63  }
0xc9: {  	p0 =	sne.s32 s16, $0x6400;
	_ =	swait.ge [sflag:s11], $0x2000  }
.Ltmp0:
0xca: {  	[sflag:s11] =	ssyncset.done $0x0;
	(pc) =	sbr.rel @p0 .LBB2_2-.Ltmp0, $4  }
0xcb: {  	s12 =	simm.s32 @!p1 $0xFC00;
	[sflag:s11] =	ssyncadd.s32 $0xFFFFE000  }
0xcc: {  	[tilespmem:s12], [sflag:$0x8] =	stream.indirect.gather @!p1 [hbm4b:s1+s20], $0x80, s22, s20, $0xb8;
	[tilespmem:$0x15C00] =	vst v63  }
0xcd: {  	s18 =	sadd.s32 $0x40400, s18;
	_ =	swait.ge [sflag:s2], $0x2000  }
0xce: {  	s13 =	sadd.s32 $0x50000, s13;
	p1 =	seq.s32 s14, $0x0;
	[sflag:s2] =	ssyncset.done $0x0  }
0xcf: {  	s12 =	simm.s32 @!p1 $0x13;
	[sflag:s2] =	ssyncadd.s32 $0xFFFFE000;
	s24 =	simm.s32 $0x13C00  }
0xd0: {  	[hbm4b:s18+s4] =	stream.linear.scatter [tilespmem:s24], [sflag:$0x14], $0x2000, $0x38;
	[tilespmem:$0x15C00] =	vst v63  }
0xd1: {  	s28 =	sshra.s32 s14, $0x2;
	_ =	swait.ge @!p1 [sflag:s12], $0x2000  }
0xd2: {  	s20 =	simm.s32 $0x40;
	s0 =	simm.s32 $0x11C00;
	[sflag:s12] =	ssyncset.done @!p1 $0x0  }
0xd3: {  	s16 =	simm.s32 $0x1;
	s29 =	sadd.s32 $0x200, s28;
	[sflag:s12] =	ssyncadd.s32 @!p1 $0xFFFFE000  }
0xd4: {  	[tilespmem:s0], [sflag:$0x9] =	stream.indirect.gather [hbm4b:s1+s20], $0x80, s29, s20, $0xb8;
	[tilespmem:$0x15C00] =	vst v63  }
0xd5: {  	_ =	swait.ge [sflag:s16], $0x2000  }
0xd6: {  	s22 =	simm.s32 $0x1C00;
	s30 =	rddreg [dreg:$0x4];
	[sflag:s16] =	ssyncset.done $0x0  }
0xd7: {  	s12 =	simm.s32 @!p1 $0x14;
	[sflag:s16] =	ssyncadd.s32 $0xFFFFE000;
	s16 =	sadd.s32 s13, s30  }
0xd8: {  	[hbm4b:s16+s4] =	stream.linear.scatter [tilespmem:s22], [sflag:$0xB], $0x2000, $0x38;
	[tilespmem:$0x15C00] =	vst v63  }
0xd9: {  	_ =	swait.ge @!p1 [sflag:s12], $0x2000  }
0xda: {  	[sflag:s12] =	ssyncset.done @!p1 $0x0  }
0xdb: {  	s18 =	sadd.s32 $0x240, s28;
	[sflag:s12] =	ssyncadd.s32 @!p1 $0xFFFFE000  }
0xdc: {  	[tilespmem:s24], [sflag:$0xA] =	stream.indirect.gather [hbm4b:s1+s20], $0x80, s18, s20, $0xb8;
	[tilespmem:$0x15C00] =	vst v63  }
0xdd: {  	s20 =	simm.s32 $0x2  }
0xde: {  	_ =	swait.ge [sflag:s20], $0x2000  }
0xdf: {  	s26 =	simm.s32 $0x3C00;
	s22 =	rddreg [dreg:$0x8];
	[sflag:s20] =	ssyncset.done $0x0  }
0xe0: {  	s28 =	simm.s32 $0xB;
	[sflag:s20] =	ssyncadd.s32 $0xFFFFE000;
	s12 =	sadd.s32 s13, s22  }
0xe1: {  	[hbm4b:s12+s4] =	stream.linear.scatter [tilespmem:s26], [sflag:$0xC], $0x2000, $0x38;
	[tilespmem:$0x15C00] =	vst v63  }
0xe2: {  	p0 =	seq.s32 s14, $0x5A00;
	_ =	swait.ge [sflag:s28], $0x2000  }
0xe3: {  	s18 =	simm.s32 @!p0 $0x1C00;
	s12 =	sshra.s32 @!p0 s14, $0x2;
	[sflag:s28] =	ssyncset.done $0x0  }
0xe4: {  	s14 =	simm.s32 @!p0 $0x40;
	s20 =	sadd.s32 @!p0 $0x280, s12;
	[sflag:s28] =	ssyncadd.s32 $0xFFFFE000  }
0xe5: {  	[tilespmem:s18], [sflag:$0x1] =	stream.indirect.gather @!p0 [hbm4b:s1+s14], $0x80, s20, s14, $0xb8;
	[tilespmem:$0x15C00] =	vst v63  }
0xe6: {  	_ =	swait.ge [sflag:s3], $0x2000  }
0xe7: {  	[sflag:s3] =	ssyncset.done $0x0  }
0xe8: {  	s30 =	simm.s32 $0x5C00;
	s29 =	sadd.s32 $0x10000, s16;
	[sflag:s3] =	ssyncadd.s32 $0xFFFFE000  }
0xe9: {  	[hbm4b:s29+s4] =	stream.linear.scatter [tilespmem:s30], [sflag:$0xD], $0x2000, $0x38;
	[tilespmem:$0x15C00] =	vst v63  }
0xea: {  	_ =	swait.ge [sflag:s8], $0x2000  }
0xeb: {  	[sflag:s8] =	ssyncset.done $0x0  }
0xec: {  	s18 =	sadd.s32 @!p0 $0x2C0, s12;
	s20 =	simm.s32 @!p0 $0x3C00;
	[sflag:s8] =	ssyncadd.s32 $0xFFFFE000  }
0xed: {  	[tilespmem:s20], [sflag:$0x2] =	stream.indirect.gather @!p0 [hbm4b:s1+s14], $0x80, s18, s14, $0xb8;
	[tilespmem:$0x15C00] =	vst v63  }
0xee: {  	_ =	swait.ge [sflag:s9], $0x2000  }
0xef: {  	s20 =	rddreg [dreg:$0x7];
	[sflag:s9] =	ssyncset.done $0x0  }
0xf0: {  	s22 =	simm.s32 $0x7C00;
	[sflag:s9] =	ssyncadd.s32 $0xFFFFE000;
	s18 =	sadd.s32 s13, s20  }
0xf1: {  	[hbm4b:s18+s4] =	stream.linear.scatter [tilespmem:s22], [sflag:$0xE], $0x2000, $0x38;
	[tilespmem:$0x15C00] =	vst v63  }
0xf2: {  	_ =	swait.ge [sflag:s10], $0x2000  }
0xf3: {  	[sflag:s10] =	ssyncset.done $0x0  }
0xf4: {  	s20 =	simm.s32 @!p0 $0x5C00;
	s18 =	sadd.s32 @!p0 $0x300, s12;
	[sflag:s10] =	ssyncadd.s32 $0xFFFFE000  }
0xf5: {  	[tilespmem:s20], [sflag:$0x3] =	stream.indirect.gather @!p0 [hbm4b:s1+s14], $0x80, s18, s14, $0xb8;
	[tilespmem:$0x15C00] =	vst v63  }
0xf6: {  	_ =	swait.ge [sflag:s15], $0x2000  }
0xf7: {  	[sflag:s15] =	ssyncset.done $0x0  }
0xf8: {  	s26 =	sadd.s32 $0x20000, s16;
	s28 =	simm.s32 $0x9C00;
	[sflag:s15] =	ssyncadd.s32 $0xFFFFE000  }
0xf9: {  	[hbm4b:s26+s4] =	stream.linear.scatter [tilespmem:s28], [sflag:$0xF], $0x2000, $0x38;
	[tilespmem:$0x15C00] =	vst v63  }
0xfa: {  	_ =	swait.ge [sflag:s17], $0x2000  }
0xfb: {  	[sflag:s17] =	ssyncset.done $0x0  }
0xfc: {  	s18 =	sadd.s32 @!p0 $0x340, s12;
	s20 =	simm.s32 @!p0 $0x7C00;
	[sflag:s17] =	ssyncadd.s32 $0xFFFFE000  }
0xfd: {  	[tilespmem:s20], [sflag:$0x4] =	stream.indirect.gather @!p0 [hbm4b:s1+s14], $0x80, s18, s14, $0xb8;
	[tilespmem:$0x15C00] =	vst v63  }
0xfe: {  	_ =	swait.ge [sflag:s19], $0x2000  }
0xff: {  	s29 =	rddreg [dreg:$0x6];
	[sflag:s19] =	ssyncset.done $0x0  }
0x100: {  	s30 =	simm.s32 $0xBC00;
	[sflag:s19] =	ssyncadd.s32 $0xFFFFE000;
	s18 =	sadd.s32 s13, s29  }
0x101: {  	[hbm4b:s18+s4] =	stream.linear.scatter [tilespmem:s30], [sflag:$0x10], $0x2000, $0x38;
	[tilespmem:$0x15C00] =	vst v63  }
0x102: {  	_ =	swait.ge [sflag:s21], $0x2000  }
0x103: {  	[sflag:s21] =	ssyncset.done $0x0  }
0x104: {  	s20 =	simm.s32 @!p0 $0x9C00;
	s18 =	sadd.s32 @!p0 $0x380, s12;
	[sflag:s21] =	ssyncadd.s32 $0xFFFFE000  }
0x105: {  	[tilespmem:s20], [sflag:$0x5] =	stream.indirect.gather @!p0 [hbm4b:s1+s14], $0x80, s18, s14, $0xb8;
	[tilespmem:$0x15C00] =	vst v63  }
0x106: {  	_ =	swait.ge [sflag:s23], $0x2000  }
0x107: {  	[sflag:s23] =	ssyncset.done $0x0  }
0x108: {  	s22 =	sadd.s32 $0x30000, s16;
	s26 =	simm.s32 $0xDC00;
	[sflag:s23] =	ssyncadd.s32 $0xFFFFE000  }
0x109: {  	[hbm4b:s22+s4] =	stream.linear.scatter [tilespmem:s26], [sflag:$0x11], $0x2000, $0x38;
	[tilespmem:$0x15C00] =	vst v63  }
0x10a: {  	_ =	swait.ge [sflag:s25], $0x2000  }
0x10b: {  	[sflag:s25] =	ssyncset.done $0x0  }
0x10c: {  	s18 =	sadd.s32 @!p0 $0x3C0, s12;
	s20 =	simm.s32 @!p0 $0xBC00;
	[sflag:s25] =	ssyncadd.s32 $0xFFFFE000  }
0x10d: {  	[tilespmem:s20], [sflag:$0x6] =	stream.indirect.gather @!p0 [hbm4b:s1+s14], $0x80, s18, s14, $0xb8;
	[tilespmem:$0x15C00] =	vst v63  }
0x10e: {  	_ =	swait.ge [sflag:s6], $0x2000  }
0x10f: {  	s28 =	rddreg [dreg:$0x5];
	[sflag:s6] =	ssyncset.done $0x0  }
0x110: {  	s30 =	simm.s32 $0xFC00;
	[sflag:s6] =	ssyncadd.s32 $0xFFFFE000;
	s29 =	sadd.s32 s13, s28  }
0x111: {  	[hbm4b:s29+s4] =	stream.linear.scatter [tilespmem:s30], [sflag:$0x12], $0x2000, $0x38;
	[tilespmem:$0x15C00] =	vst v63  }
0x112: {  	_ =	swait.ge [sflag:s7], $0x2000  }
0x113: {  	[sflag:s7] =	ssyncset.done $0x0  }
0x114: {  	s18 =	simm.s32 @!p0 $0xDC00;
	s13 =	sadd.s32 @!p0 $0x400, s12;
	[sflag:s7] =	ssyncadd.s32 $0xFFFFE000  }
0x115: {  	[tilespmem:s18], [sflag:$0x7] =	stream.indirect.gather @!p0 [hbm4b:s1+s14], $0x80, s13, s14, $0xb8;
	[tilespmem:$0x15C00] =	vst v63  }
0x116: {  	_ =	swait.ge [sflag:s5], $0x2000  }
0x117: {  	[sflag:s5] =	ssyncset.done $0x0  }
0x118: {  	s20 =	sadd.s32 $0x40000, s16;
	[sflag:s5] =	ssyncadd.s32 $0xFFFFE000  }
0x119: {  	[hbm4b:s20+s4] =	stream.linear.scatter [tilespmem:s0], [sflag:$0x13], $0x2000, $0x38;
	[tilespmem:$0x15C00] =	vst v63  }
0x11a: {  	_ =	swait.ge [sflag:s11], $0x2000  }
0x11b: {  	[sflag:s11] =	ssyncset.done $0x0  }
0x11c: {  	s12 =	sadd.s32 @!p0 $0x440, s12;
	s13 =	simm.s32 @!p0 $0xFC00;
	[sflag:s11] =	ssyncadd.s32 $0xFFFFE000  }
0x11d: {  	[tilespmem:s13], [sflag:$0x8] =	stream.indirect.gather @!p0 [hbm4b:s1+s14], $0x80, s12, s14, $0xb8;
	[tilespmem:$0x15C00] =	vst v63  }
0x11e: {  	_ =	swait.ge [sflag:s2], $0x2000  }
0x11f: {  	[sflag:s2] =	ssyncset.done $0x0  }
0x120: {  	s22 =	sadd.s32 $0x40400, s16;
	s26 =	simm.s32 $0x13;
	[sflag:s2] =	ssyncadd.s32 $0xFFFFE000  }
0x121: {  	[hbm4b:s22+s4] =	stream.linear.scatter [tilespmem:s24], [sflag:$0x14], $0x2000, $0x38;
	[tilespmem:$0x15C00] =	vst v63  }
0x122: {  	_ =	swait.ge [sflag:s26], $0x2000  }
0x123: {  	[sflag:s26] =	ssyncset.done $0x0  }
0x124: {  	s28 =	simm.s32 $0x14;
	[sflag:s26] =	ssyncadd.s32 $0xFFFFE000  }
0x125: {  	_ =	swait.ge [sflag:s28], $0x2000  }
0x126: {  	s29 =	rddreg [dreg:$0xc]  }
0x127: {  	s30 =	rddreg [dreg:$0xb];
	s13 =	sadd.s32 $0x1, s29  }
0x128: {  	p0 =	sne.s32 s13, s30  }
.Ltmp1:
0x129: {  	_ = 	snop;
	(pc) =	sbr.rel @p0 .LBB2_1-.Ltmp1, $3  }
0x12a: {  	_ =	sdelay $0x1  }
0x12b: {  	[sflag:s28] =	ssyncset.done $0x0  }
0x12c: {  	s31 =	simm.s32 $0x13C00;
	[sflag:s28] =	ssyncadd.s32 $0xFFFFE000  }
0x12d: {  	_ =	sfence.sel $0x180000  }
0x12e: {  	[bflag:$0x0] =	sbarrier.arrive $0xFFFF  }
0x12f: {  	_ =	strace $0x90000047  }
0x130: {  	s0 =	stileid.u32;
	[bflag:$0x2] =	sbarrier.arrive $0xFFFF  }
0x131: {  	p0 =	sne.s32 s0, $0x0;
	s0 =	rddreg [dreg:$0x3]  }
0x132: {  	s0 =	sadd.s32 @!p0 $0x100000, s0  }
0x133: {  	[sflag:s0] =	ssyncadd.tile.s32 @!p0 $0x1;
	_ =	shalt  }
.Lfunc_end2:
_tile_overlayer_lowered:
.L_overlay_start_2:
0x134: {  	(tag) =	ssettag $0x2  }
0x135: {  	s0 =	rddreg [dreg:$0x0];
	s2 =	stileid.u32  }
0x136: {  	s1 =	rddreg [dreg:$0x1];
	p0 =	sne.s32 s2, $0x0  }
0x137: {  	s3 =	rddreg [dreg:$0x2];
	[bflag:$0x3] =	sbarrier.arrive $0xFFFF;
	s2 =	simm.s32 @!p0 $0x1C15  }
0x138: {  	[timem:s3], [sflag:s2] =	dma.local @!p0 [hbm:s0], s1  }
0x139: {  	s0 =	simm.s32 @!p0 $0x15  }
0x13a: {  	_ =	swait.ge @!p0 [sflag:s0], s1  }
0x13b: {  	s1 =	ssub.s32 @!p0 $0x0, s1;
	[sflag:s0] =	ssyncset.done @!p0 $0x0  }
0x13c: {  	[sflag:s0] =	ssyncadd.s32 @!p0 s1  }
0x13d: {  	[bflag:$0x3] =	sbarrier.arrive $0xFFFF  }
0x13e: {  	_ =	shalt  }

</sc_bundles>
